<compile_context>
chip_gen: v7x
topology: tpu7x:2x2x1
jax: 0.10.2.dev20260603
libtpu: 0.0.44.dev20260713+nightly
codegen_flags: <defaults>
</compile_context>

<pallas_src>
import functools

import jax
import jax.numpy as jnp
from jax import lax
from jax.experimental import pallas as pl
from jax.experimental.pallas import tpu as pltpu
from jax.experimental.pallas import tpu_sc as plsc

R = 16384
D = 1024
BR = 1024
NSTEP = R // BR
K = R // 2

NT = 16
VPT = R // NT
NCH = VPT // 16
ITERS = 32


def _rowsum_body(pred_ref, target_ref, out_ref):
    i = pl.program_id(0)
    a = pred_ref[...]
    b = target_ref[...]
    row = jnp.sum(jnp.abs(a - b), axis=1)
    out_ref[pl.ds(i, 1), :] = row.reshape(1, BR)


def _rowsums(pred, target):
    return pl.pallas_call(
        _rowsum_body,
        grid=(NSTEP,),
        in_specs=[
            pl.BlockSpec((BR, D), lambda i: (i, 0)),
            pl.BlockSpec((BR, D), lambda i: (i, 0)),
        ],
        out_specs=pl.BlockSpec((NSTEP, BR), lambda i: (0, 0)),
        out_shape=jax.ShapeDtypeStruct((NSTEP, BR), jnp.float32),
    )(pred, target)


def _sc_body(rows_hbm, out_hbm, vals, xiv, stage, stagef, allc, allc2,
             sh_cnt):
    cid = lax.axis_index("c")
    sid = lax.axis_index("s")

    ones_i = jnp.ones((16,), jnp.int32)
    zeros_i = jnp.zeros((16,), jnp.int32)
    zeros_f = jnp.zeros((16,), jnp.float32)

    @pl.when(cid == 0)
    def _work():
        pltpu.sync_copy(rows_hbm.at[pl.ds(sid * VPT, VPT)], vals)
        for j in range(NCH):
            xiv[pl.ds(j * 16, 16)] = plsc.bitcast(
                vals[pl.ds(j * 16, 16)], jnp.int32)

        def bis(i, carry):
            lo, hi = carry
            mid = lo + ((hi - lo + jnp.int32(1)) >> 1)
            midv = jnp.broadcast_to(mid, (16,))
            cnt = zeros_i
            for j in range(NCH):
                cnt = cnt + jnp.where(
                    xiv[pl.ds(j * 16, 16)] >= midv, ones_i, zeros_i)
            stage[...] = cnt
            pltpu.sync_copy(stage, sh_cnt.at[i, sid])
            plsc.subcore_barrier()
            pltpu.sync_copy(sh_cnt.at[i], allc)
            tot = zeros_i
            for r in range(NT):
                tot = tot + allc[r]
            tot_s = jnp.sum(tot)
            take = tot_s >= K
            return (jnp.where(take, mid, lo),
                    jnp.where(take, hi, mid - jnp.int32(1)))

        lo, _ = lax.fori_loop(0, ITERS, bis,
                              (jnp.int32(0), jnp.int32(0x7F800000)))

        vf = plsc.bitcast(jnp.broadcast_to(lo, (16,)), jnp.float32)
        cg = zeros_i
        sg = zeros_f
        for j in range(NCH):
            xj = vals[pl.ds(j * 16, 16)]
            m = xj > vf
            cg = cg + jnp.where(m, ones_i, zeros_i)
            sg = sg + jnp.where(m, xj, zeros_f)
        stage[...] = cg
        pltpu.sync_copy(stage, sh_cnt.at[ITERS, sid])
        stage[...] = plsc.bitcast(sg, jnp.int32)
        pltpu.sync_copy(stage, sh_cnt.at[ITERS + 1, sid])
        plsc.subcore_barrier()

        pltpu.sync_copy(sh_cnt.at[pl.ds(ITERS, 2)], allc2)
        cnti = zeros_i
        totf = zeros_f
        for r in range(NT):
            cnti = cnti + allc2[0, r]
            totf = totf + plsc.bitcast(allc2[1, r], jnp.float32)
        kv = jnp.full((16,), float(K), jnp.float32)
        cnt_v = jnp.broadcast_to(jnp.sum(cnti).astype(jnp.float32), (16,))
        sum_v = jnp.broadcast_to(jnp.sum(totf), (16,))
        resv = (sum_v + (kv - cnt_v) * vf) / kv

        @pl.when(sid == 0)
        def _fin():
            stagef[...] = resv
            pltpu.sync_copy(stagef, out_hbm)


def _topk_mean_sc(rows_flat):
    mesh = plsc.VectorSubcoreMesh(
        core_axis_name="c", subcore_axis_name="s",
        num_cores=2, num_subcores=16)
    fn = pl.kernel(
        _sc_body,
        out_type=jax.ShapeDtypeStruct((16,), jnp.float32),
        mesh=mesh,
        compiler_params=pltpu.CompilerParams(needs_layout_passes=False),
        scratch_types=[
            pltpu.VMEM((VPT,), jnp.float32),
            pltpu.VMEM((VPT,), jnp.int32),
            pltpu.VMEM((16,), jnp.int32),
            pltpu.VMEM((16,), jnp.float32),
            pltpu.VMEM((NT, 16), jnp.int32),
            pltpu.VMEM((2, NT, 16), jnp.int32),
            pltpu.VMEM_SHARED((ITERS + 2, NT, 16), jnp.int32),
        ],
    )
    return fn(rows_flat)


def kernel(pred, target):
    p = pred.reshape(R, D)
    t = target.reshape(R, D)
    rows = _rowsums(p, t)
    out = _topk_mean_sc(rows.reshape(R))
    return out[0]

# --- scband reference (transcript-rebuilt; emitter-appended) ---
"""Pipeline reference for scband-top-kl1-loss-31593779429489 (READ-ONLY COPY).

The authoritative reference and input builder live on the scoring server;
editing this copy changes nothing except your own understanding.
"""

import jax, jax.numpy as jnp
import numpy as np

TOP_K_RATIO = 0.5

def setup_inputs(seed: int = 0) -> dict:
    key = jax.random.key(seed)
    k1, k2 = jax.random.split(key)
    pred = jax.random.normal(k1, (4, 4096, 1024), dtype=jnp.float32)
    target = jax.random.normal(k2, (4, 4096, 1024), dtype=jnp.float32)
    return {"pred": pred, "target": target}

def reference(pred, target):
    # point_wise_loss = sum(|pred - target|, dim=2)
    point_wise_loss = jnp.sum(jnp.abs(pred - target), axis=2)
    loss_flat = point_wise_loss.reshape(-1)
    k = int(loss_flat.shape[0] * TOP_K_RATIO)
    if k < 1:
        k = 1
    top_k_loss, _ = jax.lax.top_k(loss_flat, k)
    return jnp.mean(top_k_loss)

if __name__ == "__main__":
    import jax
    _d = setup_inputs()
    print(jax.jit(kernel)(*tuple(_d.values())))

</pallas_src>

<mosaic_0001>
#map = affine_map<(d0, d1) -> (0)>
module attributes {stable_mosaic.version = 14 : i64} {
  func.func @_sc_body(%arg0: i32, %arg1: i32, %arg2: memref<16384xf32, #tpu.memory_space<hbm>>, %arg3: memref<16xf32, #tpu.memory_space<hbm>>, %arg4: memref<1024xf32, #tpu.memory_space<vmem>>, %arg5: memref<1024xi32, #tpu.memory_space<vmem>>, %arg6: memref<16xi32, #tpu.memory_space<vmem>>, %arg7: memref<16xf32, #tpu.memory_space<vmem>>, %arg8: memref<16x16xi32, #tpu.memory_space<vmem>>, %arg9: memref<2x16x16xi32, #tpu.memory_space<vmem>>, %arg10: memref<34x16x16xi32, #tpu.memory_space<vmem_shared>>) attributes {dimension_semantics = [#tpu.dimension_semantics<core_parallel>, #tpu.dimension_semantics<subcore_parallel>], iteration_bounds = array<i64: 2, 16>, scalar_prefetch = 0 : i64, scratch_operands = 7 : i64, tpu.core_type = #tpu.core_type<sc_vector_subcore>, window_params = [{transform_indices = #map}, {transform_indices = #map}]} {
    %broadcast_in_dim3A = arith.constant 1 : i32
    %broadcast_in_dim3A_0 = vector.broadcast %broadcast_in_dim3A : i32 to vector<16xi32>
    %broadcast_in_dim3A_1 = arith.constant 0 : i32
    %broadcast_in_dim3A_2 = vector.broadcast %broadcast_in_dim3A_1 : i32 to vector<16xi32>
    %broadcast_in_dim3A_3 = arith.constant 0.000000e+00 : f32
    %broadcast_in_dim3A_4 = vector.broadcast %broadcast_in_dim3A_3 : f32 to vector<16xf32>
    %eq3A = arith.constant 0 : i32
    %eq3A_5 = arith.cmpi eq, %arg0, %eq3A : i32
    %convert_element_type3A = arith.extui %eq3A_5 : i1 to i32
    %cond3A = arith.constant 0 : i32
    %cond3A_6 = arith.cmpi ne, %convert_element_type3A, %cond3A : i32
    scf.if %cond3A_6 {
      %mul3A = arith.constant 1024 : i32
      %mul3A_7 = arith.muli %arg1, %mul3A : i32
      "tpu.region"() ({
        %run_scoped3A_1044 = tpu.sem_alloc : memref<!tpu.dma_semaphore, #tpu.memory_space<semaphore_mem>>
        %dma_start3A = tpu.memref_slice %arg2[%mul3A_7] : memref<16384xf32, #tpu.memory_space<hbm>> -> memref<1024xf32, #tpu.memory_space<hbm>>
        %dma_start3A_1045 = tpu.memref_slice %arg2[%mul3A_7] : memref<16384xf32, #tpu.memory_space<hbm>> -> memref<1024xf32, #tpu.memory_space<hbm>>
        tpu.enqueue_dma source(%dma_start3A_1045 : memref<1024xf32, #tpu.memory_space<hbm>>) target(%arg4 : memref<1024xf32, #tpu.memory_space<vmem>>) target_semaphore(%run_scoped3A_1044 : memref<!tpu.dma_semaphore, #tpu.memory_space<semaphore_mem>>)
        %dma_wait3A = tpu.memref_slice %arg2[%mul3A_7] : memref<16384xf32, #tpu.memory_space<hbm>> -> memref<1024xf32, #tpu.memory_space<hbm>>
        %dma_wait3A_1046 = tpu.memref_slice %arg2[%mul3A_7] : memref<16384xf32, #tpu.memory_space<hbm>> -> memref<1024xf32, #tpu.memory_space<hbm>>
        tpu.wait_dma2 semaphore(%run_scoped3A_1044 : memref<!tpu.dma_semaphore, #tpu.memory_space<semaphore_mem>>) src(%dma_wait3A_1046 : memref<1024xf32, #tpu.memory_space<hbm>>) dst(%arg4 : memref<1024xf32, #tpu.memory_space<vmem>>)
        tpu.yield
      }) : () -> ()
      %get3A = arith.constant 0 : index
      %get3A_8 = tpu.vector_load %arg4[%get3A] {strides = array<i32>} : memref<1024xf32, #tpu.memory_space<vmem>>, vector<16xf32>,
      %bitcast3A = vector.bitcast %get3A_8 : vector<16xf32> to vector<16xi32>
      %swap3A = arith.constant 0 : index
      %swap3A_9 = tpu.vector_load %arg5[%swap3A] {strides = array<i32>} : memref<1024xi32, #tpu.memory_space<vmem>>, vector<16xi32>,
      tpu.vector_store %arg5[%swap3A], %bitcast3A {strides = array<i32>} : memref<1024xi32, #tpu.memory_space<vmem>>, vector<16xi32>,
      %get3A_10 = arith.constant 16 : index
      %get3A_11 = tpu.vector_load %arg4[%get3A_10] {strides = array<i32>} : memref<1024xf32, #tpu.memory_space<vmem>>, vector<16xf32>,
      %bitcast3A_12 = vector.bitcast %get3A_11 : vector<16xf32> to vector<16xi32>
      %swap3A_13 = arith.constant 16 : index
      %swap3A_14 = tpu.vector_load %arg5[%swap3A_13] {strides = array<i32>} : memref<1024xi32, #tpu.memory_space<vmem>>, vector<16xi32>,
      tpu.vector_store %arg5[%swap3A_13], %bitcast3A_12 {strides = array<i32>} : memref<1024xi32, #tpu.memory_space<vmem>>, vector<16xi32>,
      %get3A_15 = arith.constant 32 : index
      %get3A_16 = tpu.vector_load %arg4[%get3A_15] {strides = array<i32>} : memref<1024xf32, #tpu.memory_space<vmem>>, vector<16xf32>,
      %bitcast3A_17 = vector.bitcast %get3A_16 : vector<16xf32> to vector<16xi32>
      %swap3A_18 = arith.constant 32 : index
      %swap3A_19 = tpu.vector_load %arg5[%swap3A_18] {strides = array<i32>} : memref<1024xi32, #tpu.memory_space<vmem>>, vector<16xi32>,
      tpu.vector_store %arg5[%swap3A_18], %bitcast3A_17 {strides = array<i32>} : memref<1024xi32, #tpu.memory_space<vmem>>, vector<16xi32>,
      %get3A_20 = arith.constant 48 : index
      %get3A_21 = tpu.vector_load %arg4[%get3A_20] {strides = array<i32>} : memref<1024xf32, #tpu.memory_space<vmem>>, vector<16xf32>,
      %bitcast3A_22 = vector.bitcast %get3A_21 : vector<16xf32> to vector<16xi32>
      %swap3A_23 = arith.constant 48 : index
      %swap3A_24 = tpu.vector_load %arg5[%swap3A_23] {strides = array<i32>} : memref<1024xi32, #tpu.memory_space<vmem>>, vector<16xi32>,
      tpu.vector_store %arg5[%swap3A_23], %bitcast3A_22 {strides = array<i32>} : memref<1024xi32, #tpu.memory_space<vmem>>, vector<16xi32>,
      %get3A_25 = arith.constant 64 : index
      %get3A_26 = tpu.vector_load %arg4[%get3A_25] {strides = array<i32>} : memref<1024xf32, #tpu.memory_space<vmem>>, vector<16xf32>,
      %bitcast3A_27 = vector.bitcast %get3A_26 : vector<16xf32> to vector<16xi32>
      %swap3A_28 = arith.constant 64 : index
      %swap3A_29 = tpu.vector_load %arg5[%swap3A_28] {strides = array<i32>} : memref<1024xi32, #tpu.memory_space<vmem>>, vector<16xi32>,
      tpu.vector_store %arg5[%swap3A_28], %bitcast3A_27 {strides = array<i32>} : memref<1024xi32, #tpu.memory_space<vmem>>, vector<16xi32>,
      %get3A_30 = arith.constant 80 : index
      %get3A_31 = tpu.vector_load %arg4[%get3A_30] {strides = array<i32>} : memref<1024xf32, #tpu.memory_space<vmem>>, vector<16xf32>,
      %bitcast3A_32 = vector.bitcast %get3A_31 : vector<16xf32> to vector<16xi32>
      %swap3A_33 = arith.constant 80 : index
      %swap3A_34 = tpu.vector_load %arg5[%swap3A_33] {strides = array<i32>} : memref<1024xi32, #tpu.memory_space<vmem>>, vector<16xi32>,
      tpu.vector_store %arg5[%swap3A_33], %bitcast3A_32 {strides = array<i32>} : memref<1024xi32, #tpu.memory_space<vmem>>, vector<16xi32>,
      %get3A_35 = arith.constant 96 : index
      %get3A_36 = tpu.vector_load %arg4[%get3A_35] {strides = array<i32>} : memref<1024xf32, #tpu.memory_space<vmem>>, vector<16xf32>,
      %bitcast3A_37 = vector.bitcast %get3A_36 : vector<16xf32> to vector<16xi32>
      %swap3A_38 = arith.constant 96 : index
      %swap3A_39 = tpu.vector_load %arg5[%swap3A_38] {strides = array<i32>} : memref<1024xi32, #tpu.memory_space<vmem>>, vector<16xi32>,
      tpu.vector_store %arg5[%swap3A_38], %bitcast3A_37 {strides = array<i32>} : memref<1024xi32, #tpu.memory_space<vmem>>, vector<16xi32>,
      %get3A_40 = arith.constant 112 : index
      %get3A_41 = tpu.vector_load %arg4[%get3A_40] {strides = array<i32>} : memref<1024xf32, #tpu.memory_space<vmem>>, vector<16xf32>,
      %bitcast3A_42 = vector.bitcast %get3A_41 : vector<16xf32> to vector<16xi32>
      %swap3A_43 = arith.constant 112 : index
      %swap3A_44 = tpu.vector_load %arg5[%swap3A_43] {strides = array<i32>} : memref<1024xi32, #tpu.memory_space<vmem>>, vector<16xi32>,
      tpu.vector_store %arg5[%swap3A_43], %bitcast3A_42 {strides = array<i32>} : memref<1024xi32, #tpu.memory_space<vmem>>, vector<16xi32>,
      %get3A_45 = arith.constant 128 : index
      %get3A_46 = tpu.vector_load %arg4[%get3A_45] {strides = array<i32>} : memref<1024xf32, #tpu.memory_space<vmem>>, vector<16xf32>,
      %bitcast3A_47 = vector.bitcast %get3A_46 : vector<16xf32> to vector<16xi32>
      %swap3A_48 = arith.constant 128 : index
      %swap3A_49 = tpu.vector_load %arg5[%swap3A_48] {strides = array<i32>} : memref<1024xi32, #tpu.memory_space<vmem>>, vector<16xi32>,
      tpu.vector_store %arg5[%swap3A_48], %bitcast3A_47 {strides = array<i32>} : memref<1024xi32, #tpu.memory_space<vmem>>, vector<16xi32>,
      %get3A_50 = arith.constant 144 : index
      %get3A_51 = tpu.vector_load %arg4[%get3A_50] {strides = array<i32>} : memref<1024xf32, #tpu.memory_space<vmem>>, vector<16xf32>,
      %bitcast3A_52 = vector.bitcast %get3A_51 : vector<16xf32> to vector<16xi32>
      %swap3A_53 = arith.constant 144 : index
      %swap3A_54 = tpu.vector_load %arg5[%swap3A_53] {strides = array<i32>} : memref<1024xi32, #tpu.memory_space<vmem>>, vector<16xi32>,
      tpu.vector_store %arg5[%swap3A_53], %bitcast3A_52 {strides = array<i32>} : memref<1024xi32, #tpu.memory_space<vmem>>, vector<16xi32>,
      %get3A_55 = arith.constant 160 : index
      %get3A_56 = tpu.vector_load %arg4[%get3A_55] {strides = array<i32>} : memref<1024xf32, #tpu.memory_space<vmem>>, vector<16xf32>,
      %bitcast3A_57 = vector.bitcast %get3A_56 : vector<16xf32> to vector<16xi32>
      %swap3A_58 = arith.constant 160 : index
      %swap3A_59 = tpu.vector_load %arg5[%swap3A_58] {strides = array<i32>} : memref<1024xi32, #tpu.memory_space<vmem>>, vector<16xi32>,
      tpu.vector_store %arg5[%swap3A_58], %bitcast3A_57 {strides = array<i32>} : memref<1024xi32, #tpu.memory_space<vmem>>, vector<16xi32>,
      %get3A_60 = arith.constant 176 : index
      %get3A_61 = tpu.vector_load %arg4[%get3A_60] {strides = array<i32>} : memref<1024xf32, #tpu.memory_space<vmem>>, vector<16xf32>,
      %bitcast3A_62 = vector.bitcast %get3A_61 : vector<16xf32> to vector<16xi32>
      %swap3A_63 = arith.constant 176 : index
      %swap3A_64 = tpu.vector_load %arg5[%swap3A_63] {strides = array<i32>} : memref<1024xi32, #tpu.memory_space<vmem>>, vector<16xi32>,
      tpu.vector_store %arg5[%swap3A_63], %bitcast3A_62 {strides = array<i32>} : memref<1024xi32, #tpu.memory_space<vmem>>, vector<16xi32>,
      %get3A_65 = arith.constant 192 : index
      %get3A_66 = tpu.vector_load %arg4[%get3A_65] {strides = array<i32>} : memref<1024xf32, #tpu.memory_space<vmem>>, vector<16xf32>,
      %bitcast3A_67 = vector.bitcast %get3A_66 : vector<16xf32> to vector<16xi32>
      %swap3A_68 = arith.constant 192 : index
      %swap3A_69 = tpu.vector_load %arg5[%swap3A_68] {strides = array<i32>} : memref<1024xi32, #tpu.memory_space<vmem>>, vector<16xi32>,
      tpu.vector_store %arg5[%swap3A_68], %bitcast3A_67 {strides = array<i32>} : memref<1024xi32, #tpu.memory_space<vmem>>, vector<16xi32>,
      %get3A_70 = arith.constant 208 : index
      %get3A_71 = tpu.vector_load %arg4[%get3A_70] {strides = array<i32>} : memref<1024xf32, #tpu.memory_space<vmem>>, vector<16xf32>,
      %bitcast3A_72 = vector.bitcast %get3A_71 : vector<16xf32> to vector<16xi32>
      %swap3A_73 = arith.constant 208 : index
      %swap3A_74 = tpu.vector_load %arg5[%swap3A_73] {strides = array<i32>} : memref<1024xi32, #tpu.memory_space<vmem>>, vector<16xi32>,
      tpu.vector_store %arg5[%swap3A_73], %bitcast3A_72 {strides = array<i32>} : memref<1024xi32, #tpu.memory_space<vmem>>, vector<16xi32>,
      %get3A_75 = arith.constant 224 : index
      %get3A_76 = tpu.vector_load %arg4[%get3A_75] {strides = array<i32>} : memref<1024xf32, #tpu.memory_space<vmem>>, vector<16xf32>,
      %bitcast3A_77 = vector.bitcast %get3A_76 : vector<16xf32> to vector<16xi32>
      %swap3A_78 = arith.constant 224 : index
      %swap3A_79 = tpu.vector_load %arg5[%swap3A_78] {strides = array<i32>} : memref<1024xi32, #tpu.memory_space<vmem>>, vector<16xi32>,
      tpu.vector_store %arg5[%swap3A_78], %bitcast3A_77 {strides = array<i32>} : memref<1024xi32, #tpu.memory_space<vmem>>, vector<16xi32>,
      %get3A_80 = arith.constant 240 : index
      %get3A_81 = tpu.vector_load %arg4[%get3A_80] {strides = array<i32>} : memref<1024xf32, #tpu.memory_space<vmem>>, vector<16xf32>,
      %bitcast3A_82 = vector.bitcast %get3A_81 : vector<16xf32> to vector<16xi32>
      %swap3A_83 = arith.constant 240 : index
      %swap3A_84 = tpu.vector_load %arg5[%swap3A_83] {strides = array<i32>} : memref<1024xi32, #tpu.memory_space<vmem>>, vector<16xi32>,
      tpu.vector_store %arg5[%swap3A_83], %bitcast3A_82 {strides = array<i32>} : memref<1024xi32, #tpu.memory_space<vmem>>, vector<16xi32>,
      %get3A_85 = arith.constant 256 : index
      %get3A_86 = tpu.vector_load %arg4[%get3A_85] {strides = array<i32>} : memref<1024xf32, #tpu.memory_space<vmem>>, vector<16xf32>,
      %bitcast3A_87 = vector.bitcast %get3A_86 : vector<16xf32> to vector<16xi32>
      %swap3A_88 = arith.constant 256 : index
      %swap3A_89 = tpu.vector_load %arg5[%swap3A_88] {strides = array<i32>} : memref<1024xi32, #tpu.memory_space<vmem>>, vector<16xi32>,
      tpu.vector_store %arg5[%swap3A_88], %bitcast3A_87 {strides = array<i32>} : memref<1024xi32, #tpu.memory_space<vmem>>, vector<16xi32>,
      %get3A_90 = arith.constant 272 : index
      %get3A_91 = tpu.vector_load %arg4[%get3A_90] {strides = array<i32>} : memref<1024xf32, #tpu.memory_space<vmem>>, vector<16xf32>,
      %bitcast3A_92 = vector.bitcast %get3A_91 : vector<16xf32> to vector<16xi32>
      %swap3A_93 = arith.constant 272 : index
      %swap3A_94 = tpu.vector_load %arg5[%swap3A_93] {strides = array<i32>} : memref<1024xi32, #tpu.memory_space<vmem>>, vector<16xi32>,
      tpu.vector_store %arg5[%swap3A_93], %bitcast3A_92 {strides = array<i32>} : memref<1024xi32, #tpu.memory_space<vmem>>, vector<16xi32>,
      %get3A_95 = arith.constant 288 : index
      %get3A_96 = tpu.vector_load %arg4[%get3A_95] {strides = array<i32>} : memref<1024xf32, #tpu.memory_space<vmem>>, vector<16xf32>,
      %bitcast3A_97 = vector.bitcast %get3A_96 : vector<16xf32> to vector<16xi32>
      %swap3A_98 = arith.constant 288 : index
      %swap3A_99 = tpu.vector_load %arg5[%swap3A_98] {strides = array<i32>} : memref<1024xi32, #tpu.memory_space<vmem>>, vector<16xi32>,
      tpu.vector_store %arg5[%swap3A_98], %bitcast3A_97 {strides = array<i32>} : memref<1024xi32, #tpu.memory_space<vmem>>, vector<16xi32>,
      %get3A_100 = arith.constant 304 : index
      %get3A_101 = tpu.vector_load %arg4[%get3A_100] {strides = array<i32>} : memref<1024xf32, #tpu.memory_space<vmem>>, vector<16xf32>,
      %bitcast3A_102 = vector.bitcast %get3A_101 : vector<16xf32> to vector<16xi32>
      %swap3A_103 = arith.constant 304 : index
      %swap3A_104 = tpu.vector_load %arg5[%swap3A_103] {strides = array<i32>} : memref<1024xi32, #tpu.memory_space<vmem>>, vector<16xi32>,
      tpu.vector_store %arg5[%swap3A_103], %bitcast3A_102 {strides = array<i32>} : memref<1024xi32, #tpu.memory_space<vmem>>, vector<16xi32>,
      %get3A_105 = arith.constant 320 : index
      %get3A_106 = tpu.vector_load %arg4[%get3A_105] {strides = array<i32>} : memref<1024xf32, #tpu.memory_space<vmem>>, vector<16xf32>,
      %bitcast3A_107 = vector.bitcast %get3A_106 : vector<16xf32> to vector<16xi32>
      %swap3A_108 = arith.constant 320 : index
      %swap3A_109 = tpu.vector_load %arg5[%swap3A_108] {strides = array<i32>} : memref<1024xi32, #tpu.memory_space<vmem>>, vector<16xi32>,
      tpu.vector_store %arg5[%swap3A_108], %bitcast3A_107 {strides = array<i32>} : memref<1024xi32, #tpu.memory_space<vmem>>, vector<16xi32>,
      %get3A_110 = arith.constant 336 : index
      %get3A_111 = tpu.vector_load %arg4[%get3A_110] {strides = array<i32>} : memref<1024xf32, #tpu.memory_space<vmem>>, vector<16xf32>,
      %bitcast3A_112 = vector.bitcast %get3A_111 : vector<16xf32> to vector<16xi32>
      %swap3A_113 = arith.constant 336 : index
      %swap3A_114 = tpu.vector_load %arg5[%swap3A_113] {strides = array<i32>} : memref<1024xi32, #tpu.memory_space<vmem>>, vector<16xi32>,
      tpu.vector_store %arg5[%swap3A_113], %bitcast3A_112 {strides = array<i32>} : memref<1024xi32, #tpu.memory_space<vmem>>, vector<16xi32>,
      %get3A_115 = arith.constant 352 : index
      %get3A_116 = tpu.vector_load %arg4[%get3A_115] {strides = array<i32>} : memref<1024xf32, #tpu.memory_space<vmem>>, vector<16xf32>,
      %bitcast3A_117 = vector.bitcast %get3A_116 : vector<16xf32> to vector<16xi32>
      %swap3A_118 = arith.constant 352 : index
      %swap3A_119 = tpu.vector_load %arg5[%swap3A_118] {strides = array<i32>} : memref<1024xi32, #tpu.memory_space<vmem>>, vector<16xi32>,
      tpu.vector_store %arg5[%swap3A_118], %bitcast3A_117 {strides = array<i32>} : memref<1024xi32, #tpu.memory_space<vmem>>, vector<16xi32>,
      %get3A_120 = arith.constant 368 : index
      %get3A_121 = tpu.vector_load %arg4[%get3A_120] {strides = array<i32>} : memref<1024xf32, #tpu.memory_space<vmem>>, vector<16xf32>,
      %bitcast3A_122 = vector.bitcast %get3A_121 : vector<16xf32> to vector<16xi32>
      %swap3A_123 = arith.constant 368 : index
      %swap3A_124 = tpu.vector_load %arg5[%swap3A_123] {strides = array<i32>} : memref<1024xi32, #tpu.memory_space<vmem>>, vector<16xi32>,
      tpu.vector_store %arg5[%swap3A_123], %bitcast3A_122 {strides = array<i32>} : memref<1024xi32, #tpu.memory_space<vmem>>, vector<16xi32>,
      %get3A_125 = arith.constant 384 : index
      %get3A_126 = tpu.vector_load %arg4[%get3A_125] {strides = array<i32>} : memref<1024xf32, #tpu.memory_space<vmem>>, vector<16xf32>,
      %bitcast3A_127 = vector.bitcast %get3A_126 : vector<16xf32> to vector<16xi32>
      %swap3A_128 = arith.constant 384 : index
      %swap3A_129 = tpu.vector_load %arg5[%swap3A_128] {strides = array<i32>} : memref<1024xi32, #tpu.memory_space<vmem>>, vector<16xi32>,
      tpu.vector_store %arg5[%swap3A_128], %bitcast3A_127 {strides = array<i32>} : memref<1024xi32, #tpu.memory_space<vmem>>, vector<16xi32>,
      %get3A_130 = arith.constant 400 : index
      %get3A_131 = tpu.vector_load %arg4[%get3A_130] {strides = array<i32>} : memref<1024xf32, #tpu.memory_space<vmem>>, vector<16xf32>,
      %bitcast3A_132 = vector.bitcast %get3A_131 : vector<16xf32> to vector<16xi32>
      %swap3A_133 = arith.constant 400 : index
      %swap3A_134 = tpu.vector_load %arg5[%swap3A_133] {strides = array<i32>} : memref<1024xi32, #tpu.memory_space<vmem>>, vector<16xi32>,
      tpu.vector_store %arg5[%swap3A_133], %bitcast3A_132 {strides = array<i32>} : memref<1024xi32, #tpu.memory_space<vmem>>, vector<16xi32>,
      %get3A_135 = arith.constant 416 : index
      %get3A_136 = tpu.vector_load %arg4[%get3A_135] {strides = array<i32>} : memref<1024xf32, #tpu.memory_space<vmem>>, vector<16xf32>,
      %bitcast3A_137 = vector.bitcast %get3A_136 : vector<16xf32> to vector<16xi32>
      %swap3A_138 = arith.constant 416 : index
      %swap3A_139 = tpu.vector_load %arg5[%swap3A_138] {strides = array<i32>} : memref<1024xi32, #tpu.memory_space<vmem>>, vector<16xi32>,
      tpu.vector_store %arg5[%swap3A_138], %bitcast3A_137 {strides = array<i32>} : memref<1024xi32, #tpu.memory_space<vmem>>, vector<16xi32>,
      %get3A_140 = arith.constant 432 : index
      %get3A_141 = tpu.vector_load %arg4[%get3A_140] {strides = array<i32>} : memref<1024xf32, #tpu.memory_space<vmem>>, vector<16xf32>,
      %bitcast3A_142 = vector.bitcast %get3A_141 : vector<16xf32> to vector<16xi32>
      %swap3A_143 = arith.constant 432 : index
      %swap3A_144 = tpu.vector_load %arg5[%swap3A_143] {strides = array<i32>} : memref<1024xi32, #tpu.memory_space<vmem>>, vector<16xi32>,
      tpu.vector_store %arg5[%swap3A_143], %bitcast3A_142 {strides = array<i32>} : memref<1024xi32, #tpu.memory_space<vmem>>, vector<16xi32>,
      %get3A_145 = arith.constant 448 : index
      %get3A_146 = tpu.vector_load %arg4[%get3A_145] {strides = array<i32>} : memref<1024xf32, #tpu.memory_space<vmem>>, vector<16xf32>,
      %bitcast3A_147 = vector.bitcast %get3A_146 : vector<16xf32> to vector<16xi32>
      %swap3A_148 = arith.constant 448 : index
      %swap3A_149 = tpu.vector_load %arg5[%swap3A_148] {strides = array<i32>} : memref<1024xi32, #tpu.memory_space<vmem>>, vector<16xi32>,
      tpu.vector_store %arg5[%swap3A_148], %bitcast3A_147 {strides = array<i32>} : memref<1024xi32, #tpu.memory_space<vmem>>, vector<16xi32>,
      %get3A_150 = arith.constant 464 : index
      %get3A_151 = tpu.vector_load %arg4[%get3A_150] {strides = array<i32>} : memref<1024xf32, #tpu.memory_space<vmem>>, vector<16xf32>,
      %bitcast3A_152 = vector.bitcast %get3A_151 : vector<16xf32> to vector<16xi32>
      %swap3A_153 = arith.constant 464 : index
      %swap3A_154 = tpu.vector_load %arg5[%swap3A_153] {strides = array<i32>} : memref<1024xi32, #tpu.memory_space<vmem>>, vector<16xi32>,
      tpu.vector_store %arg5[%swap3A_153], %bitcast3A_152 {strides = array<i32>} : memref<1024xi32, #tpu.memory_space<vmem>>, vector<16xi32>,
      %get3A_155 = arith.constant 480 : index
      %get3A_156 = tpu.vector_load %arg4[%get3A_155] {strides = array<i32>} : memref<1024xf32, #tpu.memory_space<vmem>>, vector<16xf32>,
      %bitcast3A_157 = vector.bitcast %get3A_156 : vector<16xf32> to vector<16xi32>
      %swap3A_158 = arith.constant 480 : index
      %swap3A_159 = tpu.vector_load %arg5[%swap3A_158] {strides = array<i32>} : memref<1024xi32, #tpu.memory_space<vmem>>, vector<16xi32>,
      tpu.vector_store %arg5[%swap3A_158], %bitcast3A_157 {strides = array<i32>} : memref<1024xi32, #tpu.memory_space<vmem>>, vector<16xi32>,
      %get3A_160 = arith.constant 496 : index
      %get3A_161 = tpu.vector_load %arg4[%get3A_160] {strides = array<i32>} : memref<1024xf32, #tpu.memory_space<vmem>>, vector<16xf32>,
      %bitcast3A_162 = vector.bitcast %get3A_161 : vector<16xf32> to vector<16xi32>
      %swap3A_163 = arith.constant 496 : index
      %swap3A_164 = tpu.vector_load %arg5[%swap3A_163] {strides = array<i32>} : memref<1024xi32, #tpu.memory_space<vmem>>, vector<16xi32>,
      tpu.vector_store %arg5[%swap3A_163], %bitcast3A_162 {strides = array<i32>} : memref<1024xi32, #tpu.memory_space<vmem>>, vector<16xi32>,
      %get3A_165 = arith.constant 512 : index
      %get3A_166 = tpu.vector_load %arg4[%get3A_165] {strides = array<i32>} : memref<1024xf32, #tpu.memory_space<vmem>>, vector<16xf32>,
      %bitcast3A_167 = vector.bitcast %get3A_166 : vector<16xf32> to vector<16xi32>
      %swap3A_168 = arith.constant 512 : index
      %swap3A_169 = tpu.vector_load %arg5[%swap3A_168] {strides = array<i32>} : memref<1024xi32, #tpu.memory_space<vmem>>, vector<16xi32>,
      tpu.vector_store %arg5[%swap3A_168], %bitcast3A_167 {strides = array<i32>} : memref<1024xi32, #tpu.memory_space<vmem>>, vector<16xi32>,
      %get3A_170 = arith.constant 528 : index
      %get3A_171 = tpu.vector_load %arg4[%get3A_170] {strides = array<i32>} : memref<1024xf32, #tpu.memory_space<vmem>>, vector<16xf32>,
      %bitcast3A_172 = vector.bitcast %get3A_171 : vector<16xf32> to vector<16xi32>
      %swap3A_173 = arith.constant 528 : index
      %swap3A_174 = tpu.vector_load %arg5[%swap3A_173] {strides = array<i32>} : memref<1024xi32, #tpu.memory_space<vmem>>, vector<16xi32>,
      tpu.vector_store %arg5[%swap3A_173], %bitcast3A_172 {strides = array<i32>} : memref<1024xi32, #tpu.memory_space<vmem>>, vector<16xi32>,
      %get3A_175 = arith.constant 544 : index
      %get3A_176 = tpu.vector_load %arg4[%get3A_175] {strides = array<i32>} : memref<1024xf32, #tpu.memory_space<vmem>>, vector<16xf32>,
      %bitcast3A_177 = vector.bitcast %get3A_176 : vector<16xf32> to vector<16xi32>
      %swap3A_178 = arith.constant 544 : index
      %swap3A_179 = tpu.vector_load %arg5[%swap3A_178] {strides = array<i32>} : memref<1024xi32, #tpu.memory_space<vmem>>, vector<16xi32>,
      tpu.vector_store %arg5[%swap3A_178], %bitcast3A_177 {strides = array<i32>} : memref<1024xi32, #tpu.memory_space<vmem>>, vector<16xi32>,
      %get3A_180 = arith.constant 560 : index
      %get3A_181 = tpu.vector_load %arg4[%get3A_180] {strides = array<i32>} : memref<1024xf32, #tpu.memory_space<vmem>>, vector<16xf32>,
      %bitcast3A_182 = vector.bitcast %get3A_181 : vector<16xf32> to vector<16xi32>
      %swap3A_183 = arith.constant 560 : index
      %swap3A_184 = tpu.vector_load %arg5[%swap3A_183] {strides = array<i32>} : memref<1024xi32, #tpu.memory_space<vmem>>, vector<16xi32>,
      tpu.vector_store %arg5[%swap3A_183], %bitcast3A_182 {strides = array<i32>} : memref<1024xi32, #tpu.memory_space<vmem>>, vector<16xi32>,
      %get3A_185 = arith.constant 576 : index
      %get3A_186 = tpu.vector_load %arg4[%get3A_185] {strides = array<i32>} : memref<1024xf32, #tpu.memory_space<vmem>>, vector<16xf32>,
      %bitcast3A_187 = vector.bitcast %get3A_186 : vector<16xf32> to vector<16xi32>
      %swap3A_188 = arith.constant 576 : index
      %swap3A_189 = tpu.vector_load %arg5[%swap3A_188] {strides = array<i32>} : memref<1024xi32, #tpu.memory_space<vmem>>, vector<16xi32>,
      tpu.vector_store %arg5[%swap3A_188], %bitcast3A_187 {strides = array<i32>} : memref<1024xi32, #tpu.memory_space<vmem>>, vector<16xi32>,
      %get3A_190 = arith.constant 592 : index
      %get3A_191 = tpu.vector_load %arg4[%get3A_190] {strides = array<i32>} : memref<1024xf32, #tpu.memory_space<vmem>>, vector<16xf32>,
      %bitcast3A_192 = vector.bitcast %get3A_191 : vector<16xf32> to vector<16xi32>
      %swap3A_193 = arith.constant 592 : index
      %swap3A_194 = tpu.vector_load %arg5[%swap3A_193] {strides = array<i32>} : memref<1024xi32, #tpu.memory_space<vmem>>, vector<16xi32>,
      tpu.vector_store %arg5[%swap3A_193], %bitcast3A_192 {strides = array<i32>} : memref<1024xi32, #tpu.memory_space<vmem>>, vector<16xi32>,
      %get3A_195 = arith.constant 608 : index
      %get3A_196 = tpu.vector_load %arg4[%get3A_195] {strides = array<i32>} : memref<1024xf32, #tpu.memory_space<vmem>>, vector<16xf32>,
      %bitcast3A_197 = vector.bitcast %get3A_196 : vector<16xf32> to vector<16xi32>
      %swap3A_198 = arith.constant 608 : index
      %swap3A_199 = tpu.vector_load %arg5[%swap3A_198] {strides = array<i32>} : memref<1024xi32, #tpu.memory_space<vmem>>, vector<16xi32>,
      tpu.vector_store %arg5[%swap3A_198], %bitcast3A_197 {strides = array<i32>} : memref<1024xi32, #tpu.memory_space<vmem>>, vector<16xi32>,
      %get3A_200 = arith.constant 624 : index
      %get3A_201 = tpu.vector_load %arg4[%get3A_200] {strides = array<i32>} : memref<1024xf32, #tpu.memory_space<vmem>>, vector<16xf32>,
      %bitcast3A_202 = vector.bitcast %get3A_201 : vector<16xf32> to vector<16xi32>
      %swap3A_203 = arith.constant 624 : index
      %swap3A_204 = tpu.vector_load %arg5[%swap3A_203] {strides = array<i32>} : memref<1024xi32, #tpu.memory_space<vmem>>, vector<16xi32>,
      tpu.vector_store %arg5[%swap3A_203], %bitcast3A_202 {strides = array<i32>} : memref<1024xi32, #tpu.memory_space<vmem>>, vector<16xi32>,
      %get3A_205 = arith.constant 640 : index
      %get3A_206 = tpu.vector_load %arg4[%get3A_205] {strides = array<i32>} : memref<1024xf32, #tpu.memory_space<vmem>>, vector<16xf32>,
      %bitcast3A_207 = vector.bitcast %get3A_206 : vector<16xf32> to vector<16xi32>
      %swap3A_208 = arith.constant 640 : index
      %swap3A_209 = tpu.vector_load %arg5[%swap3A_208] {strides = array<i32>} : memref<1024xi32, #tpu.memory_space<vmem>>, vector<16xi32>,
      tpu.vector_store %arg5[%swap3A_208], %bitcast3A_207 {strides = array<i32>} : memref<1024xi32, #tpu.memory_space<vmem>>, vector<16xi32>,
      %get3A_210 = arith.constant 656 : index
      %get3A_211 = tpu.vector_load %arg4[%get3A_210] {strides = array<i32>} : memref<1024xf32, #tpu.memory_space<vmem>>, vector<16xf32>,
      %bitcast3A_212 = vector.bitcast %get3A_211 : vector<16xf32> to vector<16xi32>
      %swap3A_213 = arith.constant 656 : index
      %swap3A_214 = tpu.vector_load %arg5[%swap3A_213] {strides = array<i32>} : memref<1024xi32, #tpu.memory_space<vmem>>, vector<16xi32>,
      tpu.vector_store %arg5[%swap3A_213], %bitcast3A_212 {strides = array<i32>} : memref<1024xi32, #tpu.memory_space<vmem>>, vector<16xi32>,
      %get3A_215 = arith.constant 672 : index
      %get3A_216 = tpu.vector_load %arg4[%get3A_215] {strides = array<i32>} : memref<1024xf32, #tpu.memory_space<vmem>>, vector<16xf32>,
      %bitcast3A_217 = vector.bitcast %get3A_216 : vector<16xf32> to vector<16xi32>
      %swap3A_218 = arith.constant 672 : index
      %swap3A_219 = tpu.vector_load %arg5[%swap3A_218] {strides = array<i32>} : memref<1024xi32, #tpu.memory_space<vmem>>, vector<16xi32>,
      tpu.vector_store %arg5[%swap3A_218], %bitcast3A_217 {strides = array<i32>} : memref<1024xi32, #tpu.memory_space<vmem>>, vector<16xi32>,
      %get3A_220 = arith.constant 688 : index
      %get3A_221 = tpu.vector_load %arg4[%get3A_220] {strides = array<i32>} : memref<1024xf32, #tpu.memory_space<vmem>>, vector<16xf32>,
      %bitcast3A_222 = vector.bitcast %get3A_221 : vector<16xf32> to vector<16xi32>
      %swap3A_223 = arith.constant 688 : index
      %swap3A_224 = tpu.vector_load %arg5[%swap3A_223] {strides = array<i32>} : memref<1024xi32, #tpu.memory_space<vmem>>, vector<16xi32>,
      tpu.vector_store %arg5[%swap3A_223], %bitcast3A_222 {strides = array<i32>} : memref<1024xi32, #tpu.memory_space<vmem>>, vector<16xi32>,
      %get3A_225 = arith.constant 704 : index
      %get3A_226 = tpu.vector_load %arg4[%get3A_225] {strides = array<i32>} : memref<1024xf32, #tpu.memory_space<vmem>>, vector<16xf32>,
      %bitcast3A_227 = vector.bitcast %get3A_226 : vector<16xf32> to vector<16xi32>
      %swap3A_228 = arith.constant 704 : index
      %swap3A_229 = tpu.vector_load %arg5[%swap3A_228] {strides = array<i32>} : memref<1024xi32, #tpu.memory_space<vmem>>, vector<16xi32>,
      tpu.vector_store %arg5[%swap3A_228], %bitcast3A_227 {strides = array<i32>} : memref<1024xi32, #tpu.memory_space<vmem>>, vector<16xi32>,
      %get3A_230 = arith.constant 720 : index
      %get3A_231 = tpu.vector_load %arg4[%get3A_230] {strides = array<i32>} : memref<1024xf32, #tpu.memory_space<vmem>>, vector<16xf32>,
      %bitcast3A_232 = vector.bitcast %get3A_231 : vector<16xf32> to vector<16xi32>
      %swap3A_233 = arith.constant 720 : index
      %swap3A_234 = tpu.vector_load %arg5[%swap3A_233] {strides = array<i32>} : memref<1024xi32, #tpu.memory_space<vmem>>, vector<16xi32>,
      tpu.vector_store %arg5[%swap3A_233], %bitcast3A_232 {strides = array<i32>} : memref<1024xi32, #tpu.memory_space<vmem>>, vector<16xi32>,
      %get3A_235 = arith.constant 736 : index
      %get3A_236 = tpu.vector_load %arg4[%get3A_235] {strides = array<i32>} : memref<1024xf32, #tpu.memory_space<vmem>>, vector<16xf32>,
      %bitcast3A_237 = vector.bitcast %get3A_236 : vector<16xf32> to vector<16xi32>
      %swap3A_238 = arith.constant 736 : index
      %swap3A_239 = tpu.vector_load %arg5[%swap3A_238] {strides = array<i32>} : memref<1024xi32, #tpu.memory_space<vmem>>, vector<16xi32>,
      tpu.vector_store %arg5[%swap3A_238], %bitcast3A_237 {strides = array<i32>} : memref<1024xi32, #tpu.memory_space<vmem>>, vector<16xi32>,
      %get3A_240 = arith.constant 752 : index
      %get3A_241 = tpu.vector_load %arg4[%get3A_240] {strides = array<i32>} : memref<1024xf32, #tpu.memory_space<vmem>>, vector<16xf32>,
      %bitcast3A_242 = vector.bitcast %get3A_241 : vector<16xf32> to vector<16xi32>
      %swap3A_243 = arith.constant 752 : index
      %swap3A_244 = tpu.vector_load %arg5[%swap3A_243] {strides = array<i32>} : memref<1024xi32, #tpu.memory_space<vmem>>, vector<16xi32>,
      tpu.vector_store %arg5[%swap3A_243], %bitcast3A_242 {strides = array<i32>} : memref<1024xi32, #tpu.memory_space<vmem>>, vector<16xi32>,
      %get3A_245 = arith.constant 768 : index
      %get3A_246 = tpu.vector_load %arg4[%get3A_245] {strides = array<i32>} : memref<1024xf32, #tpu.memory_space<vmem>>, vector<16xf32>,
      %bitcast3A_247 = vector.bitcast %get3A_246 : vector<16xf32> to vector<16xi32>
      %swap3A_248 = arith.constant 768 : index
      %swap3A_249 = tpu.vector_load %arg5[%swap3A_248] {strides = array<i32>} : memref<1024xi32, #tpu.memory_space<vmem>>, vector<16xi32>,
      tpu.vector_store %arg5[%swap3A_248], %bitcast3A_247 {strides = array<i32>} : memref<1024xi32, #tpu.memory_space<vmem>>, vector<16xi32>,
      %get3A_250 = arith.constant 784 : index
      %get3A_251 = tpu.vector_load %arg4[%get3A_250] {strides = array<i32>} : memref<1024xf32, #tpu.memory_space<vmem>>, vector<16xf32>,
      %bitcast3A_252 = vector.bitcast %get3A_251 : vector<16xf32> to vector<16xi32>
      %swap3A_253 = arith.constant 784 : index
      %swap3A_254 = tpu.vector_load %arg5[%swap3A_253] {strides = array<i32>} : memref<1024xi32, #tpu.memory_space<vmem>>, vector<16xi32>,
      tpu.vector_store %arg5[%swap3A_253], %bitcast3A_252 {strides = array<i32>} : memref<1024xi32, #tpu.memory_space<vmem>>, vector<16xi32>,
      %get3A_255 = arith.constant 800 : index
      %get3A_256 = tpu.vector_load %arg4[%get3A_255] {strides = array<i32>} : memref<1024xf32, #tpu.memory_space<vmem>>, vector<16xf32>,
      %bitcast3A_257 = vector.bitcast %get3A_256 : vector<16xf32> to vector<16xi32>
      %swap3A_258 = arith.constant 800 : index
      %swap3A_259 = tpu.vector_load %arg5[%swap3A_258] {strides = array<i32>} : memref<1024xi32, #tpu.memory_space<vmem>>, vector<16xi32>,
      tpu.vector_store %arg5[%swap3A_258], %bitcast3A_257 {strides = array<i32>} : memref<1024xi32, #tpu.memory_space<vmem>>, vector<16xi32>,
      %get3A_260 = arith.constant 816 : index
      %get3A_261 = tpu.vector_load %arg4[%get3A_260] {strides = array<i32>} : memref<1024xf32, #tpu.memory_space<vmem>>, vector<16xf32>,
      %bitcast3A_262 = vector.bitcast %get3A_261 : vector<16xf32> to vector<16xi32>
      %swap3A_263 = arith.constant 816 : index
      %swap3A_264 = tpu.vector_load %arg5[%swap3A_263] {strides = array<i32>} : memref<1024xi32, #tpu.memory_space<vmem>>, vector<16xi32>,
      tpu.vector_store %arg5[%swap3A_263], %bitcast3A_262 {strides = array<i32>} : memref<1024xi32, #tpu.memory_space<vmem>>, vector<16xi32>,
      %get3A_265 = arith.constant 832 : index
      %get3A_266 = tpu.vector_load %arg4[%get3A_265] {strides = array<i32>} : memref<1024xf32, #tpu.memory_space<vmem>>, vector<16xf32>,
      %bitcast3A_267 = vector.bitcast %get3A_266 : vector<16xf32> to vector<16xi32>
      %swap3A_268 = arith.constant 832 : index
      %swap3A_269 = tpu.vector_load %arg5[%swap3A_268] {strides = array<i32>} : memref<1024xi32, #tpu.memory_space<vmem>>, vector<16xi32>,
      tpu.vector_store %arg5[%swap3A_268], %bitcast3A_267 {strides = array<i32>} : memref<1024xi32, #tpu.memory_space<vmem>>, vector<16xi32>,
      %get3A_270 = arith.constant 848 : index
      %get3A_271 = tpu.vector_load %arg4[%get3A_270] {strides = array<i32>} : memref<1024xf32, #tpu.memory_space<vmem>>, vector<16xf32>,
      %bitcast3A_272 = vector.bitcast %get3A_271 : vector<16xf32> to vector<16xi32>
      %swap3A_273 = arith.constant 848 : index
      %swap3A_274 = tpu.vector_load %arg5[%swap3A_273] {strides = array<i32>} : memref<1024xi32, #tpu.memory_space<vmem>>, vector<16xi32>,
      tpu.vector_store %arg5[%swap3A_273], %bitcast3A_272 {strides = array<i32>} : memref<1024xi32, #tpu.memory_space<vmem>>, vector<16xi32>,
      %get3A_275 = arith.constant 864 : index
      %get3A_276 = tpu.vector_load %arg4[%get3A_275] {strides = array<i32>} : memref<1024xf32, #tpu.memory_space<vmem>>, vector<16xf32>,
      %bitcast3A_277 = vector.bitcast %get3A_276 : vector<16xf32> to vector<16xi32>
      %swap3A_278 = arith.constant 864 : index
      %swap3A_279 = tpu.vector_load %arg5[%swap3A_278] {strides = array<i32>} : memref<1024xi32, #tpu.memory_space<vmem>>, vector<16xi32>,
      tpu.vector_store %arg5[%swap3A_278], %bitcast3A_277 {strides = array<i32>} : memref<1024xi32, #tpu.memory_space<vmem>>, vector<16xi32>,
      %get3A_280 = arith.constant 880 : index
      %get3A_281 = tpu.vector_load %arg4[%get3A_280] {strides = array<i32>} : memref<1024xf32, #tpu.memory_space<vmem>>, vector<16xf32>,
      %bitcast3A_282 = vector.bitcast %get3A_281 : vector<16xf32> to vector<16xi32>
      %swap3A_283 = arith.constant 880 : index
      %swap3A_284 = tpu.vector_load %arg5[%swap3A_283] {strides = array<i32>} : memref<1024xi32, #tpu.memory_space<vmem>>, vector<16xi32>,
      tpu.vector_store %arg5[%swap3A_283], %bitcast3A_282 {strides = array<i32>} : memref<1024xi32, #tpu.memory_space<vmem>>, vector<16xi32>,
      %get3A_285 = arith.constant 896 : index
      %get3A_286 = tpu.vector_load %arg4[%get3A_285] {strides = array<i32>} : memref<1024xf32, #tpu.memory_space<vmem>>, vector<16xf32>,
      %bitcast3A_287 = vector.bitcast %get3A_286 : vector<16xf32> to vector<16xi32>
      %swap3A_288 = arith.constant 896 : index
      %swap3A_289 = tpu.vector_load %arg5[%swap3A_288] {strides = array<i32>} : memref<1024xi32, #tpu.memory_space<vmem>>, vector<16xi32>,
      tpu.vector_store %arg5[%swap3A_288], %bitcast3A_287 {strides = array<i32>} : memref<1024xi32, #tpu.memory_space<vmem>>, vector<16xi32>,
      %get3A_290 = arith.constant 912 : index
      %get3A_291 = tpu.vector_load %arg4[%get3A_290] {strides = array<i32>} : memref<1024xf32, #tpu.memory_space<vmem>>, vector<16xf32>,
      %bitcast3A_292 = vector.bitcast %get3A_291 : vector<16xf32> to vector<16xi32>
      %swap3A_293 = arith.constant 912 : index
      %swap3A_294 = tpu.vector_load %arg5[%swap3A_293] {strides = array<i32>} : memref<1024xi32, #tpu.memory_space<vmem>>, vector<16xi32>,
      tpu.vector_store %arg5[%swap3A_293], %bitcast3A_292 {strides = array<i32>} : memref<1024xi32, #tpu.memory_space<vmem>>, vector<16xi32>,
      %get3A_295 = arith.constant 928 : index
      %get3A_296 = tpu.vector_load %arg4[%get3A_295] {strides = array<i32>} : memref<1024xf32, #tpu.memory_space<vmem>>, vector<16xf32>,
      %bitcast3A_297 = vector.bitcast %get3A_296 : vector<16xf32> to vector<16xi32>
      %swap3A_298 = arith.constant 928 : index
      %swap3A_299 = tpu.vector_load %arg5[%swap3A_298] {strides = array<i32>} : memref<1024xi32, #tpu.memory_space<vmem>>, vector<16xi32>,
      tpu.vector_store %arg5[%swap3A_298], %bitcast3A_297 {strides = array<i32>} : memref<1024xi32, #tpu.memory_space<vmem>>, vector<16xi32>,
      %get3A_300 = arith.constant 944 : index
      %get3A_301 = tpu.vector_load %arg4[%get3A_300] {strides = array<i32>} : memref<1024xf32, #tpu.memory_space<vmem>>, vector<16xf32>,
      %bitcast3A_302 = vector.bitcast %get3A_301 : vector<16xf32> to vector<16xi32>
      %swap3A_303 = arith.constant 944 : index
      %swap3A_304 = tpu.vector_load %arg5[%swap3A_303] {strides = array<i32>} : memref<1024xi32, #tpu.memory_space<vmem>>, vector<16xi32>,
      tpu.vector_store %arg5[%swap3A_303], %bitcast3A_302 {strides = array<i32>} : memref<1024xi32, #tpu.memory_space<vmem>>, vector<16xi32>,
      %get3A_305 = arith.constant 960 : index
      %get3A_306 = tpu.vector_load %arg4[%get3A_305] {strides = array<i32>} : memref<1024xf32, #tpu.memory_space<vmem>>, vector<16xf32>,
      %bitcast3A_307 = vector.bitcast %get3A_306 : vector<16xf32> to vector<16xi32>
      %swap3A_308 = arith.constant 960 : index
      %swap3A_309 = tpu.vector_load %arg5[%swap3A_308] {strides = array<i32>} : memref<1024xi32, #tpu.memory_space<vmem>>, vector<16xi32>,
      tpu.vector_store %arg5[%swap3A_308], %bitcast3A_307 {strides = array<i32>} : memref<1024xi32, #tpu.memory_space<vmem>>, vector<16xi32>,
      %get3A_310 = arith.constant 976 : index
      %get3A_311 = tpu.vector_load %arg4[%get3A_310] {strides = array<i32>} : memref<1024xf32, #tpu.memory_space<vmem>>, vector<16xf32>,
      %bitcast3A_312 = vector.bitcast %get3A_311 : vector<16xf32> to vector<16xi32>
      %swap3A_313 = arith.constant 976 : index
      %swap3A_314 = tpu.vector_load %arg5[%swap3A_313] {strides = array<i32>} : memref<1024xi32, #tpu.memory_space<vmem>>, vector<16xi32>,
      tpu.vector_store %arg5[%swap3A_313], %bitcast3A_312 {strides = array<i32>} : memref<1024xi32, #tpu.memory_space<vmem>>, vector<16xi32>,
      %get3A_315 = arith.constant 992 : index
      %get3A_316 = tpu.vector_load %arg4[%get3A_315] {strides = array<i32>} : memref<1024xf32, #tpu.memory_space<vmem>>, vector<16xf32>,
      %bitcast3A_317 = vector.bitcast %get3A_316 : vector<16xf32> to vector<16xi32>
      %swap3A_318 = arith.constant 992 : index
      %swap3A_319 = tpu.vector_load %arg5[%swap3A_318] {strides = array<i32>} : memref<1024xi32, #tpu.memory_space<vmem>>, vector<16xi32>,
      tpu.vector_store %arg5[%swap3A_318], %bitcast3A_317 {strides = array<i32>} : memref<1024xi32, #tpu.memory_space<vmem>>, vector<16xi32>,
      %get3A_320 = arith.constant 1008 : index
      %get3A_321 = tpu.vector_load %arg4[%get3A_320] {strides = array<i32>} : memref<1024xf32, #tpu.memory_space<vmem>>, vector<16xf32>,
      %bitcast3A_322 = vector.bitcast %get3A_321 : vector<16xf32> to vector<16xi32>
      %swap3A_323 = arith.constant 1008 : index
      %swap3A_324 = tpu.vector_load %arg5[%swap3A_323] {strides = array<i32>} : memref<1024xi32, #tpu.memory_space<vmem>>, vector<16xi32>,
      tpu.vector_store %arg5[%swap3A_323], %bitcast3A_322 {strides = array<i32>} : memref<1024xi32, #tpu.memory_space<vmem>>, vector<16xi32>,
      %scan3A = arith.constant 0 : i32
      %scan3A_325 = arith.constant 2139095040 : i32
      %scan3A_326 = arith.constant 0 : i32
      %scan3A_327 = arith.constant 32 : i32
      %scan3A_328 = arith.addi %scan3A_326, %scan3A_327 : i32
      %scan3A_329 = arith.constant 1 : i32
      %scan3A_330:2 = scf.for %scan3A_1044 = %scan3A_326 to %scan3A_328 step %scan3A_329 iter_args(%scan3A_1045 = %scan3A, %scan3A_1046 = %scan3A_325) -> (i32, i32)  : i32 {
        %sub3A_1047 = arith.subi %scan3A_1046, %scan3A_1045 : i32
        %add3A_1048 = arith.constant 1 : i32
        %add3A_1049 = arith.addi %sub3A_1047, %add3A_1048 : i32
        %shift_right_arithmetic3A = arith.constant 1 : i32
        %shift_right_arithmetic3A_1050 = arith.shrsi %add3A_1049, %shift_right_arithmetic3A : i32
        %add3A_1051 = arith.addi %scan3A_1045, %shift_right_arithmetic3A_1050 : i32
        %broadcast_in_dim3A_1052 = vector.broadcast %add3A_1051 : i32 to vector<16xi32>
        %get3A_1053 = arith.constant 0 : index
        %get3A_1054 = tpu.vector_load %arg5[%get3A_1053] {strides = array<i32>} : memref<1024xi32, #tpu.memory_space<vmem>>, vector<16xi32>,
        %ge3A = arith.cmpi sge, %get3A_1054, %broadcast_in_dim3A_1052 : vector<16xi32>
        %select_n3A_1055 = arith.select %ge3A, %broadcast_in_dim3A_0, %broadcast_in_dim3A_2 : vector<16xi1>, vector<16xi32>
        %add3A_1056 = arith.addi %broadcast_in_dim3A_2, %select_n3A_1055 : vector<16xi32>
        %get3A_1057 = arith.constant 16 : index
        %get3A_1058 = tpu.vector_load %arg5[%get3A_1057] {strides = array<i32>} : memref<1024xi32, #tpu.memory_space<vmem>>, vector<16xi32>,
        %ge3A_1059 = arith.cmpi sge, %get3A_1058, %broadcast_in_dim3A_1052 : vector<16xi32>
        %select_n3A_1060 = arith.select %ge3A_1059, %broadcast_in_dim3A_0, %broadcast_in_dim3A_2 : vector<16xi1>, vector<16xi32>
        %add3A_1061 = arith.addi %add3A_1056, %select_n3A_1060 : vector<16xi32>
        %get3A_1062 = arith.constant 32 : index
        %get3A_1063 = tpu.vector_load %arg5[%get3A_1062] {strides = array<i32>} : memref<1024xi32, #tpu.memory_space<vmem>>, vector<16xi32>,
        %ge3A_1064 = arith.cmpi sge, %get3A_1063, %broadcast_in_dim3A_1052 : vector<16xi32>
        %select_n3A_1065 = arith.select %ge3A_1064, %broadcast_in_dim3A_0, %broadcast_in_dim3A_2 : vector<16xi1>, vector<16xi32>
        %add3A_1066 = arith.addi %add3A_1061, %select_n3A_1065 : vector<16xi32>
        %get3A_1067 = arith.constant 48 : index
        %get3A_1068 = tpu.vector_load %arg5[%get3A_1067] {strides = array<i32>} : memref<1024xi32, #tpu.memory_space<vmem>>, vector<16xi32>,
        %ge3A_1069 = arith.cmpi sge, %get3A_1068, %broadcast_in_dim3A_1052 : vector<16xi32>
        %select_n3A_1070 = arith.select %ge3A_1069, %broadcast_in_dim3A_0, %broadcast_in_dim3A_2 : vector<16xi1>, vector<16xi32>
        %add3A_1071 = arith.addi %add3A_1066, %select_n3A_1070 : vector<16xi32>
        %get3A_1072 = arith.constant 64 : index
        %get3A_1073 = tpu.vector_load %arg5[%get3A_1072] {strides = array<i32>} : memref<1024xi32, #tpu.memory_space<vmem>>, vector<16xi32>,
        %ge3A_1074 = arith.cmpi sge, %get3A_1073, %broadcast_in_dim3A_1052 : vector<16xi32>
        %select_n3A_1075 = arith.select %ge3A_1074, %broadcast_in_dim3A_0, %broadcast_in_dim3A_2 : vector<16xi1>, vector<16xi32>
        %add3A_1076 = arith.addi %add3A_1071, %select_n3A_1075 : vector<16xi32>
        %get3A_1077 = arith.constant 80 : index
        %get3A_1078 = tpu.vector_load %arg5[%get3A_1077] {strides = array<i32>} : memref<1024xi32, #tpu.memory_space<vmem>>, vector<16xi32>,
        %ge3A_1079 = arith.cmpi sge, %get3A_1078, %broadcast_in_dim3A_1052 : vector<16xi32>
        %select_n3A_1080 = arith.select %ge3A_1079, %broadcast_in_dim3A_0, %broadcast_in_dim3A_2 : vector<16xi1>, vector<16xi32>
        %add3A_1081 = arith.addi %add3A_1076, %select_n3A_1080 : vector<16xi32>
        %get3A_1082 = arith.constant 96 : index
        %get3A_1083 = tpu.vector_load %arg5[%get3A_1082] {strides = array<i32>} : memref<1024xi32, #tpu.memory_space<vmem>>, vector<16xi32>,
        %ge3A_1084 = arith.cmpi sge, %get3A_1083, %broadcast_in_dim3A_1052 : vector<16xi32>
        %select_n3A_1085 = arith.select %ge3A_1084, %broadcast_in_dim3A_0, %broadcast_in_dim3A_2 : vector<16xi1>, vector<16xi32>
        %add3A_1086 = arith.addi %add3A_1081, %select_n3A_1085 : vector<16xi32>
        %get3A_1087 = arith.constant 112 : index
        %get3A_1088 = tpu.vector_load %arg5[%get3A_1087] {strides = array<i32>} : memref<1024xi32, #tpu.memory_space<vmem>>, vector<16xi32>,
        %ge3A_1089 = arith.cmpi sge, %get3A_1088, %broadcast_in_dim3A_1052 : vector<16xi32>
        %select_n3A_1090 = arith.select %ge3A_1089, %broadcast_in_dim3A_0, %broadcast_in_dim3A_2 : vector<16xi1>, vector<16xi32>
        %add3A_1091 = arith.addi %add3A_1086, %select_n3A_1090 : vector<16xi32>
        %get3A_1092 = arith.constant 128 : index
        %get3A_1093 = tpu.vector_load %arg5[%get3A_1092] {strides = array<i32>} : memref<1024xi32, #tpu.memory_space<vmem>>, vector<16xi32>,
        %ge3A_1094 = arith.cmpi sge, %get3A_1093, %broadcast_in_dim3A_1052 : vector<16xi32>
        %select_n3A_1095 = arith.select %ge3A_1094, %broadcast_in_dim3A_0, %broadcast_in_dim3A_2 : vector<16xi1>, vector<16xi32>
        %add3A_1096 = arith.addi %add3A_1091, %select_n3A_1095 : vector<16xi32>
        %get3A_1097 = arith.constant 144 : index
        %get3A_1098 = tpu.vector_load %arg5[%get3A_1097] {strides = array<i32>} : memref<1024xi32, #tpu.memory_space<vmem>>, vector<16xi32>,
        %ge3A_1099 = arith.cmpi sge, %get3A_1098, %broadcast_in_dim3A_1052 : vector<16xi32>
        %select_n3A_1100 = arith.select %ge3A_1099, %broadcast_in_dim3A_0, %broadcast_in_dim3A_2 : vector<16xi1>, vector<16xi32>
        %add3A_1101 = arith.addi %add3A_1096, %select_n3A_1100 : vector<16xi32>
        %get3A_1102 = arith.constant 160 : index
        %get3A_1103 = tpu.vector_load %arg5[%get3A_1102] {strides = array<i32>} : memref<1024xi32, #tpu.memory_space<vmem>>, vector<16xi32>,
        %ge3A_1104 = arith.cmpi sge, %get3A_1103, %broadcast_in_dim3A_1052 : vector<16xi32>
        %select_n3A_1105 = arith.select %ge3A_1104, %broadcast_in_dim3A_0, %broadcast_in_dim3A_2 : vector<16xi1>, vector<16xi32>
        %add3A_1106 = arith.addi %add3A_1101, %select_n3A_1105 : vector<16xi32>
        %get3A_1107 = arith.constant 176 : index
        %get3A_1108 = tpu.vector_load %arg5[%get3A_1107] {strides = array<i32>} : memref<1024xi32, #tpu.memory_space<vmem>>, vector<16xi32>,
        %ge3A_1109 = arith.cmpi sge, %get3A_1108, %broadcast_in_dim3A_1052 : vector<16xi32>
        %select_n3A_1110 = arith.select %ge3A_1109, %broadcast_in_dim3A_0, %broadcast_in_dim3A_2 : vector<16xi1>, vector<16xi32>
        %add3A_1111 = arith.addi %add3A_1106, %select_n3A_1110 : vector<16xi32>
        %get3A_1112 = arith.constant 192 : index
        %get3A_1113 = tpu.vector_load %arg5[%get3A_1112] {strides = array<i32>} : memref<1024xi32, #tpu.memory_space<vmem>>, vector<16xi32>,
        %ge3A_1114 = arith.cmpi sge, %get3A_1113, %broadcast_in_dim3A_1052 : vector<16xi32>
        %select_n3A_1115 = arith.select %ge3A_1114, %broadcast_in_dim3A_0, %broadcast_in_dim3A_2 : vector<16xi1>, vector<16xi32>
        %add3A_1116 = arith.addi %add3A_1111, %select_n3A_1115 : vector<16xi32>
        %get3A_1117 = arith.constant 208 : index
        %get3A_1118 = tpu.vector_load %arg5[%get3A_1117] {strides = array<i32>} : memref<1024xi32, #tpu.memory_space<vmem>>, vector<16xi32>,
        %ge3A_1119 = arith.cmpi sge, %get3A_1118, %broadcast_in_dim3A_1052 : vector<16xi32>
        %select_n3A_1120 = arith.select %ge3A_1119, %broadcast_in_dim3A_0, %broadcast_in_dim3A_2 : vector<16xi1>, vector<16xi32>
        %add3A_1121 = arith.addi %add3A_1116, %select_n3A_1120 : vector<16xi32>
        %get3A_1122 = arith.constant 224 : index
        %get3A_1123 = tpu.vector_load %arg5[%get3A_1122] {strides = array<i32>} : memref<1024xi32, #tpu.memory_space<vmem>>, vector<16xi32>,
        %ge3A_1124 = arith.cmpi sge, %get3A_1123, %broadcast_in_dim3A_1052 : vector<16xi32>
        %select_n3A_1125 = arith.select %ge3A_1124, %broadcast_in_dim3A_0, %broadcast_in_dim3A_2 : vector<16xi1>, vector<16xi32>
        %add3A_1126 = arith.addi %add3A_1121, %select_n3A_1125 : vector<16xi32>
        %get3A_1127 = arith.constant 240 : index
        %get3A_1128 = tpu.vector_load %arg5[%get3A_1127] {strides = array<i32>} : memref<1024xi32, #tpu.memory_space<vmem>>, vector<16xi32>,
        %ge3A_1129 = arith.cmpi sge, %get3A_1128, %broadcast_in_dim3A_1052 : vector<16xi32>
        %select_n3A_1130 = arith.select %ge3A_1129, %broadcast_in_dim3A_0, %broadcast_in_dim3A_2 : vector<16xi1>, vector<16xi32>
        %add3A_1131 = arith.addi %add3A_1126, %select_n3A_1130 : vector<16xi32>
        %get3A_1132 = arith.constant 256 : index
        %get3A_1133 = tpu.vector_load %arg5[%get3A_1132] {strides = array<i32>} : memref<1024xi32, #tpu.memory_space<vmem>>, vector<16xi32>,
        %ge3A_1134 = arith.cmpi sge, %get3A_1133, %broadcast_in_dim3A_1052 : vector<16xi32>
        %select_n3A_1135 = arith.select %ge3A_1134, %broadcast_in_dim3A_0, %broadcast_in_dim3A_2 : vector<16xi1>, vector<16xi32>
        %add3A_1136 = arith.addi %add3A_1131, %select_n3A_1135 : vector<16xi32>
        %get3A_1137 = arith.constant 272 : index
        %get3A_1138 = tpu.vector_load %arg5[%get3A_1137] {strides = array<i32>} : memref<1024xi32, #tpu.memory_space<vmem>>, vector<16xi32>,
        %ge3A_1139 = arith.cmpi sge, %get3A_1138, %broadcast_in_dim3A_1052 : vector<16xi32>
        %select_n3A_1140 = arith.select %ge3A_1139, %broadcast_in_dim3A_0, %broadcast_in_dim3A_2 : vector<16xi1>, vector<16xi32>
        %add3A_1141 = arith.addi %add3A_1136, %select_n3A_1140 : vector<16xi32>
        %get3A_1142 = arith.constant 288 : index
        %get3A_1143 = tpu.vector_load %arg5[%get3A_1142] {strides = array<i32>} : memref<1024xi32, #tpu.memory_space<vmem>>, vector<16xi32>,
        %ge3A_1144 = arith.cmpi sge, %get3A_1143, %broadcast_in_dim3A_1052 : vector<16xi32>
        %select_n3A_1145 = arith.select %ge3A_1144, %broadcast_in_dim3A_0, %broadcast_in_dim3A_2 : vector<16xi1>, vector<16xi32>
        %add3A_1146 = arith.addi %add3A_1141, %select_n3A_1145 : vector<16xi32>
        %get3A_1147 = arith.constant 304 : index
        %get3A_1148 = tpu.vector_load %arg5[%get3A_1147] {strides = array<i32>} : memref<1024xi32, #tpu.memory_space<vmem>>, vector<16xi32>,
        %ge3A_1149 = arith.cmpi sge, %get3A_1148, %broadcast_in_dim3A_1052 : vector<16xi32>
        %select_n3A_1150 = arith.select %ge3A_1149, %broadcast_in_dim3A_0, %broadcast_in_dim3A_2 : vector<16xi1>, vector<16xi32>
        %add3A_1151 = arith.addi %add3A_1146, %select_n3A_1150 : vector<16xi32>
        %get3A_1152 = arith.constant 320 : index
        %get3A_1153 = tpu.vector_load %arg5[%get3A_1152] {strides = array<i32>} : memref<1024xi32, #tpu.memory_space<vmem>>, vector<16xi32>,
        %ge3A_1154 = arith.cmpi sge, %get3A_1153, %broadcast_in_dim3A_1052 : vector<16xi32>
        %select_n3A_1155 = arith.select %ge3A_1154, %broadcast_in_dim3A_0, %broadcast_in_dim3A_2 : vector<16xi1>, vector<16xi32>
        %add3A_1156 = arith.addi %add3A_1151, %select_n3A_1155 : vector<16xi32>
        %get3A_1157 = arith.constant 336 : index
        %get3A_1158 = tpu.vector_load %arg5[%get3A_1157] {strides = array<i32>} : memref<1024xi32, #tpu.memory_space<vmem>>, vector<16xi32>,
        %ge3A_1159 = arith.cmpi sge, %get3A_1158, %broadcast_in_dim3A_1052 : vector<16xi32>
        %select_n3A_1160 = arith.select %ge3A_1159, %broadcast_in_dim3A_0, %broadcast_in_dim3A_2 : vector<16xi1>, vector<16xi32>
        %add3A_1161 = arith.addi %add3A_1156, %select_n3A_1160 : vector<16xi32>
        %get3A_1162 = arith.constant 352 : index
        %get3A_1163 = tpu.vector_load %arg5[%get3A_1162] {strides = array<i32>} : memref<1024xi32, #tpu.memory_space<vmem>>, vector<16xi32>,
        %ge3A_1164 = arith.cmpi sge, %get3A_1163, %broadcast_in_dim3A_1052 : vector<16xi32>
        %select_n3A_1165 = arith.select %ge3A_1164, %broadcast_in_dim3A_0, %broadcast_in_dim3A_2 : vector<16xi1>, vector<16xi32>
        %add3A_1166 = arith.addi %add3A_1161, %select_n3A_1165 : vector<16xi32>
        %get3A_1167 = arith.constant 368 : index
        %get3A_1168 = tpu.vector_load %arg5[%get3A_1167] {strides = array<i32>} : memref<1024xi32, #tpu.memory_space<vmem>>, vector<16xi32>,
        %ge3A_1169 = arith.cmpi sge, %get3A_1168, %broadcast_in_dim3A_1052 : vector<16xi32>
        %select_n3A_1170 = arith.select %ge3A_1169, %broadcast_in_dim3A_0, %broadcast_in_dim3A_2 : vector<16xi1>, vector<16xi32>
        %add3A_1171 = arith.addi %add3A_1166, %select_n3A_1170 : vector<16xi32>
        %get3A_1172 = arith.constant 384 : index
        %get3A_1173 = tpu.vector_load %arg5[%get3A_1172] {strides = array<i32>} : memref<1024xi32, #tpu.memory_space<vmem>>, vector<16xi32>,
        %ge3A_1174 = arith.cmpi sge, %get3A_1173, %broadcast_in_dim3A_1052 : vector<16xi32>
        %select_n3A_1175 = arith.select %ge3A_1174, %broadcast_in_dim3A_0, %broadcast_in_dim3A_2 : vector<16xi1>, vector<16xi32>
        %add3A_1176 = arith.addi %add3A_1171, %select_n3A_1175 : vector<16xi32>
        %get3A_1177 = arith.constant 400 : index
        %get3A_1178 = tpu.vector_load %arg5[%get3A_1177] {strides = array<i32>} : memref<1024xi32, #tpu.memory_space<vmem>>, vector<16xi32>,
        %ge3A_1179 = arith.cmpi sge, %get3A_1178, %broadcast_in_dim3A_1052 : vector<16xi32>
        %select_n3A_1180 = arith.select %ge3A_1179, %broadcast_in_dim3A_0, %broadcast_in_dim3A_2 : vector<16xi1>, vector<16xi32>
        %add3A_1181 = arith.addi %add3A_1176, %select_n3A_1180 : vector<16xi32>
        %get3A_1182 = arith.constant 416 : index
        %get3A_1183 = tpu.vector_load %arg5[%get3A_1182] {strides = array<i32>} : memref<1024xi32, #tpu.memory_space<vmem>>, vector<16xi32>,
        %ge3A_1184 = arith.cmpi sge, %get3A_1183, %broadcast_in_dim3A_1052 : vector<16xi32>
        %select_n3A_1185 = arith.select %ge3A_1184, %broadcast_in_dim3A_0, %broadcast_in_dim3A_2 : vector<16xi1>, vector<16xi32>
        %add3A_1186 = arith.addi %add3A_1181, %select_n3A_1185 : vector<16xi32>
        %get3A_1187 = arith.constant 432 : index
        %get3A_1188 = tpu.vector_load %arg5[%get3A_1187] {strides = array<i32>} : memref<1024xi32, #tpu.memory_space<vmem>>, vector<16xi32>,
        %ge3A_1189 = arith.cmpi sge, %get3A_1188, %broadcast_in_dim3A_1052 : vector<16xi32>
        %select_n3A_1190 = arith.select %ge3A_1189, %broadcast_in_dim3A_0, %broadcast_in_dim3A_2 : vector<16xi1>, vector<16xi32>
        %add3A_1191 = arith.addi %add3A_1186, %select_n3A_1190 : vector<16xi32>
        %get3A_1192 = arith.constant 448 : index
        %get3A_1193 = tpu.vector_load %arg5[%get3A_1192] {strides = array<i32>} : memref<1024xi32, #tpu.memory_space<vmem>>, vector<16xi32>,
        %ge3A_1194 = arith.cmpi sge, %get3A_1193, %broadcast_in_dim3A_1052 : vector<16xi32>
        %select_n3A_1195 = arith.select %ge3A_1194, %broadcast_in_dim3A_0, %broadcast_in_dim3A_2 : vector<16xi1>, vector<16xi32>
        %add3A_1196 = arith.addi %add3A_1191, %select_n3A_1195 : vector<16xi32>
        %get3A_1197 = arith.constant 464 : index
        %get3A_1198 = tpu.vector_load %arg5[%get3A_1197] {strides = array<i32>} : memref<1024xi32, #tpu.memory_space<vmem>>, vector<16xi32>,
        %ge3A_1199 = arith.cmpi sge, %get3A_1198, %broadcast_in_dim3A_1052 : vector<16xi32>
        %select_n3A_1200 = arith.select %ge3A_1199, %broadcast_in_dim3A_0, %broadcast_in_dim3A_2 : vector<16xi1>, vector<16xi32>
        %add3A_1201 = arith.addi %add3A_1196, %select_n3A_1200 : vector<16xi32>
        %get3A_1202 = arith.constant 480 : index
        %get3A_1203 = tpu.vector_load %arg5[%get3A_1202] {strides = array<i32>} : memref<1024xi32, #tpu.memory_space<vmem>>, vector<16xi32>,
        %ge3A_1204 = arith.cmpi sge, %get3A_1203, %broadcast_in_dim3A_1052 : vector<16xi32>
        %select_n3A_1205 = arith.select %ge3A_1204, %broadcast_in_dim3A_0, %broadcast_in_dim3A_2 : vector<16xi1>, vector<16xi32>
        %add3A_1206 = arith.addi %add3A_1201, %select_n3A_1205 : vector<16xi32>
        %get3A_1207 = arith.constant 496 : index
        %get3A_1208 = tpu.vector_load %arg5[%get3A_1207] {strides = array<i32>} : memref<1024xi32, #tpu.memory_space<vmem>>, vector<16xi32>,
        %ge3A_1209 = arith.cmpi sge, %get3A_1208, %broadcast_in_dim3A_1052 : vector<16xi32>
        %select_n3A_1210 = arith.select %ge3A_1209, %broadcast_in_dim3A_0, %broadcast_in_dim3A_2 : vector<16xi1>, vector<16xi32>
        %add3A_1211 = arith.addi %add3A_1206, %select_n3A_1210 : vector<16xi32>
        %get3A_1212 = arith.constant 512 : index
        %get3A_1213 = tpu.vector_load %arg5[%get3A_1212] {strides = array<i32>} : memref<1024xi32, #tpu.memory_space<vmem>>, vector<16xi32>,
        %ge3A_1214 = arith.cmpi sge, %get3A_1213, %broadcast_in_dim3A_1052 : vector<16xi32>
        %select_n3A_1215 = arith.select %ge3A_1214, %broadcast_in_dim3A_0, %broadcast_in_dim3A_2 : vector<16xi1>, vector<16xi32>
        %add3A_1216 = arith.addi %add3A_1211, %select_n3A_1215 : vector<16xi32>
        %get3A_1217 = arith.constant 528 : index
        %get3A_1218 = tpu.vector_load %arg5[%get3A_1217] {strides = array<i32>} : memref<1024xi32, #tpu.memory_space<vmem>>, vector<16xi32>,
        %ge3A_1219 = arith.cmpi sge, %get3A_1218, %broadcast_in_dim3A_1052 : vector<16xi32>
        %select_n3A_1220 = arith.select %ge3A_1219, %broadcast_in_dim3A_0, %broadcast_in_dim3A_2 : vector<16xi1>, vector<16xi32>
        %add3A_1221 = arith.addi %add3A_1216, %select_n3A_1220 : vector<16xi32>
        %get3A_1222 = arith.constant 544 : index
        %get3A_1223 = tpu.vector_load %arg5[%get3A_1222] {strides = array<i32>} : memref<1024xi32, #tpu.memory_space<vmem>>, vector<16xi32>,
        %ge3A_1224 = arith.cmpi sge, %get3A_1223, %broadcast_in_dim3A_1052 : vector<16xi32>
        %select_n3A_1225 = arith.select %ge3A_1224, %broadcast_in_dim3A_0, %broadcast_in_dim3A_2 : vector<16xi1>, vector<16xi32>
        %add3A_1226 = arith.addi %add3A_1221, %select_n3A_1225 : vector<16xi32>
        %get3A_1227 = arith.constant 560 : index
        %get3A_1228 = tpu.vector_load %arg5[%get3A_1227] {strides = array<i32>} : memref<1024xi32, #tpu.memory_space<vmem>>, vector<16xi32>,
        %ge3A_1229 = arith.cmpi sge, %get3A_1228, %broadcast_in_dim3A_1052 : vector<16xi32>
        %select_n3A_1230 = arith.select %ge3A_1229, %broadcast_in_dim3A_0, %broadcast_in_dim3A_2 : vector<16xi1>, vector<16xi32>
        %add3A_1231 = arith.addi %add3A_1226, %select_n3A_1230 : vector<16xi32>
        %get3A_1232 = arith.constant 576 : index
        %get3A_1233 = tpu.vector_load %arg5[%get3A_1232] {strides = array<i32>} : memref<1024xi32, #tpu.memory_space<vmem>>, vector<16xi32>,
        %ge3A_1234 = arith.cmpi sge, %get3A_1233, %broadcast_in_dim3A_1052 : vector<16xi32>
        %select_n3A_1235 = arith.select %ge3A_1234, %broadcast_in_dim3A_0, %broadcast_in_dim3A_2 : vector<16xi1>, vector<16xi32>
        %add3A_1236 = arith.addi %add3A_1231, %select_n3A_1235 : vector<16xi32>
        %get3A_1237 = arith.constant 592 : index
        %get3A_1238 = tpu.vector_load %arg5[%get3A_1237] {strides = array<i32>} : memref<1024xi32, #tpu.memory_space<vmem>>, vector<16xi32>,
        %ge3A_1239 = arith.cmpi sge, %get3A_1238, %broadcast_in_dim3A_1052 : vector<16xi32>
        %select_n3A_1240 = arith.select %ge3A_1239, %broadcast_in_dim3A_0, %broadcast_in_dim3A_2 : vector<16xi1>, vector<16xi32>
        %add3A_1241 = arith.addi %add3A_1236, %select_n3A_1240 : vector<16xi32>
        %get3A_1242 = arith.constant 608 : index
        %get3A_1243 = tpu.vector_load %arg5[%get3A_1242] {strides = array<i32>} : memref<1024xi32, #tpu.memory_space<vmem>>, vector<16xi32>,
        %ge3A_1244 = arith.cmpi sge, %get3A_1243, %broadcast_in_dim3A_1052 : vector<16xi32>
        %select_n3A_1245 = arith.select %ge3A_1244, %broadcast_in_dim3A_0, %broadcast_in_dim3A_2 : vector<16xi1>, vector<16xi32>
        %add3A_1246 = arith.addi %add3A_1241, %select_n3A_1245 : vector<16xi32>
        %get3A_1247 = arith.constant 624 : index
        %get3A_1248 = tpu.vector_load %arg5[%get3A_1247] {strides = array<i32>} : memref<1024xi32, #tpu.memory_space<vmem>>, vector<16xi32>,
        %ge3A_1249 = arith.cmpi sge, %get3A_1248, %broadcast_in_dim3A_1052 : vector<16xi32>
        %select_n3A_1250 = arith.select %ge3A_1249, %broadcast_in_dim3A_0, %broadcast_in_dim3A_2 : vector<16xi1>, vector<16xi32>
        %add3A_1251 = arith.addi %add3A_1246, %select_n3A_1250 : vector<16xi32>
        %get3A_1252 = arith.constant 640 : index
        %get3A_1253 = tpu.vector_load %arg5[%get3A_1252] {strides = array<i32>} : memref<1024xi32, #tpu.memory_space<vmem>>, vector<16xi32>,
        %ge3A_1254 = arith.cmpi sge, %get3A_1253, %broadcast_in_dim3A_1052 : vector<16xi32>
        %select_n3A_1255 = arith.select %ge3A_1254, %broadcast_in_dim3A_0, %broadcast_in_dim3A_2 : vector<16xi1>, vector<16xi32>
        %add3A_1256 = arith.addi %add3A_1251, %select_n3A_1255 : vector<16xi32>
        %get3A_1257 = arith.constant 656 : index
        %get3A_1258 = tpu.vector_load %arg5[%get3A_1257] {strides = array<i32>} : memref<1024xi32, #tpu.memory_space<vmem>>, vector<16xi32>,
        %ge3A_1259 = arith.cmpi sge, %get3A_1258, %broadcast_in_dim3A_1052 : vector<16xi32>
        %select_n3A_1260 = arith.select %ge3A_1259, %broadcast_in_dim3A_0, %broadcast_in_dim3A_2 : vector<16xi1>, vector<16xi32>
        %add3A_1261 = arith.addi %add3A_1256, %select_n3A_1260 : vector<16xi32>
        %get3A_1262 = arith.constant 672 : index
        %get3A_1263 = tpu.vector_load %arg5[%get3A_1262] {strides = array<i32>} : memref<1024xi32, #tpu.memory_space<vmem>>, vector<16xi32>,
        %ge3A_1264 = arith.cmpi sge, %get3A_1263, %broadcast_in_dim3A_1052 : vector<16xi32>
        %select_n3A_1265 = arith.select %ge3A_1264, %broadcast_in_dim3A_0, %broadcast_in_dim3A_2 : vector<16xi1>, vector<16xi32>
        %add3A_1266 = arith.addi %add3A_1261, %select_n3A_1265 : vector<16xi32>
        %get3A_1267 = arith.constant 688 : index
        %get3A_1268 = tpu.vector_load %arg5[%get3A_1267] {strides = array<i32>} : memref<1024xi32, #tpu.memory_space<vmem>>, vector<16xi32>,
        %ge3A_1269 = arith.cmpi sge, %get3A_1268, %broadcast_in_dim3A_1052 : vector<16xi32>
        %select_n3A_1270 = arith.select %ge3A_1269, %broadcast_in_dim3A_0, %broadcast_in_dim3A_2 : vector<16xi1>, vector<16xi32>
        %add3A_1271 = arith.addi %add3A_1266, %select_n3A_1270 : vector<16xi32>
        %get3A_1272 = arith.constant 704 : index
        %get3A_1273 = tpu.vector_load %arg5[%get3A_1272] {strides = array<i32>} : memref<1024xi32, #tpu.memory_space<vmem>>, vector<16xi32>,
        %ge3A_1274 = arith.cmpi sge, %get3A_1273, %broadcast_in_dim3A_1052 : vector<16xi32>
        %select_n3A_1275 = arith.select %ge3A_1274, %broadcast_in_dim3A_0, %broadcast_in_dim3A_2 : vector<16xi1>, vector<16xi32>
        %add3A_1276 = arith.addi %add3A_1271, %select_n3A_1275 : vector<16xi32>
        %get3A_1277 = arith.constant 720 : index
        %get3A_1278 = tpu.vector_load %arg5[%get3A_1277] {strides = array<i32>} : memref<1024xi32, #tpu.memory_space<vmem>>, vector<16xi32>,
        %ge3A_1279 = arith.cmpi sge, %get3A_1278, %broadcast_in_dim3A_1052 : vector<16xi32>
        %select_n3A_1280 = arith.select %ge3A_1279, %broadcast_in_dim3A_0, %broadcast_in_dim3A_2 : vector<16xi1>, vector<16xi32>
        %add3A_1281 = arith.addi %add3A_1276, %select_n3A_1280 : vector<16xi32>
        %get3A_1282 = arith.constant 736 : index
        %get3A_1283 = tpu.vector_load %arg5[%get3A_1282] {strides = array<i32>} : memref<1024xi32, #tpu.memory_space<vmem>>, vector<16xi32>,
        %ge3A_1284 = arith.cmpi sge, %get3A_1283, %broadcast_in_dim3A_1052 : vector<16xi32>
        %select_n3A_1285 = arith.select %ge3A_1284, %broadcast_in_dim3A_0, %broadcast_in_dim3A_2 : vector<16xi1>, vector<16xi32>
        %add3A_1286 = arith.addi %add3A_1281, %select_n3A_1285 : vector<16xi32>
        %get3A_1287 = arith.constant 752 : index
        %get3A_1288 = tpu.vector_load %arg5[%get3A_1287] {strides = array<i32>} : memref<1024xi32, #tpu.memory_space<vmem>>, vector<16xi32>,
        %ge3A_1289 = arith.cmpi sge, %get3A_1288, %broadcast_in_dim3A_1052 : vector<16xi32>
        %select_n3A_1290 = arith.select %ge3A_1289, %broadcast_in_dim3A_0, %broadcast_in_dim3A_2 : vector<16xi1>, vector<16xi32>
        %add3A_1291 = arith.addi %add3A_1286, %select_n3A_1290 : vector<16xi32>
        %get3A_1292 = arith.constant 768 : index
        %get3A_1293 = tpu.vector_load %arg5[%get3A_1292] {strides = array<i32>} : memref<1024xi32, #tpu.memory_space<vmem>>, vector<16xi32>,
        %ge3A_1294 = arith.cmpi sge, %get3A_1293, %broadcast_in_dim3A_1052 : vector<16xi32>
        %select_n3A_1295 = arith.select %ge3A_1294, %broadcast_in_dim3A_0, %broadcast_in_dim3A_2 : vector<16xi1>, vector<16xi32>
        %add3A_1296 = arith.addi %add3A_1291, %select_n3A_1295 : vector<16xi32>
        %get3A_1297 = arith.constant 784 : index
        %get3A_1298 = tpu.vector_load %arg5[%get3A_1297] {strides = array<i32>} : memref<1024xi32, #tpu.memory_space<vmem>>, vector<16xi32>,
        %ge3A_1299 = arith.cmpi sge, %get3A_1298, %broadcast_in_dim3A_1052 : vector<16xi32>
        %select_n3A_1300 = arith.select %ge3A_1299, %broadcast_in_dim3A_0, %broadcast_in_dim3A_2 : vector<16xi1>, vector<16xi32>
        %add3A_1301 = arith.addi %add3A_1296, %select_n3A_1300 : vector<16xi32>
        %get3A_1302 = arith.constant 800 : index
        %get3A_1303 = tpu.vector_load %arg5[%get3A_1302] {strides = array<i32>} : memref<1024xi32, #tpu.memory_space<vmem>>, vector<16xi32>,
        %ge3A_1304 = arith.cmpi sge, %get3A_1303, %broadcast_in_dim3A_1052 : vector<16xi32>
        %select_n3A_1305 = arith.select %ge3A_1304, %broadcast_in_dim3A_0, %broadcast_in_dim3A_2 : vector<16xi1>, vector<16xi32>
        %add3A_1306 = arith.addi %add3A_1301, %select_n3A_1305 : vector<16xi32>
        %get3A_1307 = arith.constant 816 : index
        %get3A_1308 = tpu.vector_load %arg5[%get3A_1307] {strides = array<i32>} : memref<1024xi32, #tpu.memory_space<vmem>>, vector<16xi32>,
        %ge3A_1309 = arith.cmpi sge, %get3A_1308, %broadcast_in_dim3A_1052 : vector<16xi32>
        %select_n3A_1310 = arith.select %ge3A_1309, %broadcast_in_dim3A_0, %broadcast_in_dim3A_2 : vector<16xi1>, vector<16xi32>
        %add3A_1311 = arith.addi %add3A_1306, %select_n3A_1310 : vector<16xi32>
        %get3A_1312 = arith.constant 832 : index
        %get3A_1313 = tpu.vector_load %arg5[%get3A_1312] {strides = array<i32>} : memref<1024xi32, #tpu.memory_space<vmem>>, vector<16xi32>,
        %ge3A_1314 = arith.cmpi sge, %get3A_1313, %broadcast_in_dim3A_1052 : vector<16xi32>
        %select_n3A_1315 = arith.select %ge3A_1314, %broadcast_in_dim3A_0, %broadcast_in_dim3A_2 : vector<16xi1>, vector<16xi32>
        %add3A_1316 = arith.addi %add3A_1311, %select_n3A_1315 : vector<16xi32>
        %get3A_1317 = arith.constant 848 : index
        %get3A_1318 = tpu.vector_load %arg5[%get3A_1317] {strides = array<i32>} : memref<1024xi32, #tpu.memory_space<vmem>>, vector<16xi32>,
        %ge3A_1319 = arith.cmpi sge, %get3A_1318, %broadcast_in_dim3A_1052 : vector<16xi32>
        %select_n3A_1320 = arith.select %ge3A_1319, %broadcast_in_dim3A_0, %broadcast_in_dim3A_2 : vector<16xi1>, vector<16xi32>
        %add3A_1321 = arith.addi %add3A_1316, %select_n3A_1320 : vector<16xi32>
        %get3A_1322 = arith.constant 864 : index
        %get3A_1323 = tpu.vector_load %arg5[%get3A_1322] {strides = array<i32>} : memref<1024xi32, #tpu.memory_space<vmem>>, vector<16xi32>,
        %ge3A_1324 = arith.cmpi sge, %get3A_1323, %broadcast_in_dim3A_1052 : vector<16xi32>
        %select_n3A_1325 = arith.select %ge3A_1324, %broadcast_in_dim3A_0, %broadcast_in_dim3A_2 : vector<16xi1>, vector<16xi32>
        %add3A_1326 = arith.addi %add3A_1321, %select_n3A_1325 : vector<16xi32>
        %get3A_1327 = arith.constant 880 : index
        %get3A_1328 = tpu.vector_load %arg5[%get3A_1327] {strides = array<i32>} : memref<1024xi32, #tpu.memory_space<vmem>>, vector<16xi32>,
        %ge3A_1329 = arith.cmpi sge, %get3A_1328, %broadcast_in_dim3A_1052 : vector<16xi32>
        %select_n3A_1330 = arith.select %ge3A_1329, %broadcast_in_dim3A_0, %broadcast_in_dim3A_2 : vector<16xi1>, vector<16xi32>
        %add3A_1331 = arith.addi %add3A_1326, %select_n3A_1330 : vector<16xi32>
        %get3A_1332 = arith.constant 896 : index
        %get3A_1333 = tpu.vector_load %arg5[%get3A_1332] {strides = array<i32>} : memref<1024xi32, #tpu.memory_space<vmem>>, vector<16xi32>,
        %ge3A_1334 = arith.cmpi sge, %get3A_1333, %broadcast_in_dim3A_1052 : vector<16xi32>
        %select_n3A_1335 = arith.select %ge3A_1334, %broadcast_in_dim3A_0, %broadcast_in_dim3A_2 : vector<16xi1>, vector<16xi32>
        %add3A_1336 = arith.addi %add3A_1331, %select_n3A_1335 : vector<16xi32>
        %get3A_1337 = arith.constant 912 : index
        %get3A_1338 = tpu.vector_load %arg5[%get3A_1337] {strides = array<i32>} : memref<1024xi32, #tpu.memory_space<vmem>>, vector<16xi32>,
        %ge3A_1339 = arith.cmpi sge, %get3A_1338, %broadcast_in_dim3A_1052 : vector<16xi32>
        %select_n3A_1340 = arith.select %ge3A_1339, %broadcast_in_dim3A_0, %broadcast_in_dim3A_2 : vector<16xi1>, vector<16xi32>
        %add3A_1341 = arith.addi %add3A_1336, %select_n3A_1340 : vector<16xi32>
        %get3A_1342 = arith.constant 928 : index
        %get3A_1343 = tpu.vector_load %arg5[%get3A_1342] {strides = array<i32>} : memref<1024xi32, #tpu.memory_space<vmem>>, vector<16xi32>,
        %ge3A_1344 = arith.cmpi sge, %get3A_1343, %broadcast_in_dim3A_1052 : vector<16xi32>
        %select_n3A_1345 = arith.select %ge3A_1344, %broadcast_in_dim3A_0, %broadcast_in_dim3A_2 : vector<16xi1>, vector<16xi32>
        %add3A_1346 = arith.addi %add3A_1341, %select_n3A_1345 : vector<16xi32>
        %get3A_1347 = arith.constant 944 : index
        %get3A_1348 = tpu.vector_load %arg5[%get3A_1347] {strides = array<i32>} : memref<1024xi32, #tpu.memory_space<vmem>>, vector<16xi32>,
        %ge3A_1349 = arith.cmpi sge, %get3A_1348, %broadcast_in_dim3A_1052 : vector<16xi32>
        %select_n3A_1350 = arith.select %ge3A_1349, %broadcast_in_dim3A_0, %broadcast_in_dim3A_2 : vector<16xi1>, vector<16xi32>
        %add3A_1351 = arith.addi %add3A_1346, %select_n3A_1350 : vector<16xi32>
        %get3A_1352 = arith.constant 960 : index
        %get3A_1353 = tpu.vector_load %arg5[%get3A_1352] {strides = array<i32>} : memref<1024xi32, #tpu.memory_space<vmem>>, vector<16xi32>,
        %ge3A_1354 = arith.cmpi sge, %get3A_1353, %broadcast_in_dim3A_1052 : vector<16xi32>
        %select_n3A_1355 = arith.select %ge3A_1354, %broadcast_in_dim3A_0, %broadcast_in_dim3A_2 : vector<16xi1>, vector<16xi32>
        %add3A_1356 = arith.addi %add3A_1351, %select_n3A_1355 : vector<16xi32>
        %get3A_1357 = arith.constant 976 : index
        %get3A_1358 = tpu.vector_load %arg5[%get3A_1357] {strides = array<i32>} : memref<1024xi32, #tpu.memory_space<vmem>>, vector<16xi32>,
        %ge3A_1359 = arith.cmpi sge, %get3A_1358, %broadcast_in_dim3A_1052 : vector<16xi32>
        %select_n3A_1360 = arith.select %ge3A_1359, %broadcast_in_dim3A_0, %broadcast_in_dim3A_2 : vector<16xi1>, vector<16xi32>
        %add3A_1361 = arith.addi %add3A_1356, %select_n3A_1360 : vector<16xi32>
        %get3A_1362 = arith.constant 992 : index
        %get3A_1363 = tpu.vector_load %arg5[%get3A_1362] {strides = array<i32>} : memref<1024xi32, #tpu.memory_space<vmem>>, vector<16xi32>,
        %ge3A_1364 = arith.cmpi sge, %get3A_1363, %broadcast_in_dim3A_1052 : vector<16xi32>
        %select_n3A_1365 = arith.select %ge3A_1364, %broadcast_in_dim3A_0, %broadcast_in_dim3A_2 : vector<16xi1>, vector<16xi32>
        %add3A_1366 = arith.addi %add3A_1361, %select_n3A_1365 : vector<16xi32>
        %get3A_1367 = arith.constant 1008 : index
        %get3A_1368 = tpu.vector_load %arg5[%get3A_1367] {strides = array<i32>} : memref<1024xi32, #tpu.memory_space<vmem>>, vector<16xi32>,
        %ge3A_1369 = arith.cmpi sge, %get3A_1368, %broadcast_in_dim3A_1052 : vector<16xi32>
        %select_n3A_1370 = arith.select %ge3A_1369, %broadcast_in_dim3A_0, %broadcast_in_dim3A_2 : vector<16xi1>, vector<16xi32>
        %add3A_1371 = arith.addi %add3A_1366, %select_n3A_1370 : vector<16xi32>
        %swap3A_1372 = arith.constant 0 : index
        %swap3A_1373 = tpu.vector_load %arg6[%swap3A_1372] {strides = array<i32>} : memref<16xi32, #tpu.memory_space<vmem>>, vector<16xi32>,
        tpu.vector_store %arg6[%swap3A_1372], %add3A_1371 {strides = array<i32>} : memref<16xi32, #tpu.memory_space<vmem>>, vector<16xi32>,
        "tpu.region"() ({
          %run_scoped3A_1465 = tpu.sem_alloc : memref<!tpu.dma_semaphore, #tpu.memory_space<semaphore_mem>>
          %dma_start3A = arith.constant 0 : i32
          %dma_start3A_1466 = tpu.memref_slice %arg10[%scan3A_1044, %arg1, %dma_start3A] : memref<34x16x16xi32, #tpu.memory_space<vmem_shared>> -> memref<1x1x16xi32, #tpu.memory_space<vmem_shared>>
          %dma_start3A_1467 = tpu.memref_squeeze %dma_start3A_1466 : memref<1x1x16xi32, #tpu.memory_space<vmem_shared>> -> memref<16xi32, #tpu.memory_space<vmem_shared>>
          %dma_start3A_1468 = arith.constant 0 : i32
          %dma_start3A_1469 = tpu.memref_slice %arg10[%scan3A_1044, %arg1, %dma_start3A_1468] : memref<34x16x16xi32, #tpu.memory_space<vmem_shared>> -> memref<1x1x16xi32, #tpu.memory_space<vmem_shared>>
          %dma_start3A_1470 = tpu.memref_squeeze %dma_start3A_1469 : memref<1x1x16xi32, #tpu.memory_space<vmem_shared>> -> memref<16xi32, #tpu.memory_space<vmem_shared>>
          tpu.enqueue_dma source(%arg6 : memref<16xi32, #tpu.memory_space<vmem>>) target(%dma_start3A_1470 : memref<16xi32, #tpu.memory_space<vmem_shared>>) target_semaphore(%run_scoped3A_1465 : memref<!tpu.dma_semaphore, #tpu.memory_space<semaphore_mem>>)
          %dma_wait3A = arith.constant 0 : i32
          %dma_wait3A_1471 = tpu.memref_slice %arg10[%scan3A_1044, %arg1, %dma_wait3A] : memref<34x16x16xi32, #tpu.memory_space<vmem_shared>> -> memref<1x1x16xi32, #tpu.memory_space<vmem_shared>>
          %dma_wait3A_1472 = tpu.memref_squeeze %dma_wait3A_1471 : memref<1x1x16xi32, #tpu.memory_space<vmem_shared>> -> memref<16xi32, #tpu.memory_space<vmem_shared>>
          %dma_wait3A_1473 = arith.constant 0 : i32
          %dma_wait3A_1474 = tpu.memref_slice %arg10[%scan3A_1044, %arg1, %dma_wait3A_1473] : memref<34x16x16xi32, #tpu.memory_space<vmem_shared>> -> memref<1x1x16xi32, #tpu.memory_space<vmem_shared>>
          %dma_wait3A_1475 = tpu.memref_squeeze %dma_wait3A_1474 : memref<1x1x16xi32, #tpu.memory_space<vmem_shared>> -> memref<16xi32, #tpu.memory_space<vmem_shared>>
          tpu.wait_dma2 semaphore(%run_scoped3A_1465 : memref<!tpu.dma_semaphore, #tpu.memory_space<semaphore_mem>>) src(%arg6 : memref<16xi32, #tpu.memory_space<vmem>>) dst(%dma_wait3A_1475 : memref<16xi32, #tpu.memory_space<vmem_shared>>)
          tpu.yield
        }) : () -> ()
        %barrier3A_1374 = arith.constant 0 : index
        tpu.barrier barrier_id(%barrier3A_1374)
        "tpu.region"() ({
          %run_scoped3A_1465 = tpu.sem_alloc : memref<!tpu.dma_semaphore, #tpu.memory_space<semaphore_mem>>
          %dma_start3A = arith.constant 0 : i32
          %dma_start3A_1466 = arith.constant 0 : i32
          %dma_start3A_1467 = tpu.memref_slice %arg10[%scan3A_1044, %dma_start3A, %dma_start3A_1466] : memref<34x16x16xi32, #tpu.memory_space<vmem_shared>> -> memref<1x16x16xi32, #tpu.memory_space<vmem_shared>>
          %dma_start3A_1468 = tpu.memref_squeeze %dma_start3A_1467 : memref<1x16x16xi32, #tpu.memory_space<vmem_shared>> -> memref<16x16xi32, #tpu.memory_space<vmem_shared>>
          %dma_start3A_1469 = arith.constant 0 : i32
          %dma_start3A_1470 = arith.constant 0 : i32
          %dma_start3A_1471 = tpu.memref_slice %arg10[%scan3A_1044, %dma_start3A_1469, %dma_start3A_1470] : memref<34x16x16xi32, #tpu.memory_space<vmem_shared>> -> memref<1x16x16xi32, #tpu.memory_space<vmem_shared>>
          %dma_start3A_1472 = tpu.memref_squeeze %dma_start3A_1471 : memref<1x16x16xi32, #tpu.memory_space<vmem_shared>> -> memref<16x16xi32, #tpu.memory_space<vmem_shared>>
          tpu.enqueue_dma source(%dma_start3A_1472 : memref<16x16xi32, #tpu.memory_space<vmem_shared>>) target(%arg8 : memref<16x16xi32, #tpu.memory_space<vmem>>) target_semaphore(%run_scoped3A_1465 : memref<!tpu.dma_semaphore, #tpu.memory_space<semaphore_mem>>)
          %dma_wait3A = arith.constant 0 : i32
          %dma_wait3A_1473 = arith.constant 0 : i32
          %dma_wait3A_1474 = tpu.memref_slice %arg10[%scan3A_1044, %dma_wait3A, %dma_wait3A_1473] : memref<34x16x16xi32, #tpu.memory_space<vmem_shared>> -> memref<1x16x16xi32, #tpu.memory_space<vmem_shared>>
          %dma_wait3A_1475 = tpu.memref_squeeze %dma_wait3A_1474 : memref<1x16x16xi32, #tpu.memory_space<vmem_shared>> -> memref<16x16xi32, #tpu.memory_space<vmem_shared>>
          %dma_wait3A_1476 = arith.constant 0 : i32
          %dma_wait3A_1477 = arith.constant 0 : i32
          %dma_wait3A_1478 = tpu.memref_slice %arg10[%scan3A_1044, %dma_wait3A_1476, %dma_wait3A_1477] : memref<34x16x16xi32, #tpu.memory_space<vmem_shared>> -> memref<1x16x16xi32, #tpu.memory_space<vmem_shared>>
          %dma_wait3A_1479 = tpu.memref_squeeze %dma_wait3A_1478 : memref<1x16x16xi32, #tpu.memory_space<vmem_shared>> -> memref<16x16xi32, #tpu.memory_space<vmem_shared>>
          tpu.wait_dma2 semaphore(%run_scoped3A_1465 : memref<!tpu.dma_semaphore, #tpu.memory_space<semaphore_mem>>) src(%dma_wait3A_1479 : memref<16x16xi32, #tpu.memory_space<vmem_shared>>) dst(%arg8 : memref<16x16xi32, #tpu.memory_space<vmem>>)
          tpu.yield
        }) : () -> ()
        %get3A_1375 = arith.constant 0 : i32
        %get3A_1376 = arith.index_cast %get3A_1375 : i32 to index
        %get3A_1377 = arith.constant 0 : index
        %get3A_1378 = tpu.vector_load %arg8[%get3A_1376, %get3A_1377] {strides = array<i32>} : memref<16x16xi32, #tpu.memory_space<vmem>>, vector<16xi32>,
        %add3A_1379 = arith.addi %broadcast_in_dim3A_2, %get3A_1378 : vector<16xi32>
        %get3A_1380 = arith.constant 1 : i32
        %get3A_1381 = arith.index_cast %get3A_1380 : i32 to index
        %get3A_1382 = arith.constant 0 : index
        %get3A_1383 = tpu.vector_load %arg8[%get3A_1381, %get3A_1382] {strides = array<i32>} : memref<16x16xi32, #tpu.memory_space<vmem>>, vector<16xi32>,
        %add3A_1384 = arith.addi %add3A_1379, %get3A_1383 : vector<16xi32>
        %get3A_1385 = arith.constant 2 : i32
        %get3A_1386 = arith.index_cast %get3A_1385 : i32 to index
        %get3A_1387 = arith.constant 0 : index
        %get3A_1388 = tpu.vector_load %arg8[%get3A_1386, %get3A_1387] {strides = array<i32>} : memref<16x16xi32, #tpu.memory_space<vmem>>, vector<16xi32>,
        %add3A_1389 = arith.addi %add3A_1384, %get3A_1388 : vector<16xi32>
        %get3A_1390 = arith.constant 3 : i32
        %get3A_1391 = arith.index_cast %get3A_1390 : i32 to index
        %get3A_1392 = arith.constant 0 : index
        %get3A_1393 = tpu.vector_load %arg8[%get3A_1391, %get3A_1392] {strides = array<i32>} : memref<16x16xi32, #tpu.memory_space<vmem>>, vector<16xi32>,
        %add3A_1394 = arith.addi %add3A_1389, %get3A_1393 : vector<16xi32>
        %get3A_1395 = arith.constant 4 : i32
        %get3A_1396 = arith.index_cast %get3A_1395 : i32 to index
        %get3A_1397 = arith.constant 0 : index
        %get3A_1398 = tpu.vector_load %arg8[%get3A_1396, %get3A_1397] {strides = array<i32>} : memref<16x16xi32, #tpu.memory_space<vmem>>, vector<16xi32>,
        %add3A_1399 = arith.addi %add3A_1394, %get3A_1398 : vector<16xi32>
        %get3A_1400 = arith.constant 5 : i32
        %get3A_1401 = arith.index_cast %get3A_1400 : i32 to index
        %get3A_1402 = arith.constant 0 : index
        %get3A_1403 = tpu.vector_load %arg8[%get3A_1401, %get3A_1402] {strides = array<i32>} : memref<16x16xi32, #tpu.memory_space<vmem>>, vector<16xi32>,
        %add3A_1404 = arith.addi %add3A_1399, %get3A_1403 : vector<16xi32>
        %get3A_1405 = arith.constant 6 : i32
        %get3A_1406 = arith.index_cast %get3A_1405 : i32 to index
        %get3A_1407 = arith.constant 0 : index
        %get3A_1408 = tpu.vector_load %arg8[%get3A_1406, %get3A_1407] {strides = array<i32>} : memref<16x16xi32, #tpu.memory_space<vmem>>, vector<16xi32>,
        %add3A_1409 = arith.addi %add3A_1404, %get3A_1408 : vector<16xi32>
        %get3A_1410 = arith.constant 7 : i32
        %get3A_1411 = arith.index_cast %get3A_1410 : i32 to index
        %get3A_1412 = arith.constant 0 : index
        %get3A_1413 = tpu.vector_load %arg8[%get3A_1411, %get3A_1412] {strides = array<i32>} : memref<16x16xi32, #tpu.memory_space<vmem>>, vector<16xi32>,
        %add3A_1414 = arith.addi %add3A_1409, %get3A_1413 : vector<16xi32>
        %get3A_1415 = arith.constant 8 : i32
        %get3A_1416 = arith.index_cast %get3A_1415 : i32 to index
        %get3A_1417 = arith.constant 0 : index
        %get3A_1418 = tpu.vector_load %arg8[%get3A_1416, %get3A_1417] {strides = array<i32>} : memref<16x16xi32, #tpu.memory_space<vmem>>, vector<16xi32>,
        %add3A_1419 = arith.addi %add3A_1414, %get3A_1418 : vector<16xi32>
        %get3A_1420 = arith.constant 9 : i32
        %get3A_1421 = arith.index_cast %get3A_1420 : i32 to index
        %get3A_1422 = arith.constant 0 : index
        %get3A_1423 = tpu.vector_load %arg8[%get3A_1421, %get3A_1422] {strides = array<i32>} : memref<16x16xi32, #tpu.memory_space<vmem>>, vector<16xi32>,
        %add3A_1424 = arith.addi %add3A_1419, %get3A_1423 : vector<16xi32>
        %get3A_1425 = arith.constant 10 : i32
        %get3A_1426 = arith.index_cast %get3A_1425 : i32 to index
        %get3A_1427 = arith.constant 0 : index
        %get3A_1428 = tpu.vector_load %arg8[%get3A_1426, %get3A_1427] {strides = array<i32>} : memref<16x16xi32, #tpu.memory_space<vmem>>, vector<16xi32>,
        %add3A_1429 = arith.addi %add3A_1424, %get3A_1428 : vector<16xi32>
        %get3A_1430 = arith.constant 11 : i32
        %get3A_1431 = arith.index_cast %get3A_1430 : i32 to index
        %get3A_1432 = arith.constant 0 : index
        %get3A_1433 = tpu.vector_load %arg8[%get3A_1431, %get3A_1432] {strides = array<i32>} : memref<16x16xi32, #tpu.memory_space<vmem>>, vector<16xi32>,
        %add3A_1434 = arith.addi %add3A_1429, %get3A_1433 : vector<16xi32>
        %get3A_1435 = arith.constant 12 : i32
        %get3A_1436 = arith.index_cast %get3A_1435 : i32 to index
        %get3A_1437 = arith.constant 0 : index
        %get3A_1438 = tpu.vector_load %arg8[%get3A_1436, %get3A_1437] {strides = array<i32>} : memref<16x16xi32, #tpu.memory_space<vmem>>, vector<16xi32>,
        %add3A_1439 = arith.addi %add3A_1434, %get3A_1438 : vector<16xi32>
        %get3A_1440 = arith.constant 13 : i32
        %get3A_1441 = arith.index_cast %get3A_1440 : i32 to index
        %get3A_1442 = arith.constant 0 : index
        %get3A_1443 = tpu.vector_load %arg8[%get3A_1441, %get3A_1442] {strides = array<i32>} : memref<16x16xi32, #tpu.memory_space<vmem>>, vector<16xi32>,
        %add3A_1444 = arith.addi %add3A_1439, %get3A_1443 : vector<16xi32>
        %get3A_1445 = arith.constant 14 : i32
        %get3A_1446 = arith.index_cast %get3A_1445 : i32 to index
        %get3A_1447 = arith.constant 0 : index
        %get3A_1448 = tpu.vector_load %arg8[%get3A_1446, %get3A_1447] {strides = array<i32>} : memref<16x16xi32, #tpu.memory_space<vmem>>, vector<16xi32>,
        %add3A_1449 = arith.addi %add3A_1444, %get3A_1448 : vector<16xi32>
        %get3A_1450 = arith.constant 15 : i32
        %get3A_1451 = arith.index_cast %get3A_1450 : i32 to index
        %get3A_1452 = arith.constant 0 : index
        %get3A_1453 = tpu.vector_load %arg8[%get3A_1451, %get3A_1452] {strides = array<i32>} : memref<16x16xi32, #tpu.memory_space<vmem>>, vector<16xi32>,
        %add3A_1454 = arith.addi %add3A_1449, %get3A_1453 : vector<16xi32>
        %reduce_sum3A_1455 = arith.constant true
        %reduce_sum3A_1456 = vector.broadcast %reduce_sum3A_1455 : i1 to vector<16xi1>
        %reduce_sum3A_1457 = tpu.scan <sum>, %add3A_1454 masked %reduce_sum3A_1456 : vector<16xi32>, vector<16xi1> -> vector<16xi32>
        %reduce_sum3A_1458 = vector.extract %reduce_sum3A_1457[15] : i32 from vector<16xi32>
        %ge3A_1459 = arith.constant 8192 : i32
        %ge3A_1460 = arith.cmpi sge, %reduce_sum3A_1458, %ge3A_1459 : i32
        %select_n3A_1461 = arith.select %ge3A_1460, %add3A_1051, %scan3A_1045 : i32
        %sub3A_1462 = arith.constant 1 : i32
        %sub3A_1463 = arith.subi %add3A_1051, %sub3A_1462 : i32
        %select_n3A_1464 = arith.select %ge3A_1460, %scan3A_1046, %sub3A_1463 : i32
        scf.yield %select_n3A_1461, %select_n3A_1464 : i32, i32
      }
      %scan3A_331 = arith.constant 32 : i32
      %broadcast_in_dim3A_332 = vector.broadcast %scan3A_330#0 : i32 to vector<16xi32>
      %bitcast3A_333 = vector.bitcast %broadcast_in_dim3A_332 : vector<16xi32> to vector<16xf32>
      %get3A_334 = arith.constant 0 : index
      %get3A_335 = tpu.vector_load %arg4[%get3A_334] {strides = array<i32>} : memref<1024xf32, #tpu.memory_space<vmem>>, vector<16xf32>,
      %gt3A = arith.cmpf ogt, %get3A_335, %bitcast3A_333 : vector<16xf32>
      %select_n3A = arith.select %gt3A, %broadcast_in_dim3A_0, %broadcast_in_dim3A_2 : vector<16xi1>, vector<16xi32>
      %add3A = arith.addi %broadcast_in_dim3A_2, %select_n3A : vector<16xi32>
      %select_n3A_336 = arith.select %gt3A, %get3A_335, %broadcast_in_dim3A_4 : vector<16xi1>, vector<16xf32>
      %add3A_337 = arith.addf %broadcast_in_dim3A_4, %select_n3A_336 : vector<16xf32>
      %get3A_338 = arith.constant 16 : index
      %get3A_339 = tpu.vector_load %arg4[%get3A_338] {strides = array<i32>} : memref<1024xf32, #tpu.memory_space<vmem>>, vector<16xf32>,
      %gt3A_340 = arith.cmpf ogt, %get3A_339, %bitcast3A_333 : vector<16xf32>
      %select_n3A_341 = arith.select %gt3A_340, %broadcast_in_dim3A_0, %broadcast_in_dim3A_2 : vector<16xi1>, vector<16xi32>
      %add3A_342 = arith.addi %add3A, %select_n3A_341 : vector<16xi32>
      %select_n3A_343 = arith.select %gt3A_340, %get3A_339, %broadcast_in_dim3A_4 : vector<16xi1>, vector<16xf32>
      %add3A_344 = arith.addf %add3A_337, %select_n3A_343 : vector<16xf32>
      %get3A_345 = arith.constant 32 : index
      %get3A_346 = tpu.vector_load %arg4[%get3A_345] {strides = array<i32>} : memref<1024xf32, #tpu.memory_space<vmem>>, vector<16xf32>,
      %gt3A_347 = arith.cmpf ogt, %get3A_346, %bitcast3A_333 : vector<16xf32>
      %select_n3A_348 = arith.select %gt3A_347, %broadcast_in_dim3A_0, %broadcast_in_dim3A_2 : vector<16xi1>, vector<16xi32>
      %add3A_349 = arith.addi %add3A_342, %select_n3A_348 : vector<16xi32>
      %select_n3A_350 = arith.select %gt3A_347, %get3A_346, %broadcast_in_dim3A_4 : vector<16xi1>, vector<16xf32>
      %add3A_351 = arith.addf %add3A_344, %select_n3A_350 : vector<16xf32>
      %get3A_352 = arith.constant 48 : index
      %get3A_353 = tpu.vector_load %arg4[%get3A_352] {strides = array<i32>} : memref<1024xf32, #tpu.memory_space<vmem>>, vector<16xf32>,
      %gt3A_354 = arith.cmpf ogt, %get3A_353, %bitcast3A_333 : vector<16xf32>
      %select_n3A_355 = arith.select %gt3A_354, %broadcast_in_dim3A_0, %broadcast_in_dim3A_2 : vector<16xi1>, vector<16xi32>
      %add3A_356 = arith.addi %add3A_349, %select_n3A_355 : vector<16xi32>
      %select_n3A_357 = arith.select %gt3A_354, %get3A_353, %broadcast_in_dim3A_4 : vector<16xi1>, vector<16xf32>
      %add3A_358 = arith.addf %add3A_351, %select_n3A_357 : vector<16xf32>
      %get3A_359 = arith.constant 64 : index
      %get3A_360 = tpu.vector_load %arg4[%get3A_359] {strides = array<i32>} : memref<1024xf32, #tpu.memory_space<vmem>>, vector<16xf32>,
      %gt3A_361 = arith.cmpf ogt, %get3A_360, %bitcast3A_333 : vector<16xf32>
      %select_n3A_362 = arith.select %gt3A_361, %broadcast_in_dim3A_0, %broadcast_in_dim3A_2 : vector<16xi1>, vector<16xi32>
      %add3A_363 = arith.addi %add3A_356, %select_n3A_362 : vector<16xi32>
      %select_n3A_364 = arith.select %gt3A_361, %get3A_360, %broadcast_in_dim3A_4 : vector<16xi1>, vector<16xf32>
      %add3A_365 = arith.addf %add3A_358, %select_n3A_364 : vector<16xf32>
      %get3A_366 = arith.constant 80 : index
      %get3A_367 = tpu.vector_load %arg4[%get3A_366] {strides = array<i32>} : memref<1024xf32, #tpu.memory_space<vmem>>, vector<16xf32>,
      %gt3A_368 = arith.cmpf ogt, %get3A_367, %bitcast3A_333 : vector<16xf32>
      %select_n3A_369 = arith.select %gt3A_368, %broadcast_in_dim3A_0, %broadcast_in_dim3A_2 : vector<16xi1>, vector<16xi32>
      %add3A_370 = arith.addi %add3A_363, %select_n3A_369 : vector<16xi32>
      %select_n3A_371 = arith.select %gt3A_368, %get3A_367, %broadcast_in_dim3A_4 : vector<16xi1>, vector<16xf32>
      %add3A_372 = arith.addf %add3A_365, %select_n3A_371 : vector<16xf32>
      %get3A_373 = arith.constant 96 : index
      %get3A_374 = tpu.vector_load %arg4[%get3A_373] {strides = array<i32>} : memref<1024xf32, #tpu.memory_space<vmem>>, vector<16xf32>,
      %gt3A_375 = arith.cmpf ogt, %get3A_374, %bitcast3A_333 : vector<16xf32>
      %select_n3A_376 = arith.select %gt3A_375, %broadcast_in_dim3A_0, %broadcast_in_dim3A_2 : vector<16xi1>, vector<16xi32>
      %add3A_377 = arith.addi %add3A_370, %select_n3A_376 : vector<16xi32>
      %select_n3A_378 = arith.select %gt3A_375, %get3A_374, %broadcast_in_dim3A_4 : vector<16xi1>, vector<16xf32>
      %add3A_379 = arith.addf %add3A_372, %select_n3A_378 : vector<16xf32>
      %get3A_380 = arith.constant 112 : index
      %get3A_381 = tpu.vector_load %arg4[%get3A_380] {strides = array<i32>} : memref<1024xf32, #tpu.memory_space<vmem>>, vector<16xf32>,
      %gt3A_382 = arith.cmpf ogt, %get3A_381, %bitcast3A_333 : vector<16xf32>
      %select_n3A_383 = arith.select %gt3A_382, %broadcast_in_dim3A_0, %broadcast_in_dim3A_2 : vector<16xi1>, vector<16xi32>
      %add3A_384 = arith.addi %add3A_377, %select_n3A_383 : vector<16xi32>
      %select_n3A_385 = arith.select %gt3A_382, %get3A_381, %broadcast_in_dim3A_4 : vector<16xi1>, vector<16xf32>
      %add3A_386 = arith.addf %add3A_379, %select_n3A_385 : vector<16xf32>
      %get3A_387 = arith.constant 128 : index
      %get3A_388 = tpu.vector_load %arg4[%get3A_387] {strides = array<i32>} : memref<1024xf32, #tpu.memory_space<vmem>>, vector<16xf32>,
      %gt3A_389 = arith.cmpf ogt, %get3A_388, %bitcast3A_333 : vector<16xf32>
      %select_n3A_390 = arith.select %gt3A_389, %broadcast_in_dim3A_0, %broadcast_in_dim3A_2 : vector<16xi1>, vector<16xi32>
      %add3A_391 = arith.addi %add3A_384, %select_n3A_390 : vector<16xi32>
      %select_n3A_392 = arith.select %gt3A_389, %get3A_388, %broadcast_in_dim3A_4 : vector<16xi1>, vector<16xf32>
      %add3A_393 = arith.addf %add3A_386, %select_n3A_392 : vector<16xf32>
      %get3A_394 = arith.constant 144 : index
      %get3A_395 = tpu.vector_load %arg4[%get3A_394] {strides = array<i32>} : memref<1024xf32, #tpu.memory_space<vmem>>, vector<16xf32>,
      %gt3A_396 = arith.cmpf ogt, %get3A_395, %bitcast3A_333 : vector<16xf32>
      %select_n3A_397 = arith.select %gt3A_396, %broadcast_in_dim3A_0, %broadcast_in_dim3A_2 : vector<16xi1>, vector<16xi32>
      %add3A_398 = arith.addi %add3A_391, %select_n3A_397 : vector<16xi32>
      %select_n3A_399 = arith.select %gt3A_396, %get3A_395, %broadcast_in_dim3A_4 : vector<16xi1>, vector<16xf32>
      %add3A_400 = arith.addf %add3A_393, %select_n3A_399 : vector<16xf32>
      %get3A_401 = arith.constant 160 : index
      %get3A_402 = tpu.vector_load %arg4[%get3A_401] {strides = array<i32>} : memref<1024xf32, #tpu.memory_space<vmem>>, vector<16xf32>,
      %gt3A_403 = arith.cmpf ogt, %get3A_402, %bitcast3A_333 : vector<16xf32>
      %select_n3A_404 = arith.select %gt3A_403, %broadcast_in_dim3A_0, %broadcast_in_dim3A_2 : vector<16xi1>, vector<16xi32>
      %add3A_405 = arith.addi %add3A_398, %select_n3A_404 : vector<16xi32>
      %select_n3A_406 = arith.select %gt3A_403, %get3A_402, %broadcast_in_dim3A_4 : vector<16xi1>, vector<16xf32>
      %add3A_407 = arith.addf %add3A_400, %select_n3A_406 : vector<16xf32>
      %get3A_408 = arith.constant 176 : index
      %get3A_409 = tpu.vector_load %arg4[%get3A_408] {strides = array<i32>} : memref<1024xf32, #tpu.memory_space<vmem>>, vector<16xf32>,
      %gt3A_410 = arith.cmpf ogt, %get3A_409, %bitcast3A_333 : vector<16xf32>
      %select_n3A_411 = arith.select %gt3A_410, %broadcast_in_dim3A_0, %broadcast_in_dim3A_2 : vector<16xi1>, vector<16xi32>
      %add3A_412 = arith.addi %add3A_405, %select_n3A_411 : vector<16xi32>
      %select_n3A_413 = arith.select %gt3A_410, %get3A_409, %broadcast_in_dim3A_4 : vector<16xi1>, vector<16xf32>
      %add3A_414 = arith.addf %add3A_407, %select_n3A_413 : vector<16xf32>
      %get3A_415 = arith.constant 192 : index
      %get3A_416 = tpu.vector_load %arg4[%get3A_415] {strides = array<i32>} : memref<1024xf32, #tpu.memory_space<vmem>>, vector<16xf32>,
      %gt3A_417 = arith.cmpf ogt, %get3A_416, %bitcast3A_333 : vector<16xf32>
      %select_n3A_418 = arith.select %gt3A_417, %broadcast_in_dim3A_0, %broadcast_in_dim3A_2 : vector<16xi1>, vector<16xi32>
      %add3A_419 = arith.addi %add3A_412, %select_n3A_418 : vector<16xi32>
      %select_n3A_420 = arith.select %gt3A_417, %get3A_416, %broadcast_in_dim3A_4 : vector<16xi1>, vector<16xf32>
      %add3A_421 = arith.addf %add3A_414, %select_n3A_420 : vector<16xf32>
      %get3A_422 = arith.constant 208 : index
      %get3A_423 = tpu.vector_load %arg4[%get3A_422] {strides = array<i32>} : memref<1024xf32, #tpu.memory_space<vmem>>, vector<16xf32>,
      %gt3A_424 = arith.cmpf ogt, %get3A_423, %bitcast3A_333 : vector<16xf32>
      %select_n3A_425 = arith.select %gt3A_424, %broadcast_in_dim3A_0, %broadcast_in_dim3A_2 : vector<16xi1>, vector<16xi32>
      %add3A_426 = arith.addi %add3A_419, %select_n3A_425 : vector<16xi32>
      %select_n3A_427 = arith.select %gt3A_424, %get3A_423, %broadcast_in_dim3A_4 : vector<16xi1>, vector<16xf32>
      %add3A_428 = arith.addf %add3A_421, %select_n3A_427 : vector<16xf32>
      %get3A_429 = arith.constant 224 : index
      %get3A_430 = tpu.vector_load %arg4[%get3A_429] {strides = array<i32>} : memref<1024xf32, #tpu.memory_space<vmem>>, vector<16xf32>,
      %gt3A_431 = arith.cmpf ogt, %get3A_430, %bitcast3A_333 : vector<16xf32>
      %select_n3A_432 = arith.select %gt3A_431, %broadcast_in_dim3A_0, %broadcast_in_dim3A_2 : vector<16xi1>, vector<16xi32>
      %add3A_433 = arith.addi %add3A_426, %select_n3A_432 : vector<16xi32>
      %select_n3A_434 = arith.select %gt3A_431, %get3A_430, %broadcast_in_dim3A_4 : vector<16xi1>, vector<16xf32>
      %add3A_435 = arith.addf %add3A_428, %select_n3A_434 : vector<16xf32>
      %get3A_436 = arith.constant 240 : index
      %get3A_437 = tpu.vector_load %arg4[%get3A_436] {strides = array<i32>} : memref<1024xf32, #tpu.memory_space<vmem>>, vector<16xf32>,
      %gt3A_438 = arith.cmpf ogt, %get3A_437, %bitcast3A_333 : vector<16xf32>
      %select_n3A_439 = arith.select %gt3A_438, %broadcast_in_dim3A_0, %broadcast_in_dim3A_2 : vector<16xi1>, vector<16xi32>
      %add3A_440 = arith.addi %add3A_433, %select_n3A_439 : vector<16xi32>
      %select_n3A_441 = arith.select %gt3A_438, %get3A_437, %broadcast_in_dim3A_4 : vector<16xi1>, vector<16xf32>
      %add3A_442 = arith.addf %add3A_435, %select_n3A_441 : vector<16xf32>
      %get3A_443 = arith.constant 256 : index
      %get3A_444 = tpu.vector_load %arg4[%get3A_443] {strides = array<i32>} : memref<1024xf32, #tpu.memory_space<vmem>>, vector<16xf32>,
      %gt3A_445 = arith.cmpf ogt, %get3A_444, %bitcast3A_333 : vector<16xf32>
      %select_n3A_446 = arith.select %gt3A_445, %broadcast_in_dim3A_0, %broadcast_in_dim3A_2 : vector<16xi1>, vector<16xi32>
      %add3A_447 = arith.addi %add3A_440, %select_n3A_446 : vector<16xi32>
      %select_n3A_448 = arith.select %gt3A_445, %get3A_444, %broadcast_in_dim3A_4 : vector<16xi1>, vector<16xf32>
      %add3A_449 = arith.addf %add3A_442, %select_n3A_448 : vector<16xf32>
      %get3A_450 = arith.constant 272 : index
      %get3A_451 = tpu.vector_load %arg4[%get3A_450] {strides = array<i32>} : memref<1024xf32, #tpu.memory_space<vmem>>, vector<16xf32>,
      %gt3A_452 = arith.cmpf ogt, %get3A_451, %bitcast3A_333 : vector<16xf32>
      %select_n3A_453 = arith.select %gt3A_452, %broadcast_in_dim3A_0, %broadcast_in_dim3A_2 : vector<16xi1>, vector<16xi32>
      %add3A_454 = arith.addi %add3A_447, %select_n3A_453 : vector<16xi32>
      %select_n3A_455 = arith.select %gt3A_452, %get3A_451, %broadcast_in_dim3A_4 : vector<16xi1>, vector<16xf32>
      %add3A_456 = arith.addf %add3A_449, %select_n3A_455 : vector<16xf32>
      %get3A_457 = arith.constant 288 : index
      %get3A_458 = tpu.vector_load %arg4[%get3A_457] {strides = array<i32>} : memref<1024xf32, #tpu.memory_space<vmem>>, vector<16xf32>,
      %gt3A_459 = arith.cmpf ogt, %get3A_458, %bitcast3A_333 : vector<16xf32>
      %select_n3A_460 = arith.select %gt3A_459, %broadcast_in_dim3A_0, %broadcast_in_dim3A_2 : vector<16xi1>, vector<16xi32>
      %add3A_461 = arith.addi %add3A_454, %select_n3A_460 : vector<16xi32>
      %select_n3A_462 = arith.select %gt3A_459, %get3A_458, %broadcast_in_dim3A_4 : vector<16xi1>, vector<16xf32>
      %add3A_463 = arith.addf %add3A_456, %select_n3A_462 : vector<16xf32>
      %get3A_464 = arith.constant 304 : index
      %get3A_465 = tpu.vector_load %arg4[%get3A_464] {strides = array<i32>} : memref<1024xf32, #tpu.memory_space<vmem>>, vector<16xf32>,
      %gt3A_466 = arith.cmpf ogt, %get3A_465, %bitcast3A_333 : vector<16xf32>
      %select_n3A_467 = arith.select %gt3A_466, %broadcast_in_dim3A_0, %broadcast_in_dim3A_2 : vector<16xi1>, vector<16xi32>
      %add3A_468 = arith.addi %add3A_461, %select_n3A_467 : vector<16xi32>
      %select_n3A_469 = arith.select %gt3A_466, %get3A_465, %broadcast_in_dim3A_4 : vector<16xi1>, vector<16xf32>
      %add3A_470 = arith.addf %add3A_463, %select_n3A_469 : vector<16xf32>
      %get3A_471 = arith.constant 320 : index
      %get3A_472 = tpu.vector_load %arg4[%get3A_471] {strides = array<i32>} : memref<1024xf32, #tpu.memory_space<vmem>>, vector<16xf32>,
      %gt3A_473 = arith.cmpf ogt, %get3A_472, %bitcast3A_333 : vector<16xf32>
      %select_n3A_474 = arith.select %gt3A_473, %broadcast_in_dim3A_0, %broadcast_in_dim3A_2 : vector<16xi1>, vector<16xi32>
      %add3A_475 = arith.addi %add3A_468, %select_n3A_474 : vector<16xi32>
      %select_n3A_476 = arith.select %gt3A_473, %get3A_472, %broadcast_in_dim3A_4 : vector<16xi1>, vector<16xf32>
      %add3A_477 = arith.addf %add3A_470, %select_n3A_476 : vector<16xf32>
      %get3A_478 = arith.constant 336 : index
      %get3A_479 = tpu.vector_load %arg4[%get3A_478] {strides = array<i32>} : memref<1024xf32, #tpu.memory_space<vmem>>, vector<16xf32>,
      %gt3A_480 = arith.cmpf ogt, %get3A_479, %bitcast3A_333 : vector<16xf32>
      %select_n3A_481 = arith.select %gt3A_480, %broadcast_in_dim3A_0, %broadcast_in_dim3A_2 : vector<16xi1>, vector<16xi32>
      %add3A_482 = arith.addi %add3A_475, %select_n3A_481 : vector<16xi32>
      %select_n3A_483 = arith.select %gt3A_480, %get3A_479, %broadcast_in_dim3A_4 : vector<16xi1>, vector<16xf32>
      %add3A_484 = arith.addf %add3A_477, %select_n3A_483 : vector<16xf32>
      %get3A_485 = arith.constant 352 : index
      %get3A_486 = tpu.vector_load %arg4[%get3A_485] {strides = array<i32>} : memref<1024xf32, #tpu.memory_space<vmem>>, vector<16xf32>,
      %gt3A_487 = arith.cmpf ogt, %get3A_486, %bitcast3A_333 : vector<16xf32>
      %select_n3A_488 = arith.select %gt3A_487, %broadcast_in_dim3A_0, %broadcast_in_dim3A_2 : vector<16xi1>, vector<16xi32>
      %add3A_489 = arith.addi %add3A_482, %select_n3A_488 : vector<16xi32>
      %select_n3A_490 = arith.select %gt3A_487, %get3A_486, %broadcast_in_dim3A_4 : vector<16xi1>, vector<16xf32>
      %add3A_491 = arith.addf %add3A_484, %select_n3A_490 : vector<16xf32>
      %get3A_492 = arith.constant 368 : index
      %get3A_493 = tpu.vector_load %arg4[%get3A_492] {strides = array<i32>} : memref<1024xf32, #tpu.memory_space<vmem>>, vector<16xf32>,
      %gt3A_494 = arith.cmpf ogt, %get3A_493, %bitcast3A_333 : vector<16xf32>
      %select_n3A_495 = arith.select %gt3A_494, %broadcast_in_dim3A_0, %broadcast_in_dim3A_2 : vector<16xi1>, vector<16xi32>
      %add3A_496 = arith.addi %add3A_489, %select_n3A_495 : vector<16xi32>
      %select_n3A_497 = arith.select %gt3A_494, %get3A_493, %broadcast_in_dim3A_4 : vector<16xi1>, vector<16xf32>
      %add3A_498 = arith.addf %add3A_491, %select_n3A_497 : vector<16xf32>
      %get3A_499 = arith.constant 384 : index
      %get3A_500 = tpu.vector_load %arg4[%get3A_499] {strides = array<i32>} : memref<1024xf32, #tpu.memory_space<vmem>>, vector<16xf32>,
      %gt3A_501 = arith.cmpf ogt, %get3A_500, %bitcast3A_333 : vector<16xf32>
      %select_n3A_502 = arith.select %gt3A_501, %broadcast_in_dim3A_0, %broadcast_in_dim3A_2 : vector<16xi1>, vector<16xi32>
      %add3A_503 = arith.addi %add3A_496, %select_n3A_502 : vector<16xi32>
      %select_n3A_504 = arith.select %gt3A_501, %get3A_500, %broadcast_in_dim3A_4 : vector<16xi1>, vector<16xf32>
      %add3A_505 = arith.addf %add3A_498, %select_n3A_504 : vector<16xf32>
      %get3A_506 = arith.constant 400 : index
      %get3A_507 = tpu.vector_load %arg4[%get3A_506] {strides = array<i32>} : memref<1024xf32, #tpu.memory_space<vmem>>, vector<16xf32>,
      %gt3A_508 = arith.cmpf ogt, %get3A_507, %bitcast3A_333 : vector<16xf32>
      %select_n3A_509 = arith.select %gt3A_508, %broadcast_in_dim3A_0, %broadcast_in_dim3A_2 : vector<16xi1>, vector<16xi32>
      %add3A_510 = arith.addi %add3A_503, %select_n3A_509 : vector<16xi32>
      %select_n3A_511 = arith.select %gt3A_508, %get3A_507, %broadcast_in_dim3A_4 : vector<16xi1>, vector<16xf32>
      %add3A_512 = arith.addf %add3A_505, %select_n3A_511 : vector<16xf32>
      %get3A_513 = arith.constant 416 : index
      %get3A_514 = tpu.vector_load %arg4[%get3A_513] {strides = array<i32>} : memref<1024xf32, #tpu.memory_space<vmem>>, vector<16xf32>,
      %gt3A_515 = arith.cmpf ogt, %get3A_514, %bitcast3A_333 : vector<16xf32>
      %select_n3A_516 = arith.select %gt3A_515, %broadcast_in_dim3A_0, %broadcast_in_dim3A_2 : vector<16xi1>, vector<16xi32>
      %add3A_517 = arith.addi %add3A_510, %select_n3A_516 : vector<16xi32>
      %select_n3A_518 = arith.select %gt3A_515, %get3A_514, %broadcast_in_dim3A_4 : vector<16xi1>, vector<16xf32>
      %add3A_519 = arith.addf %add3A_512, %select_n3A_518 : vector<16xf32>
      %get3A_520 = arith.constant 432 : index
      %get3A_521 = tpu.vector_load %arg4[%get3A_520] {strides = array<i32>} : memref<1024xf32, #tpu.memory_space<vmem>>, vector<16xf32>,
      %gt3A_522 = arith.cmpf ogt, %get3A_521, %bitcast3A_333 : vector<16xf32>
      %select_n3A_523 = arith.select %gt3A_522, %broadcast_in_dim3A_0, %broadcast_in_dim3A_2 : vector<16xi1>, vector<16xi32>
      %add3A_524 = arith.addi %add3A_517, %select_n3A_523 : vector<16xi32>
      %select_n3A_525 = arith.select %gt3A_522, %get3A_521, %broadcast_in_dim3A_4 : vector<16xi1>, vector<16xf32>
      %add3A_526 = arith.addf %add3A_519, %select_n3A_525 : vector<16xf32>
      %get3A_527 = arith.constant 448 : index
      %get3A_528 = tpu.vector_load %arg4[%get3A_527] {strides = array<i32>} : memref<1024xf32, #tpu.memory_space<vmem>>, vector<16xf32>,
      %gt3A_529 = arith.cmpf ogt, %get3A_528, %bitcast3A_333 : vector<16xf32>
      %select_n3A_530 = arith.select %gt3A_529, %broadcast_in_dim3A_0, %broadcast_in_dim3A_2 : vector<16xi1>, vector<16xi32>
      %add3A_531 = arith.addi %add3A_524, %select_n3A_530 : vector<16xi32>
      %select_n3A_532 = arith.select %gt3A_529, %get3A_528, %broadcast_in_dim3A_4 : vector<16xi1>, vector<16xf32>
      %add3A_533 = arith.addf %add3A_526, %select_n3A_532 : vector<16xf32>
      %get3A_534 = arith.constant 464 : index
      %get3A_535 = tpu.vector_load %arg4[%get3A_534] {strides = array<i32>} : memref<1024xf32, #tpu.memory_space<vmem>>, vector<16xf32>,
      %gt3A_536 = arith.cmpf ogt, %get3A_535, %bitcast3A_333 : vector<16xf32>
      %select_n3A_537 = arith.select %gt3A_536, %broadcast_in_dim3A_0, %broadcast_in_dim3A_2 : vector<16xi1>, vector<16xi32>
      %add3A_538 = arith.addi %add3A_531, %select_n3A_537 : vector<16xi32>
      %select_n3A_539 = arith.select %gt3A_536, %get3A_535, %broadcast_in_dim3A_4 : vector<16xi1>, vector<16xf32>
      %add3A_540 = arith.addf %add3A_533, %select_n3A_539 : vector<16xf32>
      %get3A_541 = arith.constant 480 : index
      %get3A_542 = tpu.vector_load %arg4[%get3A_541] {strides = array<i32>} : memref<1024xf32, #tpu.memory_space<vmem>>, vector<16xf32>,
      %gt3A_543 = arith.cmpf ogt, %get3A_542, %bitcast3A_333 : vector<16xf32>
      %select_n3A_544 = arith.select %gt3A_543, %broadcast_in_dim3A_0, %broadcast_in_dim3A_2 : vector<16xi1>, vector<16xi32>
      %add3A_545 = arith.addi %add3A_538, %select_n3A_544 : vector<16xi32>
      %select_n3A_546 = arith.select %gt3A_543, %get3A_542, %broadcast_in_dim3A_4 : vector<16xi1>, vector<16xf32>
      %add3A_547 = arith.addf %add3A_540, %select_n3A_546 : vector<16xf32>
      %get3A_548 = arith.constant 496 : index
      %get3A_549 = tpu.vector_load %arg4[%get3A_548] {strides = array<i32>} : memref<1024xf32, #tpu.memory_space<vmem>>, vector<16xf32>,
      %gt3A_550 = arith.cmpf ogt, %get3A_549, %bitcast3A_333 : vector<16xf32>
      %select_n3A_551 = arith.select %gt3A_550, %broadcast_in_dim3A_0, %broadcast_in_dim3A_2 : vector<16xi1>, vector<16xi32>
      %add3A_552 = arith.addi %add3A_545, %select_n3A_551 : vector<16xi32>
      %select_n3A_553 = arith.select %gt3A_550, %get3A_549, %broadcast_in_dim3A_4 : vector<16xi1>, vector<16xf32>
      %add3A_554 = arith.addf %add3A_547, %select_n3A_553 : vector<16xf32>
      %get3A_555 = arith.constant 512 : index
      %get3A_556 = tpu.vector_load %arg4[%get3A_555] {strides = array<i32>} : memref<1024xf32, #tpu.memory_space<vmem>>, vector<16xf32>,
      %gt3A_557 = arith.cmpf ogt, %get3A_556, %bitcast3A_333 : vector<16xf32>
      %select_n3A_558 = arith.select %gt3A_557, %broadcast_in_dim3A_0, %broadcast_in_dim3A_2 : vector<16xi1>, vector<16xi32>
      %add3A_559 = arith.addi %add3A_552, %select_n3A_558 : vector<16xi32>
      %select_n3A_560 = arith.select %gt3A_557, %get3A_556, %broadcast_in_dim3A_4 : vector<16xi1>, vector<16xf32>
      %add3A_561 = arith.addf %add3A_554, %select_n3A_560 : vector<16xf32>
      %get3A_562 = arith.constant 528 : index
      %get3A_563 = tpu.vector_load %arg4[%get3A_562] {strides = array<i32>} : memref<1024xf32, #tpu.memory_space<vmem>>, vector<16xf32>,
      %gt3A_564 = arith.cmpf ogt, %get3A_563, %bitcast3A_333 : vector<16xf32>
      %select_n3A_565 = arith.select %gt3A_564, %broadcast_in_dim3A_0, %broadcast_in_dim3A_2 : vector<16xi1>, vector<16xi32>
      %add3A_566 = arith.addi %add3A_559, %select_n3A_565 : vector<16xi32>
      %select_n3A_567 = arith.select %gt3A_564, %get3A_563, %broadcast_in_dim3A_4 : vector<16xi1>, vector<16xf32>
      %add3A_568 = arith.addf %add3A_561, %select_n3A_567 : vector<16xf32>
      %get3A_569 = arith.constant 544 : index
      %get3A_570 = tpu.vector_load %arg4[%get3A_569] {strides = array<i32>} : memref<1024xf32, #tpu.memory_space<vmem>>, vector<16xf32>,
      %gt3A_571 = arith.cmpf ogt, %get3A_570, %bitcast3A_333 : vector<16xf32>
      %select_n3A_572 = arith.select %gt3A_571, %broadcast_in_dim3A_0, %broadcast_in_dim3A_2 : vector<16xi1>, vector<16xi32>
      %add3A_573 = arith.addi %add3A_566, %select_n3A_572 : vector<16xi32>
      %select_n3A_574 = arith.select %gt3A_571, %get3A_570, %broadcast_in_dim3A_4 : vector<16xi1>, vector<16xf32>
      %add3A_575 = arith.addf %add3A_568, %select_n3A_574 : vector<16xf32>
      %get3A_576 = arith.constant 560 : index
      %get3A_577 = tpu.vector_load %arg4[%get3A_576] {strides = array<i32>} : memref<1024xf32, #tpu.memory_space<vmem>>, vector<16xf32>,
      %gt3A_578 = arith.cmpf ogt, %get3A_577, %bitcast3A_333 : vector<16xf32>
      %select_n3A_579 = arith.select %gt3A_578, %broadcast_in_dim3A_0, %broadcast_in_dim3A_2 : vector<16xi1>, vector<16xi32>
      %add3A_580 = arith.addi %add3A_573, %select_n3A_579 : vector<16xi32>
      %select_n3A_581 = arith.select %gt3A_578, %get3A_577, %broadcast_in_dim3A_4 : vector<16xi1>, vector<16xf32>
      %add3A_582 = arith.addf %add3A_575, %select_n3A_581 : vector<16xf32>
      %get3A_583 = arith.constant 576 : index
      %get3A_584 = tpu.vector_load %arg4[%get3A_583] {strides = array<i32>} : memref<1024xf32, #tpu.memory_space<vmem>>, vector<16xf32>,
      %gt3A_585 = arith.cmpf ogt, %get3A_584, %bitcast3A_333 : vector<16xf32>
      %select_n3A_586 = arith.select %gt3A_585, %broadcast_in_dim3A_0, %broadcast_in_dim3A_2 : vector<16xi1>, vector<16xi32>
      %add3A_587 = arith.addi %add3A_580, %select_n3A_586 : vector<16xi32>
      %select_n3A_588 = arith.select %gt3A_585, %get3A_584, %broadcast_in_dim3A_4 : vector<16xi1>, vector<16xf32>
      %add3A_589 = arith.addf %add3A_582, %select_n3A_588 : vector<16xf32>
      %get3A_590 = arith.constant 592 : index
      %get3A_591 = tpu.vector_load %arg4[%get3A_590] {strides = array<i32>} : memref<1024xf32, #tpu.memory_space<vmem>>, vector<16xf32>,
      %gt3A_592 = arith.cmpf ogt, %get3A_591, %bitcast3A_333 : vector<16xf32>
      %select_n3A_593 = arith.select %gt3A_592, %broadcast_in_dim3A_0, %broadcast_in_dim3A_2 : vector<16xi1>, vector<16xi32>
      %add3A_594 = arith.addi %add3A_587, %select_n3A_593 : vector<16xi32>
      %select_n3A_595 = arith.select %gt3A_592, %get3A_591, %broadcast_in_dim3A_4 : vector<16xi1>, vector<16xf32>
      %add3A_596 = arith.addf %add3A_589, %select_n3A_595 : vector<16xf32>
      %get3A_597 = arith.constant 608 : index
      %get3A_598 = tpu.vector_load %arg4[%get3A_597] {strides = array<i32>} : memref<1024xf32, #tpu.memory_space<vmem>>, vector<16xf32>,
      %gt3A_599 = arith.cmpf ogt, %get3A_598, %bitcast3A_333 : vector<16xf32>
      %select_n3A_600 = arith.select %gt3A_599, %broadcast_in_dim3A_0, %broadcast_in_dim3A_2 : vector<16xi1>, vector<16xi32>
      %add3A_601 = arith.addi %add3A_594, %select_n3A_600 : vector<16xi32>
      %select_n3A_602 = arith.select %gt3A_599, %get3A_598, %broadcast_in_dim3A_4 : vector<16xi1>, vector<16xf32>
      %add3A_603 = arith.addf %add3A_596, %select_n3A_602 : vector<16xf32>
      %get3A_604 = arith.constant 624 : index
      %get3A_605 = tpu.vector_load %arg4[%get3A_604] {strides = array<i32>} : memref<1024xf32, #tpu.memory_space<vmem>>, vector<16xf32>,
      %gt3A_606 = arith.cmpf ogt, %get3A_605, %bitcast3A_333 : vector<16xf32>
      %select_n3A_607 = arith.select %gt3A_606, %broadcast_in_dim3A_0, %broadcast_in_dim3A_2 : vector<16xi1>, vector<16xi32>
      %add3A_608 = arith.addi %add3A_601, %select_n3A_607 : vector<16xi32>
      %select_n3A_609 = arith.select %gt3A_606, %get3A_605, %broadcast_in_dim3A_4 : vector<16xi1>, vector<16xf32>
      %add3A_610 = arith.addf %add3A_603, %select_n3A_609 : vector<16xf32>
      %get3A_611 = arith.constant 640 : index
      %get3A_612 = tpu.vector_load %arg4[%get3A_611] {strides = array<i32>} : memref<1024xf32, #tpu.memory_space<vmem>>, vector<16xf32>,
      %gt3A_613 = arith.cmpf ogt, %get3A_612, %bitcast3A_333 : vector<16xf32>
      %select_n3A_614 = arith.select %gt3A_613, %broadcast_in_dim3A_0, %broadcast_in_dim3A_2 : vector<16xi1>, vector<16xi32>
      %add3A_615 = arith.addi %add3A_608, %select_n3A_614 : vector<16xi32>
      %select_n3A_616 = arith.select %gt3A_613, %get3A_612, %broadcast_in_dim3A_4 : vector<16xi1>, vector<16xf32>
      %add3A_617 = arith.addf %add3A_610, %select_n3A_616 : vector<16xf32>
      %get3A_618 = arith.constant 656 : index
      %get3A_619 = tpu.vector_load %arg4[%get3A_618] {strides = array<i32>} : memref<1024xf32, #tpu.memory_space<vmem>>, vector<16xf32>,
      %gt3A_620 = arith.cmpf ogt, %get3A_619, %bitcast3A_333 : vector<16xf32>
      %select_n3A_621 = arith.select %gt3A_620, %broadcast_in_dim3A_0, %broadcast_in_dim3A_2 : vector<16xi1>, vector<16xi32>
      %add3A_622 = arith.addi %add3A_615, %select_n3A_621 : vector<16xi32>
      %select_n3A_623 = arith.select %gt3A_620, %get3A_619, %broadcast_in_dim3A_4 : vector<16xi1>, vector<16xf32>
      %add3A_624 = arith.addf %add3A_617, %select_n3A_623 : vector<16xf32>
      %get3A_625 = arith.constant 672 : index
      %get3A_626 = tpu.vector_load %arg4[%get3A_625] {strides = array<i32>} : memref<1024xf32, #tpu.memory_space<vmem>>, vector<16xf32>,
      %gt3A_627 = arith.cmpf ogt, %get3A_626, %bitcast3A_333 : vector<16xf32>
      %select_n3A_628 = arith.select %gt3A_627, %broadcast_in_dim3A_0, %broadcast_in_dim3A_2 : vector<16xi1>, vector<16xi32>
      %add3A_629 = arith.addi %add3A_622, %select_n3A_628 : vector<16xi32>
      %select_n3A_630 = arith.select %gt3A_627, %get3A_626, %broadcast_in_dim3A_4 : vector<16xi1>, vector<16xf32>
      %add3A_631 = arith.addf %add3A_624, %select_n3A_630 : vector<16xf32>
      %get3A_632 = arith.constant 688 : index
      %get3A_633 = tpu.vector_load %arg4[%get3A_632] {strides = array<i32>} : memref<1024xf32, #tpu.memory_space<vmem>>, vector<16xf32>,
      %gt3A_634 = arith.cmpf ogt, %get3A_633, %bitcast3A_333 : vector<16xf32>
      %select_n3A_635 = arith.select %gt3A_634, %broadcast_in_dim3A_0, %broadcast_in_dim3A_2 : vector<16xi1>, vector<16xi32>
      %add3A_636 = arith.addi %add3A_629, %select_n3A_635 : vector<16xi32>
      %select_n3A_637 = arith.select %gt3A_634, %get3A_633, %broadcast_in_dim3A_4 : vector<16xi1>, vector<16xf32>
      %add3A_638 = arith.addf %add3A_631, %select_n3A_637 : vector<16xf32>
      %get3A_639 = arith.constant 704 : index
      %get3A_640 = tpu.vector_load %arg4[%get3A_639] {strides = array<i32>} : memref<1024xf32, #tpu.memory_space<vmem>>, vector<16xf32>,
      %gt3A_641 = arith.cmpf ogt, %get3A_640, %bitcast3A_333 : vector<16xf32>
      %select_n3A_642 = arith.select %gt3A_641, %broadcast_in_dim3A_0, %broadcast_in_dim3A_2 : vector<16xi1>, vector<16xi32>
      %add3A_643 = arith.addi %add3A_636, %select_n3A_642 : vector<16xi32>
      %select_n3A_644 = arith.select %gt3A_641, %get3A_640, %broadcast_in_dim3A_4 : vector<16xi1>, vector<16xf32>
      %add3A_645 = arith.addf %add3A_638, %select_n3A_644 : vector<16xf32>
      %get3A_646 = arith.constant 720 : index
      %get3A_647 = tpu.vector_load %arg4[%get3A_646] {strides = array<i32>} : memref<1024xf32, #tpu.memory_space<vmem>>, vector<16xf32>,
      %gt3A_648 = arith.cmpf ogt, %get3A_647, %bitcast3A_333 : vector<16xf32>
      %select_n3A_649 = arith.select %gt3A_648, %broadcast_in_dim3A_0, %broadcast_in_dim3A_2 : vector<16xi1>, vector<16xi32>
      %add3A_650 = arith.addi %add3A_643, %select_n3A_649 : vector<16xi32>
      %select_n3A_651 = arith.select %gt3A_648, %get3A_647, %broadcast_in_dim3A_4 : vector<16xi1>, vector<16xf32>
      %add3A_652 = arith.addf %add3A_645, %select_n3A_651 : vector<16xf32>
      %get3A_653 = arith.constant 736 : index
      %get3A_654 = tpu.vector_load %arg4[%get3A_653] {strides = array<i32>} : memref<1024xf32, #tpu.memory_space<vmem>>, vector<16xf32>,
      %gt3A_655 = arith.cmpf ogt, %get3A_654, %bitcast3A_333 : vector<16xf32>
      %select_n3A_656 = arith.select %gt3A_655, %broadcast_in_dim3A_0, %broadcast_in_dim3A_2 : vector<16xi1>, vector<16xi32>
      %add3A_657 = arith.addi %add3A_650, %select_n3A_656 : vector<16xi32>
      %select_n3A_658 = arith.select %gt3A_655, %get3A_654, %broadcast_in_dim3A_4 : vector<16xi1>, vector<16xf32>
      %add3A_659 = arith.addf %add3A_652, %select_n3A_658 : vector<16xf32>
      %get3A_660 = arith.constant 752 : index
      %get3A_661 = tpu.vector_load %arg4[%get3A_660] {strides = array<i32>} : memref<1024xf32, #tpu.memory_space<vmem>>, vector<16xf32>,
      %gt3A_662 = arith.cmpf ogt, %get3A_661, %bitcast3A_333 : vector<16xf32>
      %select_n3A_663 = arith.select %gt3A_662, %broadcast_in_dim3A_0, %broadcast_in_dim3A_2 : vector<16xi1>, vector<16xi32>
      %add3A_664 = arith.addi %add3A_657, %select_n3A_663 : vector<16xi32>
      %select_n3A_665 = arith.select %gt3A_662, %get3A_661, %broadcast_in_dim3A_4 : vector<16xi1>, vector<16xf32>
      %add3A_666 = arith.addf %add3A_659, %select_n3A_665 : vector<16xf32>
      %get3A_667 = arith.constant 768 : index
      %get3A_668 = tpu.vector_load %arg4[%get3A_667] {strides = array<i32>} : memref<1024xf32, #tpu.memory_space<vmem>>, vector<16xf32>,
      %gt3A_669 = arith.cmpf ogt, %get3A_668, %bitcast3A_333 : vector<16xf32>
      %select_n3A_670 = arith.select %gt3A_669, %broadcast_in_dim3A_0, %broadcast_in_dim3A_2 : vector<16xi1>, vector<16xi32>
      %add3A_671 = arith.addi %add3A_664, %select_n3A_670 : vector<16xi32>
      %select_n3A_672 = arith.select %gt3A_669, %get3A_668, %broadcast_in_dim3A_4 : vector<16xi1>, vector<16xf32>
      %add3A_673 = arith.addf %add3A_666, %select_n3A_672 : vector<16xf32>
      %get3A_674 = arith.constant 784 : index
      %get3A_675 = tpu.vector_load %arg4[%get3A_674] {strides = array<i32>} : memref<1024xf32, #tpu.memory_space<vmem>>, vector<16xf32>,
      %gt3A_676 = arith.cmpf ogt, %get3A_675, %bitcast3A_333 : vector<16xf32>
      %select_n3A_677 = arith.select %gt3A_676, %broadcast_in_dim3A_0, %broadcast_in_dim3A_2 : vector<16xi1>, vector<16xi32>
      %add3A_678 = arith.addi %add3A_671, %select_n3A_677 : vector<16xi32>
      %select_n3A_679 = arith.select %gt3A_676, %get3A_675, %broadcast_in_dim3A_4 : vector<16xi1>, vector<16xf32>
      %add3A_680 = arith.addf %add3A_673, %select_n3A_679 : vector<16xf32>
      %get3A_681 = arith.constant 800 : index
      %get3A_682 = tpu.vector_load %arg4[%get3A_681] {strides = array<i32>} : memref<1024xf32, #tpu.memory_space<vmem>>, vector<16xf32>,
      %gt3A_683 = arith.cmpf ogt, %get3A_682, %bitcast3A_333 : vector<16xf32>
      %select_n3A_684 = arith.select %gt3A_683, %broadcast_in_dim3A_0, %broadcast_in_dim3A_2 : vector<16xi1>, vector<16xi32>
      %add3A_685 = arith.addi %add3A_678, %select_n3A_684 : vector<16xi32>
      %select_n3A_686 = arith.select %gt3A_683, %get3A_682, %broadcast_in_dim3A_4 : vector<16xi1>, vector<16xf32>
      %add3A_687 = arith.addf %add3A_680, %select_n3A_686 : vector<16xf32>
      %get3A_688 = arith.constant 816 : index
      %get3A_689 = tpu.vector_load %arg4[%get3A_688] {strides = array<i32>} : memref<1024xf32, #tpu.memory_space<vmem>>, vector<16xf32>,
      %gt3A_690 = arith.cmpf ogt, %get3A_689, %bitcast3A_333 : vector<16xf32>
      %select_n3A_691 = arith.select %gt3A_690, %broadcast_in_dim3A_0, %broadcast_in_dim3A_2 : vector<16xi1>, vector<16xi32>
      %add3A_692 = arith.addi %add3A_685, %select_n3A_691 : vector<16xi32>
      %select_n3A_693 = arith.select %gt3A_690, %get3A_689, %broadcast_in_dim3A_4 : vector<16xi1>, vector<16xf32>
      %add3A_694 = arith.addf %add3A_687, %select_n3A_693 : vector<16xf32>
      %get3A_695 = arith.constant 832 : index
      %get3A_696 = tpu.vector_load %arg4[%get3A_695] {strides = array<i32>} : memref<1024xf32, #tpu.memory_space<vmem>>, vector<16xf32>,
      %gt3A_697 = arith.cmpf ogt, %get3A_696, %bitcast3A_333 : vector<16xf32>
      %select_n3A_698 = arith.select %gt3A_697, %broadcast_in_dim3A_0, %broadcast_in_dim3A_2 : vector<16xi1>, vector<16xi32>
      %add3A_699 = arith.addi %add3A_692, %select_n3A_698 : vector<16xi32>
      %select_n3A_700 = arith.select %gt3A_697, %get3A_696, %broadcast_in_dim3A_4 : vector<16xi1>, vector<16xf32>
      %add3A_701 = arith.addf %add3A_694, %select_n3A_700 : vector<16xf32>
      %get3A_702 = arith.constant 848 : index
      %get3A_703 = tpu.vector_load %arg4[%get3A_702] {strides = array<i32>} : memref<1024xf32, #tpu.memory_space<vmem>>, vector<16xf32>,
      %gt3A_704 = arith.cmpf ogt, %get3A_703, %bitcast3A_333 : vector<16xf32>
      %select_n3A_705 = arith.select %gt3A_704, %broadcast_in_dim3A_0, %broadcast_in_dim3A_2 : vector<16xi1>, vector<16xi32>
      %add3A_706 = arith.addi %add3A_699, %select_n3A_705 : vector<16xi32>
      %select_n3A_707 = arith.select %gt3A_704, %get3A_703, %broadcast_in_dim3A_4 : vector<16xi1>, vector<16xf32>
      %add3A_708 = arith.addf %add3A_701, %select_n3A_707 : vector<16xf32>
      %get3A_709 = arith.constant 864 : index
      %get3A_710 = tpu.vector_load %arg4[%get3A_709] {strides = array<i32>} : memref<1024xf32, #tpu.memory_space<vmem>>, vector<16xf32>,
      %gt3A_711 = arith.cmpf ogt, %get3A_710, %bitcast3A_333 : vector<16xf32>
      %select_n3A_712 = arith.select %gt3A_711, %broadcast_in_dim3A_0, %broadcast_in_dim3A_2 : vector<16xi1>, vector<16xi32>
      %add3A_713 = arith.addi %add3A_706, %select_n3A_712 : vector<16xi32>
      %select_n3A_714 = arith.select %gt3A_711, %get3A_710, %broadcast_in_dim3A_4 : vector<16xi1>, vector<16xf32>
      %add3A_715 = arith.addf %add3A_708, %select_n3A_714 : vector<16xf32>
      %get3A_716 = arith.constant 880 : index
      %get3A_717 = tpu.vector_load %arg4[%get3A_716] {strides = array<i32>} : memref<1024xf32, #tpu.memory_space<vmem>>, vector<16xf32>,
      %gt3A_718 = arith.cmpf ogt, %get3A_717, %bitcast3A_333 : vector<16xf32>
      %select_n3A_719 = arith.select %gt3A_718, %broadcast_in_dim3A_0, %broadcast_in_dim3A_2 : vector<16xi1>, vector<16xi32>
      %add3A_720 = arith.addi %add3A_713, %select_n3A_719 : vector<16xi32>
      %select_n3A_721 = arith.select %gt3A_718, %get3A_717, %broadcast_in_dim3A_4 : vector<16xi1>, vector<16xf32>
      %add3A_722 = arith.addf %add3A_715, %select_n3A_721 : vector<16xf32>
      %get3A_723 = arith.constant 896 : index
      %get3A_724 = tpu.vector_load %arg4[%get3A_723] {strides = array<i32>} : memref<1024xf32, #tpu.memory_space<vmem>>, vector<16xf32>,
      %gt3A_725 = arith.cmpf ogt, %get3A_724, %bitcast3A_333 : vector<16xf32>
      %select_n3A_726 = arith.select %gt3A_725, %broadcast_in_dim3A_0, %broadcast_in_dim3A_2 : vector<16xi1>, vector<16xi32>
      %add3A_727 = arith.addi %add3A_720, %select_n3A_726 : vector<16xi32>
      %select_n3A_728 = arith.select %gt3A_725, %get3A_724, %broadcast_in_dim3A_4 : vector<16xi1>, vector<16xf32>
      %add3A_729 = arith.addf %add3A_722, %select_n3A_728 : vector<16xf32>
      %get3A_730 = arith.constant 912 : index
      %get3A_731 = tpu.vector_load %arg4[%get3A_730] {strides = array<i32>} : memref<1024xf32, #tpu.memory_space<vmem>>, vector<16xf32>,
      %gt3A_732 = arith.cmpf ogt, %get3A_731, %bitcast3A_333 : vector<16xf32>
      %select_n3A_733 = arith.select %gt3A_732, %broadcast_in_dim3A_0, %broadcast_in_dim3A_2 : vector<16xi1>, vector<16xi32>
      %add3A_734 = arith.addi %add3A_727, %select_n3A_733 : vector<16xi32>
      %select_n3A_735 = arith.select %gt3A_732, %get3A_731, %broadcast_in_dim3A_4 : vector<16xi1>, vector<16xf32>
      %add3A_736 = arith.addf %add3A_729, %select_n3A_735 : vector<16xf32>
      %get3A_737 = arith.constant 928 : index
      %get3A_738 = tpu.vector_load %arg4[%get3A_737] {strides = array<i32>} : memref<1024xf32, #tpu.memory_space<vmem>>, vector<16xf32>,
      %gt3A_739 = arith.cmpf ogt, %get3A_738, %bitcast3A_333 : vector<16xf32>
      %select_n3A_740 = arith.select %gt3A_739, %broadcast_in_dim3A_0, %broadcast_in_dim3A_2 : vector<16xi1>, vector<16xi32>
      %add3A_741 = arith.addi %add3A_734, %select_n3A_740 : vector<16xi32>
      %select_n3A_742 = arith.select %gt3A_739, %get3A_738, %broadcast_in_dim3A_4 : vector<16xi1>, vector<16xf32>
      %add3A_743 = arith.addf %add3A_736, %select_n3A_742 : vector<16xf32>
      %get3A_744 = arith.constant 944 : index
      %get3A_745 = tpu.vector_load %arg4[%get3A_744] {strides = array<i32>} : memref<1024xf32, #tpu.memory_space<vmem>>, vector<16xf32>,
      %gt3A_746 = arith.cmpf ogt, %get3A_745, %bitcast3A_333 : vector<16xf32>
      %select_n3A_747 = arith.select %gt3A_746, %broadcast_in_dim3A_0, %broadcast_in_dim3A_2 : vector<16xi1>, vector<16xi32>
      %add3A_748 = arith.addi %add3A_741, %select_n3A_747 : vector<16xi32>
      %select_n3A_749 = arith.select %gt3A_746, %get3A_745, %broadcast_in_dim3A_4 : vector<16xi1>, vector<16xf32>
      %add3A_750 = arith.addf %add3A_743, %select_n3A_749 : vector<16xf32>
      %get3A_751 = arith.constant 960 : index
      %get3A_752 = tpu.vector_load %arg4[%get3A_751] {strides = array<i32>} : memref<1024xf32, #tpu.memory_space<vmem>>, vector<16xf32>,
      %gt3A_753 = arith.cmpf ogt, %get3A_752, %bitcast3A_333 : vector<16xf32>
      %select_n3A_754 = arith.select %gt3A_753, %broadcast_in_dim3A_0, %broadcast_in_dim3A_2 : vector<16xi1>, vector<16xi32>
      %add3A_755 = arith.addi %add3A_748, %select_n3A_754 : vector<16xi32>
      %select_n3A_756 = arith.select %gt3A_753, %get3A_752, %broadcast_in_dim3A_4 : vector<16xi1>, vector<16xf32>
      %add3A_757 = arith.addf %add3A_750, %select_n3A_756 : vector<16xf32>
      %get3A_758 = arith.constant 976 : index
      %get3A_759 = tpu.vector_load %arg4[%get3A_758] {strides = array<i32>} : memref<1024xf32, #tpu.memory_space<vmem>>, vector<16xf32>,
      %gt3A_760 = arith.cmpf ogt, %get3A_759, %bitcast3A_333 : vector<16xf32>
      %select_n3A_761 = arith.select %gt3A_760, %broadcast_in_dim3A_0, %broadcast_in_dim3A_2 : vector<16xi1>, vector<16xi32>
      %add3A_762 = arith.addi %add3A_755, %select_n3A_761 : vector<16xi32>
      %select_n3A_763 = arith.select %gt3A_760, %get3A_759, %broadcast_in_dim3A_4 : vector<16xi1>, vector<16xf32>
      %add3A_764 = arith.addf %add3A_757, %select_n3A_763 : vector<16xf32>
      %get3A_765 = arith.constant 992 : index
      %get3A_766 = tpu.vector_load %arg4[%get3A_765] {strides = array<i32>} : memref<1024xf32, #tpu.memory_space<vmem>>, vector<16xf32>,
      %gt3A_767 = arith.cmpf ogt, %get3A_766, %bitcast3A_333 : vector<16xf32>
      %select_n3A_768 = arith.select %gt3A_767, %broadcast_in_dim3A_0, %broadcast_in_dim3A_2 : vector<16xi1>, vector<16xi32>
      %add3A_769 = arith.addi %add3A_762, %select_n3A_768 : vector<16xi32>
      %select_n3A_770 = arith.select %gt3A_767, %get3A_766, %broadcast_in_dim3A_4 : vector<16xi1>, vector<16xf32>
      %add3A_771 = arith.addf %add3A_764, %select_n3A_770 : vector<16xf32>
      %get3A_772 = arith.constant 1008 : index
      %get3A_773 = tpu.vector_load %arg4[%get3A_772] {strides = array<i32>} : memref<1024xf32, #tpu.memory_space<vmem>>, vector<16xf32>,
      %gt3A_774 = arith.cmpf ogt, %get3A_773, %bitcast3A_333 : vector<16xf32>
      %select_n3A_775 = arith.select %gt3A_774, %broadcast_in_dim3A_0, %broadcast_in_dim3A_2 : vector<16xi1>, vector<16xi32>
      %add3A_776 = arith.addi %add3A_769, %select_n3A_775 : vector<16xi32>
      %select_n3A_777 = arith.select %gt3A_774, %get3A_773, %broadcast_in_dim3A_4 : vector<16xi1>, vector<16xf32>
      %add3A_778 = arith.addf %add3A_771, %select_n3A_777 : vector<16xf32>
      %swap3A_779 = arith.constant 0 : index
      %swap3A_780 = tpu.vector_load %arg6[%swap3A_779] {strides = array<i32>} : memref<16xi32, #tpu.memory_space<vmem>>, vector<16xi32>,
      tpu.vector_store %arg6[%swap3A_779], %add3A_776 {strides = array<i32>} : memref<16xi32, #tpu.memory_space<vmem>>, vector<16xi32>,
      %run_scoped3A = arith.constant 32 : i32
      "tpu.region"() ({
        %run_scoped3A_1044 = tpu.sem_alloc : memref<!tpu.dma_semaphore, #tpu.memory_space<semaphore_mem>>
        %dma_start3A = arith.constant 0 : i32
        %dma_start3A_1045 = tpu.memref_slice %arg10[%run_scoped3A, %arg1, %dma_start3A] : memref<34x16x16xi32, #tpu.memory_space<vmem_shared>> -> memref<1x1x16xi32, #tpu.memory_space<vmem_shared>>
        %dma_start3A_1046 = tpu.memref_squeeze %dma_start3A_1045 : memref<1x1x16xi32, #tpu.memory_space<vmem_shared>> -> memref<16xi32, #tpu.memory_space<vmem_shared>>
        %dma_start3A_1047 = arith.constant 0 : i32
        %dma_start3A_1048 = tpu.memref_slice %arg10[%run_scoped3A, %arg1, %dma_start3A_1047] : memref<34x16x16xi32, #tpu.memory_space<vmem_shared>> -> memref<1x1x16xi32, #tpu.memory_space<vmem_shared>>
        %dma_start3A_1049 = tpu.memref_squeeze %dma_start3A_1048 : memref<1x1x16xi32, #tpu.memory_space<vmem_shared>> -> memref<16xi32, #tpu.memory_space<vmem_shared>>
        tpu.enqueue_dma source(%arg6 : memref<16xi32, #tpu.memory_space<vmem>>) target(%dma_start3A_1049 : memref<16xi32, #tpu.memory_space<vmem_shared>>) target_semaphore(%run_scoped3A_1044 : memref<!tpu.dma_semaphore, #tpu.memory_space<semaphore_mem>>)
        %dma_wait3A = arith.constant 0 : i32
        %dma_wait3A_1050 = tpu.memref_slice %arg10[%run_scoped3A, %arg1, %dma_wait3A] : memref<34x16x16xi32, #tpu.memory_space<vmem_shared>> -> memref<1x1x16xi32, #tpu.memory_space<vmem_shared>>
        %dma_wait3A_1051 = tpu.memref_squeeze %dma_wait3A_1050 : memref<1x1x16xi32, #tpu.memory_space<vmem_shared>> -> memref<16xi32, #tpu.memory_space<vmem_shared>>
        %dma_wait3A_1052 = arith.constant 0 : i32
        %dma_wait3A_1053 = tpu.memref_slice %arg10[%run_scoped3A, %arg1, %dma_wait3A_1052] : memref<34x16x16xi32, #tpu.memory_space<vmem_shared>> -> memref<1x1x16xi32, #tpu.memory_space<vmem_shared>>
        %dma_wait3A_1054 = tpu.memref_squeeze %dma_wait3A_1053 : memref<1x1x16xi32, #tpu.memory_space<vmem_shared>> -> memref<16xi32, #tpu.memory_space<vmem_shared>>
        tpu.wait_dma2 semaphore(%run_scoped3A_1044 : memref<!tpu.dma_semaphore, #tpu.memory_space<semaphore_mem>>) src(%arg6 : memref<16xi32, #tpu.memory_space<vmem>>) dst(%dma_wait3A_1054 : memref<16xi32, #tpu.memory_space<vmem_shared>>)
        tpu.yield
      }) : () -> ()
      %bitcast3A_781 = vector.bitcast %add3A_778 : vector<16xf32> to vector<16xi32>
      %swap3A_782 = arith.constant 0 : index
      %swap3A_783 = tpu.vector_load %arg6[%swap3A_782] {strides = array<i32>} : memref<16xi32, #tpu.memory_space<vmem>>, vector<16xi32>,
      tpu.vector_store %arg6[%swap3A_782], %bitcast3A_781 {strides = array<i32>} : memref<16xi32, #tpu.memory_space<vmem>>, vector<16xi32>,
      %run_scoped3A_784 = arith.constant 33 : i32
      "tpu.region"() ({
        %run_scoped3A_1044 = tpu.sem_alloc : memref<!tpu.dma_semaphore, #tpu.memory_space<semaphore_mem>>
        %dma_start3A = arith.constant 0 : i32
        %dma_start3A_1045 = tpu.memref_slice %arg10[%run_scoped3A_784, %arg1, %dma_start3A] : memref<34x16x16xi32, #tpu.memory_space<vmem_shared>> -> memref<1x1x16xi32, #tpu.memory_space<vmem_shared>>
        %dma_start3A_1046 = tpu.memref_squeeze %dma_start3A_1045 : memref<1x1x16xi32, #tpu.memory_space<vmem_shared>> -> memref<16xi32, #tpu.memory_space<vmem_shared>>
        %dma_start3A_1047 = arith.constant 0 : i32
        %dma_start3A_1048 = tpu.memref_slice %arg10[%run_scoped3A_784, %arg1, %dma_start3A_1047] : memref<34x16x16xi32, #tpu.memory_space<vmem_shared>> -> memref<1x1x16xi32, #tpu.memory_space<vmem_shared>>
        %dma_start3A_1049 = tpu.memref_squeeze %dma_start3A_1048 : memref<1x1x16xi32, #tpu.memory_space<vmem_shared>> -> memref<16xi32, #tpu.memory_space<vmem_shared>>
        tpu.enqueue_dma source(%arg6 : memref<16xi32, #tpu.memory_space<vmem>>) target(%dma_start3A_1049 : memref<16xi32, #tpu.memory_space<vmem_shared>>) target_semaphore(%run_scoped3A_1044 : memref<!tpu.dma_semaphore, #tpu.memory_space<semaphore_mem>>)
        %dma_wait3A = arith.constant 0 : i32
        %dma_wait3A_1050 = tpu.memref_slice %arg10[%run_scoped3A_784, %arg1, %dma_wait3A] : memref<34x16x16xi32, #tpu.memory_space<vmem_shared>> -> memref<1x1x16xi32, #tpu.memory_space<vmem_shared>>
        %dma_wait3A_1051 = tpu.memref_squeeze %dma_wait3A_1050 : memref<1x1x16xi32, #tpu.memory_space<vmem_shared>> -> memref<16xi32, #tpu.memory_space<vmem_shared>>
        %dma_wait3A_1052 = arith.constant 0 : i32
        %dma_wait3A_1053 = tpu.memref_slice %arg10[%run_scoped3A_784, %arg1, %dma_wait3A_1052] : memref<34x16x16xi32, #tpu.memory_space<vmem_shared>> -> memref<1x1x16xi32, #tpu.memory_space<vmem_shared>>
        %dma_wait3A_1054 = tpu.memref_squeeze %dma_wait3A_1053 : memref<1x1x16xi32, #tpu.memory_space<vmem_shared>> -> memref<16xi32, #tpu.memory_space<vmem_shared>>
        tpu.wait_dma2 semaphore(%run_scoped3A_1044 : memref<!tpu.dma_semaphore, #tpu.memory_space<semaphore_mem>>) src(%arg6 : memref<16xi32, #tpu.memory_space<vmem>>) dst(%dma_wait3A_1054 : memref<16xi32, #tpu.memory_space<vmem_shared>>)
        tpu.yield
      }) : () -> ()
      %barrier3A = arith.constant 0 : index
      tpu.barrier barrier_id(%barrier3A)
      "tpu.region"() ({
        %run_scoped3A_1044 = tpu.sem_alloc : memref<!tpu.dma_semaphore, #tpu.memory_space<semaphore_mem>>
        %dma_start3A = arith.constant 32 : i32
        %dma_start3A_1045 = arith.constant 0 : i32
        %dma_start3A_1046 = arith.constant 0 : i32
        %dma_start3A_1047 = tpu.memref_slice %arg10[%dma_start3A, %dma_start3A_1045, %dma_start3A_1046] : memref<34x16x16xi32, #tpu.memory_space<vmem_shared>> -> memref<2x16x16xi32, #tpu.memory_space<vmem_shared>>
        %dma_start3A_1048 = arith.constant 32 : i32
        %dma_start3A_1049 = arith.constant 0 : i32
        %dma_start3A_1050 = arith.constant 0 : i32
        %dma_start3A_1051 = tpu.memref_slice %arg10[%dma_start3A_1048, %dma_start3A_1049, %dma_start3A_1050] : memref<34x16x16xi32, #tpu.memory_space<vmem_shared>> -> memref<2x16x16xi32, #tpu.memory_space<vmem_shared>>
        tpu.enqueue_dma source(%dma_start3A_1051 : memref<2x16x16xi32, #tpu.memory_space<vmem_shared>>) target(%arg9 : memref<2x16x16xi32, #tpu.memory_space<vmem>>) target_semaphore(%run_scoped3A_1044 : memref<!tpu.dma_semaphore, #tpu.memory_space<semaphore_mem>>)
        %dma_wait3A = arith.constant 32 : i32
        %dma_wait3A_1052 = arith.constant 0 : i32
        %dma_wait3A_1053 = arith.constant 0 : i32
        %dma_wait3A_1054 = tpu.memref_slice %arg10[%dma_wait3A, %dma_wait3A_1052, %dma_wait3A_1053] : memref<34x16x16xi32, #tpu.memory_space<vmem_shared>> -> memref<2x16x16xi32, #tpu.memory_space<vmem_shared>>
        %dma_wait3A_1055 = arith.constant 32 : i32
        %dma_wait3A_1056 = arith.constant 0 : i32
        %dma_wait3A_1057 = arith.constant 0 : i32
        %dma_wait3A_1058 = tpu.memref_slice %arg10[%dma_wait3A_1055, %dma_wait3A_1056, %dma_wait3A_1057] : memref<34x16x16xi32, #tpu.memory_space<vmem_shared>> -> memref<2x16x16xi32, #tpu.memory_space<vmem_shared>>
        tpu.wait_dma2 semaphore(%run_scoped3A_1044 : memref<!tpu.dma_semaphore, #tpu.memory_space<semaphore_mem>>) src(%dma_wait3A_1058 : memref<2x16x16xi32, #tpu.memory_space<vmem_shared>>) dst(%arg9 : memref<2x16x16xi32, #tpu.memory_space<vmem>>)
        tpu.yield
      }) : () -> ()
      %get3A_785 = arith.constant 0 : i32
      %get3A_786 = arith.constant 0 : i32
      %get3A_787 = arith.index_cast %get3A_785 : i32 to index
      %get3A_788 = arith.index_cast %get3A_786 : i32 to index
      %get3A_789 = arith.constant 0 : index
      %get3A_790 = tpu.vector_load %arg9[%get3A_787, %get3A_788, %get3A_789] {strides = array<i32>} : memref<2x16x16xi32, #tpu.memory_space<vmem>>, vector<16xi32>,
      %add3A_791 = arith.addi %broadcast_in_dim3A_2, %get3A_790 : vector<16xi32>
      %get3A_792 = arith.constant 1 : i32
      %get3A_793 = arith.constant 0 : i32
      %get3A_794 = arith.index_cast %get3A_792 : i32 to index
      %get3A_795 = arith.index_cast %get3A_793 : i32 to index
      %get3A_796 = arith.constant 0 : index
      %get3A_797 = tpu.vector_load %arg9[%get3A_794, %get3A_795, %get3A_796] {strides = array<i32>} : memref<2x16x16xi32, #tpu.memory_space<vmem>>, vector<16xi32>,
      %bitcast3A_798 = vector.bitcast %get3A_797 : vector<16xi32> to vector<16xf32>
      %add3A_799 = arith.addf %broadcast_in_dim3A_4, %bitcast3A_798 : vector<16xf32>
      %get3A_800 = arith.constant 0 : i32
      %get3A_801 = arith.constant 1 : i32
      %get3A_802 = arith.index_cast %get3A_800 : i32 to index
      %get3A_803 = arith.index_cast %get3A_801 : i32 to index
      %get3A_804 = arith.constant 0 : index
      %get3A_805 = tpu.vector_load %arg9[%get3A_802, %get3A_803, %get3A_804] {strides = array<i32>} : memref<2x16x16xi32, #tpu.memory_space<vmem>>, vector<16xi32>,
      %add3A_806 = arith.addi %add3A_791, %get3A_805 : vector<16xi32>
      %get3A_807 = arith.constant 1 : i32
      %get3A_808 = arith.constant 1 : i32
      %get3A_809 = arith.index_cast %get3A_807 : i32 to index
      %get3A_810 = arith.index_cast %get3A_808 : i32 to index
      %get3A_811 = arith.constant 0 : index
      %get3A_812 = tpu.vector_load %arg9[%get3A_809, %get3A_810, %get3A_811] {strides = array<i32>} : memref<2x16x16xi32, #tpu.memory_space<vmem>>, vector<16xi32>,
      %bitcast3A_813 = vector.bitcast %get3A_812 : vector<16xi32> to vector<16xf32>
      %add3A_814 = arith.addf %add3A_799, %bitcast3A_813 : vector<16xf32>
      %get3A_815 = arith.constant 0 : i32
      %get3A_816 = arith.constant 2 : i32
      %get3A_817 = arith.index_cast %get3A_815 : i32 to index
      %get3A_818 = arith.index_cast %get3A_816 : i32 to index
      %get3A_819 = arith.constant 0 : index
      %get3A_820 = tpu.vector_load %arg9[%get3A_817, %get3A_818, %get3A_819] {strides = array<i32>} : memref<2x16x16xi32, #tpu.memory_space<vmem>>, vector<16xi32>,
      %add3A_821 = arith.addi %add3A_806, %get3A_820 : vector<16xi32>
      %get3A_822 = arith.constant 1 : i32
      %get3A_823 = arith.constant 2 : i32
      %get3A_824 = arith.index_cast %get3A_822 : i32 to index
      %get3A_825 = arith.index_cast %get3A_823 : i32 to index
      %get3A_826 = arith.constant 0 : index
      %get3A_827 = tpu.vector_load %arg9[%get3A_824, %get3A_825, %get3A_826] {strides = array<i32>} : memref<2x16x16xi32, #tpu.memory_space<vmem>>, vector<16xi32>,
      %bitcast3A_828 = vector.bitcast %get3A_827 : vector<16xi32> to vector<16xf32>
      %add3A_829 = arith.addf %add3A_814, %bitcast3A_828 : vector<16xf32>
      %get3A_830 = arith.constant 0 : i32
      %get3A_831 = arith.constant 3 : i32
      %get3A_832 = arith.index_cast %get3A_830 : i32 to index
      %get3A_833 = arith.index_cast %get3A_831 : i32 to index
      %get3A_834 = arith.constant 0 : index
      %get3A_835 = tpu.vector_load %arg9[%get3A_832, %get3A_833, %get3A_834] {strides = array<i32>} : memref<2x16x16xi32, #tpu.memory_space<vmem>>, vector<16xi32>,
      %add3A_836 = arith.addi %add3A_821, %get3A_835 : vector<16xi32>
      %get3A_837 = arith.constant 1 : i32
      %get3A_838 = arith.constant 3 : i32
      %get3A_839 = arith.index_cast %get3A_837 : i32 to index
      %get3A_840 = arith.index_cast %get3A_838 : i32 to index
      %get3A_841 = arith.constant 0 : index
      %get3A_842 = tpu.vector_load %arg9[%get3A_839, %get3A_840, %get3A_841] {strides = array<i32>} : memref<2x16x16xi32, #tpu.memory_space<vmem>>, vector<16xi32>,
      %bitcast3A_843 = vector.bitcast %get3A_842 : vector<16xi32> to vector<16xf32>
      %add3A_844 = arith.addf %add3A_829, %bitcast3A_843 : vector<16xf32>
      %get3A_845 = arith.constant 0 : i32
      %get3A_846 = arith.constant 4 : i32
      %get3A_847 = arith.index_cast %get3A_845 : i32 to index
      %get3A_848 = arith.index_cast %get3A_846 : i32 to index
      %get3A_849 = arith.constant 0 : index
      %get3A_850 = tpu.vector_load %arg9[%get3A_847, %get3A_848, %get3A_849] {strides = array<i32>} : memref<2x16x16xi32, #tpu.memory_space<vmem>>, vector<16xi32>,
      %add3A_851 = arith.addi %add3A_836, %get3A_850 : vector<16xi32>
      %get3A_852 = arith.constant 1 : i32
      %get3A_853 = arith.constant 4 : i32
      %get3A_854 = arith.index_cast %get3A_852 : i32 to index
      %get3A_855 = arith.index_cast %get3A_853 : i32 to index
      %get3A_856 = arith.constant 0 : index
      %get3A_857 = tpu.vector_load %arg9[%get3A_854, %get3A_855, %get3A_856] {strides = array<i32>} : memref<2x16x16xi32, #tpu.memory_space<vmem>>, vector<16xi32>,
      %bitcast3A_858 = vector.bitcast %get3A_857 : vector<16xi32> to vector<16xf32>
      %add3A_859 = arith.addf %add3A_844, %bitcast3A_858 : vector<16xf32>
      %get3A_860 = arith.constant 0 : i32
      %get3A_861 = arith.constant 5 : i32
      %get3A_862 = arith.index_cast %get3A_860 : i32 to index
      %get3A_863 = arith.index_cast %get3A_861 : i32 to index
      %get3A_864 = arith.constant 0 : index
      %get3A_865 = tpu.vector_load %arg9[%get3A_862, %get3A_863, %get3A_864] {strides = array<i32>} : memref<2x16x16xi32, #tpu.memory_space<vmem>>, vector<16xi32>,
      %add3A_866 = arith.addi %add3A_851, %get3A_865 : vector<16xi32>
      %get3A_867 = arith.constant 1 : i32
      %get3A_868 = arith.constant 5 : i32
      %get3A_869 = arith.index_cast %get3A_867 : i32 to index
      %get3A_870 = arith.index_cast %get3A_868 : i32 to index
      %get3A_871 = arith.constant 0 : index
      %get3A_872 = tpu.vector_load %arg9[%get3A_869, %get3A_870, %get3A_871] {strides = array<i32>} : memref<2x16x16xi32, #tpu.memory_space<vmem>>, vector<16xi32>,
      %bitcast3A_873 = vector.bitcast %get3A_872 : vector<16xi32> to vector<16xf32>
      %add3A_874 = arith.addf %add3A_859, %bitcast3A_873 : vector<16xf32>
      %get3A_875 = arith.constant 0 : i32
      %get3A_876 = arith.constant 6 : i32
      %get3A_877 = arith.index_cast %get3A_875 : i32 to index
      %get3A_878 = arith.index_cast %get3A_876 : i32 to index
      %get3A_879 = arith.constant 0 : index
      %get3A_880 = tpu.vector_load %arg9[%get3A_877, %get3A_878, %get3A_879] {strides = array<i32>} : memref<2x16x16xi32, #tpu.memory_space<vmem>>, vector<16xi32>,
      %add3A_881 = arith.addi %add3A_866, %get3A_880 : vector<16xi32>
      %get3A_882 = arith.constant 1 : i32
      %get3A_883 = arith.constant 6 : i32
      %get3A_884 = arith.index_cast %get3A_882 : i32 to index
      %get3A_885 = arith.index_cast %get3A_883 : i32 to index
      %get3A_886 = arith.constant 0 : index
      %get3A_887 = tpu.vector_load %arg9[%get3A_884, %get3A_885, %get3A_886] {strides = array<i32>} : memref<2x16x16xi32, #tpu.memory_space<vmem>>, vector<16xi32>,
      %bitcast3A_888 = vector.bitcast %get3A_887 : vector<16xi32> to vector<16xf32>
      %add3A_889 = arith.addf %add3A_874, %bitcast3A_888 : vector<16xf32>
      %get3A_890 = arith.constant 0 : i32
      %get3A_891 = arith.constant 7 : i32
      %get3A_892 = arith.index_cast %get3A_890 : i32 to index
      %get3A_893 = arith.index_cast %get3A_891 : i32 to index
      %get3A_894 = arith.constant 0 : index
      %get3A_895 = tpu.vector_load %arg9[%get3A_892, %get3A_893, %get3A_894] {strides = array<i32>} : memref<2x16x16xi32, #tpu.memory_space<vmem>>, vector<16xi32>,
      %add3A_896 = arith.addi %add3A_881, %get3A_895 : vector<16xi32>
      %get3A_897 = arith.constant 1 : i32
      %get3A_898 = arith.constant 7 : i32
      %get3A_899 = arith.index_cast %get3A_897 : i32 to index
      %get3A_900 = arith.index_cast %get3A_898 : i32 to index
      %get3A_901 = arith.constant 0 : index
      %get3A_902 = tpu.vector_load %arg9[%get3A_899, %get3A_900, %get3A_901] {strides = array<i32>} : memref<2x16x16xi32, #tpu.memory_space<vmem>>, vector<16xi32>,
      %bitcast3A_903 = vector.bitcast %get3A_902 : vector<16xi32> to vector<16xf32>
      %add3A_904 = arith.addf %add3A_889, %bitcast3A_903 : vector<16xf32>
      %get3A_905 = arith.constant 0 : i32
      %get3A_906 = arith.constant 8 : i32
      %get3A_907 = arith.index_cast %get3A_905 : i32 to index
      %get3A_908 = arith.index_cast %get3A_906 : i32 to index
      %get3A_909 = arith.constant 0 : index
      %get3A_910 = tpu.vector_load %arg9[%get3A_907, %get3A_908, %get3A_909] {strides = array<i32>} : memref<2x16x16xi32, #tpu.memory_space<vmem>>, vector<16xi32>,
      %add3A_911 = arith.addi %add3A_896, %get3A_910 : vector<16xi32>
      %get3A_912 = arith.constant 1 : i32
      %get3A_913 = arith.constant 8 : i32
      %get3A_914 = arith.index_cast %get3A_912 : i32 to index
      %get3A_915 = arith.index_cast %get3A_913 : i32 to index
      %get3A_916 = arith.constant 0 : index
      %get3A_917 = tpu.vector_load %arg9[%get3A_914, %get3A_915, %get3A_916] {strides = array<i32>} : memref<2x16x16xi32, #tpu.memory_space<vmem>>, vector<16xi32>,
      %bitcast3A_918 = vector.bitcast %get3A_917 : vector<16xi32> to vector<16xf32>
      %add3A_919 = arith.addf %add3A_904, %bitcast3A_918 : vector<16xf32>
      %get3A_920 = arith.constant 0 : i32
      %get3A_921 = arith.constant 9 : i32
      %get3A_922 = arith.index_cast %get3A_920 : i32 to index
      %get3A_923 = arith.index_cast %get3A_921 : i32 to index
      %get3A_924 = arith.constant 0 : index
      %get3A_925 = tpu.vector_load %arg9[%get3A_922, %get3A_923, %get3A_924] {strides = array<i32>} : memref<2x16x16xi32, #tpu.memory_space<vmem>>, vector<16xi32>,
      %add3A_926 = arith.addi %add3A_911, %get3A_925 : vector<16xi32>
      %get3A_927 = arith.constant 1 : i32
      %get3A_928 = arith.constant 9 : i32
      %get3A_929 = arith.index_cast %get3A_927 : i32 to index
      %get3A_930 = arith.index_cast %get3A_928 : i32 to index
      %get3A_931 = arith.constant 0 : index
      %get3A_932 = tpu.vector_load %arg9[%get3A_929, %get3A_930, %get3A_931] {strides = array<i32>} : memref<2x16x16xi32, #tpu.memory_space<vmem>>, vector<16xi32>,
      %bitcast3A_933 = vector.bitcast %get3A_932 : vector<16xi32> to vector<16xf32>
      %add3A_934 = arith.addf %add3A_919, %bitcast3A_933 : vector<16xf32>
      %get3A_935 = arith.constant 0 : i32
      %get3A_936 = arith.constant 10 : i32
      %get3A_937 = arith.index_cast %get3A_935 : i32 to index
      %get3A_938 = arith.index_cast %get3A_936 : i32 to index
      %get3A_939 = arith.constant 0 : index
      %get3A_940 = tpu.vector_load %arg9[%get3A_937, %get3A_938, %get3A_939] {strides = array<i32>} : memref<2x16x16xi32, #tpu.memory_space<vmem>>, vector<16xi32>,
      %add3A_941 = arith.addi %add3A_926, %get3A_940 : vector<16xi32>
      %get3A_942 = arith.constant 1 : i32
      %get3A_943 = arith.constant 10 : i32
      %get3A_944 = arith.index_cast %get3A_942 : i32 to index
      %get3A_945 = arith.index_cast %get3A_943 : i32 to index
      %get3A_946 = arith.constant 0 : index
      %get3A_947 = tpu.vector_load %arg9[%get3A_944, %get3A_945, %get3A_946] {strides = array<i32>} : memref<2x16x16xi32, #tpu.memory_space<vmem>>, vector<16xi32>,
      %bitcast3A_948 = vector.bitcast %get3A_947 : vector<16xi32> to vector<16xf32>
      %add3A_949 = arith.addf %add3A_934, %bitcast3A_948 : vector<16xf32>
      %get3A_950 = arith.constant 0 : i32
      %get3A_951 = arith.constant 11 : i32
      %get3A_952 = arith.index_cast %get3A_950 : i32 to index
      %get3A_953 = arith.index_cast %get3A_951 : i32 to index
      %get3A_954 = arith.constant 0 : index
      %get3A_955 = tpu.vector_load %arg9[%get3A_952, %get3A_953, %get3A_954] {strides = array<i32>} : memref<2x16x16xi32, #tpu.memory_space<vmem>>, vector<16xi32>,
      %add3A_956 = arith.addi %add3A_941, %get3A_955 : vector<16xi32>
      %get3A_957 = arith.constant 1 : i32
      %get3A_958 = arith.constant 11 : i32
      %get3A_959 = arith.index_cast %get3A_957 : i32 to index
      %get3A_960 = arith.index_cast %get3A_958 : i32 to index
      %get3A_961 = arith.constant 0 : index
      %get3A_962 = tpu.vector_load %arg9[%get3A_959, %get3A_960, %get3A_961] {strides = array<i32>} : memref<2x16x16xi32, #tpu.memory_space<vmem>>, vector<16xi32>,
      %bitcast3A_963 = vector.bitcast %get3A_962 : vector<16xi32> to vector<16xf32>
      %add3A_964 = arith.addf %add3A_949, %bitcast3A_963 : vector<16xf32>
      %get3A_965 = arith.constant 0 : i32
      %get3A_966 = arith.constant 12 : i32
      %get3A_967 = arith.index_cast %get3A_965 : i32 to index
      %get3A_968 = arith.index_cast %get3A_966 : i32 to index
      %get3A_969 = arith.constant 0 : index
      %get3A_970 = tpu.vector_load %arg9[%get3A_967, %get3A_968, %get3A_969] {strides = array<i32>} : memref<2x16x16xi32, #tpu.memory_space<vmem>>, vector<16xi32>,
      %add3A_971 = arith.addi %add3A_956, %get3A_970 : vector<16xi32>
      %get3A_972 = arith.constant 1 : i32
      %get3A_973 = arith.constant 12 : i32
      %get3A_974 = arith.index_cast %get3A_972 : i32 to index
      %get3A_975 = arith.index_cast %get3A_973 : i32 to index
      %get3A_976 = arith.constant 0 : index
      %get3A_977 = tpu.vector_load %arg9[%get3A_974, %get3A_975, %get3A_976] {strides = array<i32>} : memref<2x16x16xi32, #tpu.memory_space<vmem>>, vector<16xi32>,
      %bitcast3A_978 = vector.bitcast %get3A_977 : vector<16xi32> to vector<16xf32>
      %add3A_979 = arith.addf %add3A_964, %bitcast3A_978 : vector<16xf32>
      %get3A_980 = arith.constant 0 : i32
      %get3A_981 = arith.constant 13 : i32
      %get3A_982 = arith.index_cast %get3A_980 : i32 to index
      %get3A_983 = arith.index_cast %get3A_981 : i32 to index
      %get3A_984 = arith.constant 0 : index
      %get3A_985 = tpu.vector_load %arg9[%get3A_982, %get3A_983, %get3A_984] {strides = array<i32>} : memref<2x16x16xi32, #tpu.memory_space<vmem>>, vector<16xi32>,
      %add3A_986 = arith.addi %add3A_971, %get3A_985 : vector<16xi32>
      %get3A_987 = arith.constant 1 : i32
      %get3A_988 = arith.constant 13 : i32
      %get3A_989 = arith.index_cast %get3A_987 : i32 to index
      %get3A_990 = arith.index_cast %get3A_988 : i32 to index
      %get3A_991 = arith.constant 0 : index
      %get3A_992 = tpu.vector_load %arg9[%get3A_989, %get3A_990, %get3A_991] {strides = array<i32>} : memref<2x16x16xi32, #tpu.memory_space<vmem>>, vector<16xi32>,
      %bitcast3A_993 = vector.bitcast %get3A_992 : vector<16xi32> to vector<16xf32>
      %add3A_994 = arith.addf %add3A_979, %bitcast3A_993 : vector<16xf32>
      %get3A_995 = arith.constant 0 : i32
      %get3A_996 = arith.constant 14 : i32
      %get3A_997 = arith.index_cast %get3A_995 : i32 to index
      %get3A_998 = arith.index_cast %get3A_996 : i32 to index
      %get3A_999 = arith.constant 0 : index
      %get3A_1000 = tpu.vector_load %arg9[%get3A_997, %get3A_998, %get3A_999] {strides = array<i32>} : memref<2x16x16xi32, #tpu.memory_space<vmem>>, vector<16xi32>,
      %add3A_1001 = arith.addi %add3A_986, %get3A_1000 : vector<16xi32>
      %get3A_1002 = arith.constant 1 : i32
      %get3A_1003 = arith.constant 14 : i32
      %get3A_1004 = arith.index_cast %get3A_1002 : i32 to index
      %get3A_1005 = arith.index_cast %get3A_1003 : i32 to index
      %get3A_1006 = arith.constant 0 : index
      %get3A_1007 = tpu.vector_load %arg9[%get3A_1004, %get3A_1005, %get3A_1006] {strides = array<i32>} : memref<2x16x16xi32, #tpu.memory_space<vmem>>, vector<16xi32>,
      %bitcast3A_1008 = vector.bitcast %get3A_1007 : vector<16xi32> to vector<16xf32>
      %add3A_1009 = arith.addf %add3A_994, %bitcast3A_1008 : vector<16xf32>
      %get3A_1010 = arith.constant 0 : i32
      %get3A_1011 = arith.constant 15 : i32
      %get3A_1012 = arith.index_cast %get3A_1010 : i32 to index
      %get3A_1013 = arith.index_cast %get3A_1011 : i32 to index
      %get3A_1014 = arith.constant 0 : index
      %get3A_1015 = tpu.vector_load %arg9[%get3A_1012, %get3A_1013, %get3A_1014] {strides = array<i32>} : memref<2x16x16xi32, #tpu.memory_space<vmem>>, vector<16xi32>,
      %add3A_1016 = arith.addi %add3A_1001, %get3A_1015 : vector<16xi32>
      %get3A_1017 = arith.constant 1 : i32
      %get3A_1018 = arith.constant 15 : i32
      %get3A_1019 = arith.index_cast %get3A_1017 : i32 to index
      %get3A_1020 = arith.index_cast %get3A_1018 : i32 to index
      %get3A_1021 = arith.constant 0 : index
      %get3A_1022 = tpu.vector_load %arg9[%get3A_1019, %get3A_1020, %get3A_1021] {strides = array<i32>} : memref<2x16x16xi32, #tpu.memory_space<vmem>>, vector<16xi32>,
      %bitcast3A_1023 = vector.bitcast %get3A_1022 : vector<16xi32> to vector<16xf32>
      %add3A_1024 = arith.addf %add3A_1009, %bitcast3A_1023 : vector<16xf32>
      %broadcast_in_dim3A_1025 = arith.constant 8.192000e+03 : f32
      %broadcast_in_dim3A_1026 = vector.broadcast %broadcast_in_dim3A_1025 : f32 to vector<16xf32>
      %reduce_sum3A = arith.constant true
      %reduce_sum3A_1027 = vector.broadcast %reduce_sum3A : i1 to vector<16xi1>
      %reduce_sum3A_1028 = tpu.scan <sum>, %add3A_1016 masked %reduce_sum3A_1027 : vector<16xi32>, vector<16xi1> -> vector<16xi32>
      %reduce_sum3A_1029 = vector.extract %reduce_sum3A_1028[15] : i32 from vector<16xi32>
      %convert_element_type3A_1030 = arith.sitofp %reduce_sum3A_1029 : i32 to f32
      %broadcast_in_dim3A_1031 = vector.broadcast %convert_element_type3A_1030 : f32 to vector<16xf32>
      %reduce_sum3A_1032 = arith.constant true
      %reduce_sum3A_1033 = vector.broadcast %reduce_sum3A_1032 : i1 to vector<16xi1>
      %reduce_sum3A_1034 = tpu.scan <sum>, %add3A_1024 masked %reduce_sum3A_1033 : vector<16xf32>, vector<16xi1> -> vector<16xf32>
      %reduce_sum3A_1035 = vector.extract %reduce_sum3A_1034[15] : f32 from vector<16xf32>
      %broadcast_in_dim3A_1036 = vector.broadcast %reduce_sum3A_1035 : f32 to vector<16xf32>
      %sub3A = arith.subf %broadcast_in_dim3A_1026, %broadcast_in_dim3A_1031 : vector<16xf32>
      %mul3A_1037 = arith.mulf %sub3A, %bitcast3A_333 : vector<16xf32>
      %add3A_1038 = arith.addf %broadcast_in_dim3A_1036, %mul3A_1037 : vector<16xf32>
      %div3A = arith.divf %add3A_1038, %broadcast_in_dim3A_1026 : vector<16xf32>
      %eq3A_1039 = arith.constant 0 : i32
      %eq3A_1040 = arith.cmpi eq, %arg1, %eq3A_1039 : i32
      %convert_element_type3A_1041 = arith.extui %eq3A_1040 : i1 to i32
      %cond3A_1042 = arith.constant 0 : i32
      %cond3A_1043 = arith.cmpi ne, %convert_element_type3A_1041, %cond3A_1042 : i32
      scf.if %cond3A_1043 {
        %swap3A_1044 = arith.constant 0 : index
        %swap3A_1045 = tpu.vector_load %arg7[%swap3A_1044] {strides = array<i32>} : memref<16xf32, #tpu.memory_space<vmem>>, vector<16xf32>,
        tpu.vector_store %arg7[%swap3A_1044], %div3A {strides = array<i32>} : memref<16xf32, #tpu.memory_space<vmem>>, vector<16xf32>,
        "tpu.region"() ({
          %run_scoped3A_1046 = tpu.sem_alloc : memref<!tpu.dma_semaphore, #tpu.memory_space<semaphore_mem>>
          tpu.enqueue_dma source(%arg7 : memref<16xf32, #tpu.memory_space<vmem>>) target(%arg3 : memref<16xf32, #tpu.memory_space<hbm>>) target_semaphore(%run_scoped3A_1046 : memref<!tpu.dma_semaphore, #tpu.memory_space<semaphore_mem>>)
          tpu.wait_dma2 semaphore(%run_scoped3A_1046 : memref<!tpu.dma_semaphore, #tpu.memory_space<semaphore_mem>>) src(%arg7 : memref<16xf32, #tpu.memory_space<vmem>>) dst(%arg3 : memref<16xf32, #tpu.memory_space<hbm>>)
          tpu.yield
        }) : () -> ()
      } else {
      }
    } else {
    }
    return
  }
}

module attributes {stable_mosaic.version = 14 : i64} {
  func.func @_rowsum_body(%arg0: i32, %arg1: memref<1024x1024xf32, #tpu.memory_space<vmem>>, %arg2: memref<1024x1024xf32, #tpu.memory_space<vmem>>, %arg3: memref<16x1024xf32, #tpu.memory_space<vmem>>) attributes {dimension_semantics = [#tpu.dimension_semantics<arbitrary>], iteration_bounds = array<i64: 16>, scalar_prefetch = 0 : i64, scratch_operands = 0 : i64, tpu.core_type = #tpu.core_type<tc>, window_params = [{transform_indices = @transform_0, window_bounds = array<i64: 1024, 1024>}, {transform_indices = @transform_1, window_bounds = array<i64: 1024, 1024>}, {pipeline_mode = #tpu.pipeline_mode<synchronous>, transform_indices = @transform_2, window_bounds = array<i64: 16, 1024>}]} {
    %get3A = arith.constant 0 : index
    %get3A_0 = arith.constant 0 : index
    %get3A_1 = vector.load %arg1[%get3A, %get3A_0] : memref<1024x1024xf32, #tpu.memory_space<vmem>>, vector<1024x1024xf32>
    %get3A_2 = arith.constant 0 : index
    %get3A_3 = arith.constant 0 : index
    %get3A_4 = vector.load %arg2[%get3A_2, %get3A_3] : memref<1024x1024xf32, #tpu.memory_space<vmem>>, vector<1024x1024xf32>
    %sub3A = arith.subf %get3A_1, %get3A_4 : vector<1024x1024xf32>
    %abs3A = math.absf %sub3A : vector<1024x1024xf32>
    %reduce_sum3A = arith.constant dense<0.000000e+00> : vector<1024xf32>
    %reduce_sum3A_5 = vector.multi_reduction <add>, %abs3A, %reduce_sum3A [1] : vector<1024x1024xf32> to vector<1024xf32>
    %reshape3A = vector.shape_cast %reduce_sum3A_5 : vector<1024xf32> to vector<1x1024xf32>
    %swap3A = arith.index_cast %arg0 : i32 to index
    %swap3A_6 = arith.constant 0 : index
    %swap3A_7 = vector.load %arg3[%swap3A, %swap3A_6] : memref<16x1024xf32, #tpu.memory_space<vmem>>, vector<1x1024xf32>
    tpu.vector_store %arg3[%swap3A, %swap3A_6], %reshape3A {strides = array<i32>} : memref<16x1024xf32, #tpu.memory_space<vmem>>, vector<1x1024xf32>,
    return
  }
  func.func @transform_0(%arg0: i32) -> (i32, i32) {
    %c0_i32 = arith.constant 0 : i32
    %c0_i32_0 = arith.constant 0 : i32
    return %arg0, %c0_i32 : i32, i32
  }
  func.func @transform_1(%arg0: i32) -> (i32, i32) {
    %c0_i32 = arith.constant 0 : i32
    %c0_i32_0 = arith.constant 0 : i32
    return %arg0, %c0_i32 : i32, i32
  }
  func.func @transform_2(%arg0: i32) -> (i32, i32) {
    %c0_i32 = arith.constant 0 : i32
    %c0_i32_0 = arith.constant 0 : i32
    %c0_i32_1 = arith.constant 0 : i32
    return %c0_i32, %c0_i32_0 : i32, i32
  }
}

</mosaic_0001>

<sc_bundles>
// kernel: kernel.4.cloned.1.call-start
scs
__scs_entry_jumppad:
0x0: {  	(pc) =	sbr.rel $0x88, $3  }
0x1: {  	(tag) =	ssettag $0x0;
	lr =	simm.s32 $0x1  }
0x2: {  	[smem:$0x3F9F] =	sst lr;
	_ =	strace $0xD0000000  }
0x3: {  	_ = 	snop  }
0x4: {  	_ = 	snop  }
0x5: {  	_ = 	snop  }
0x6: {  	_ = 	snop  }
0x7: {  	_ = 	snop  }
__scs_overlays_trampoline_lowered:
0x8: {  	[smem:$0x3FAE] =	sst s0  }
0x9: {  	[smem:$0x3FAF] =	sst s1  }
0xa: {  	[smem:$0x3FB0] =	sst s2  }
0xb: {  	[smem:$0x3FB1] =	sst s3  }
0xc: {  	[smem:$0x3FB2] =	sst s4  }
0xd: {  	[smem:$0x3FB3] =	sst s5  }
0xe: {  	[smem:$0x3FB4] =	sst s6  }
0xf: {  	[smem:$0x3FB5] =	sst s7  }
0x10: {  	[smem:$0x3FB6] =	sst s8  }
0x11: {  	[smem:$0x3FB7] =	sst s9;
	s0 =	simm.s32 @!p0 $0x0  }
0x12: {  	s1 =	sld [smem:$0x3F9D];
	s0 =	simm.s32 @p0 $0x1  }
0x13: {  	[smem:$0x3FB8] =	sst s0;
	s0 =	simm.s32 @!p1 $0x0  }
0x14: {  	s2 =	sld [smem:$0x3F9C];
	s0 =	simm.s32 @p1 $0x1  }
0x15: {  	[smem:$0x3FB9] =	sst s0;
	s0 =	simm.s32 @!p2 $0x0  }
0x16: {  	s3 =	sld [smem:$0x3FDB];
	s0 =	simm.s32 @p2 $0x1  }
0x17: {  	s4 =	simm.s32 $0x1BF5;
	[smem:$0x3FBB] =	sst s0  }
0x18: {  	s0 =	sld [smem:$0x3F9E];
	_ =	swait.ge [sflag:s4], $0x0  }
0x19: {  	s7 =	sld [smem:$0x3F9F]  }
0x1a: {  	s8 =	sadd.s32 $0xFFFFE003, lr  }
0x1b: {  	s9 =	sadd.s32 $0xFFFFFEF7, lr;
	s5 =	simm.s32 $0xFFFFFFFF;
	p2 =	slt.u32 s8, $0xFFFFF086  }
0x1c: {  	p1 =	slt.u32 s9, $0xF7A;
	s5 =	simm.s32 @!p2 $0x0  }
0x1d: {  	s5 =	simm.s32 @p1 $0x1;
	p0 =	seq.s32 s7, s2  }
0x1e: {  	s7 =	smul.u32 @!p0 $0xF7A, s2;
	p2 =	seq.s32 @!p0 s5, $0x0  }
0x1f: {  	s9 =	smul.u32 $0xF7A, s1;
	s8 =	simm.s32 @!p0 $0x1BF5;
	p2 =	por !p2, p0  }
0x20: {  	[sflag:s8] =	ssyncset.s32 @!p0 $0xFFFFF086;
	s6 =	sadd.s32 @!p0 s3, s7;
	s7 =	simm.s32 @!p0 $0x108  }
0x21: {  	s3 =	sadd.s32 s3, s9;
	s6 =	sadd.s32 @!p0 $0x88, s6;
	s7 =	simm.s32 @p2 $0x1082  }
0x22: {  	[simem:s7], [sflag:s8] =	dma.local @!p0 [hbm:s6], $0xF7A  }
0x23: {  	s9 =	sor.u32 $0xD0000000, s2;
	s6 =	simm.s32 $0x108;
	_ =	swait.ge @!p0 [sflag:s8], $0x0  }
0x24: {  	s3 =	sadd.s32 $0x88, s3;
	s6 =	simm.s32 @!p1 $0x1082;
	[sflag:s4] =	ssyncset.s32 $0xFFFFF086  }
0x25: {  	[simem:s6], [sflag:s4] =	dma.local [hbm:s3], $0xF7A  }
0x26: {  	[smem:$0x3F9F] =	sst s1;
	(tag) =	ssettag s2;
	_ =	strace s9  }
0x27: {  	s1 =	sld [smem:$0x3FAF]  }
0x28: {  	s2 =	sld [smem:$0x3FB0]  }
0x29: {  	s4 =	sld [smem:$0x3FB2]  }
0x2a: {  	p0 =	seq.s32 s5, $0x0;
	s5 =	sld [smem:$0x3FB3]  }
0x2b: {  	s6 =	sld [smem:$0x3FB4]  }
0x2c: {  	s7 =	sld [smem:$0x3FB5]  }
0x2d: {  	s3 =	simm.s32 $0x108;
	s8 =	sld [smem:$0x3FB6]  }
0x2e: {  	s3 =	simm.s32 @!p0 $0x1082;
	s9 =	sld [smem:$0x3FB7]  }
0x2f: {  	lr =	sadd.s32 s0, s3;
	s0 =	sld [smem:$0x3FAE]  }
0x30: {  	s3 =	sld [smem:$0x3FB1]  }
0x31: {  	[smem:$0x3FBA] =	sst s10  }
0x32: {  	s10 =	sld [smem:$0x3FB8];
	_ =	sdelay $0x3  }
0x33: {  	p0 =	seq.s32 s10, $0x1;
	s10 =	sld [smem:$0x3FBA];
	_ =	sdelay $0x3  }
0x34: {  	[smem:$0x3FBA] =	sst s10  }
0x35: {  	s10 =	sld [smem:$0x3FB9];
	_ =	sdelay $0x3  }
0x36: {  	p1 =	seq.s32 s10, $0x1;
	s10 =	sld [smem:$0x3FBA];
	_ =	sdelay $0x3  }
0x37: {  	[smem:$0x3FBA] =	sst s10  }
0x38: {  	s10 =	sld [smem:$0x3FBB]  }
0x39: {  	_ = 	snop;
	(pc) =	sbr.ind lr, $3  }
0x3a: {  	_ = 	snop  }
0x3b: {  	_ = 	snop  }
0x3c: {  	p2 =	seq.s32 s10, $0x1;
	s10 =	sld [smem:$0x3FBA]  }
0x3d: {  	_ =	shalt  }
0x3e: {  	_ =	shalt  }
0x3f: {  	_ =	shalt  }
0x40: {  	_ =	shalt  }
0x41: {  	_ =	shalt  }
0x42: {  	_ =	shalt  }
0x43: {  	_ =	shalt  }
0x44: {  	_ =	shalt  }
0x45: {  	_ =	shalt  }
0x46: {  	_ =	shalt  }
0x47: {  	_ =	shalt  }
0x48: {  	_ =	shalt  }
0x49: {  	_ =	shalt  }
0x4a: {  	_ =	shalt  }
0x4b: {  	_ =	shalt  }
0x4c: {  	_ =	shalt  }
0x4d: {  	_ =	shalt  }
0x4e: {  	_ =	shalt  }
0x4f: {  	_ =	shalt  }
0x50: {  	_ =	shalt  }
0x51: {  	_ =	shalt  }
0x52: {  	_ =	shalt  }
0x53: {  	_ =	shalt  }
0x54: {  	_ =	shalt  }
0x55: {  	_ =	shalt  }
0x56: {  	_ =	shalt  }
0x57: {  	_ =	shalt  }
0x58: {  	_ =	shalt  }
0x59: {  	_ =	shalt  }
0x5a: {  	_ =	shalt  }
0x5b: {  	_ =	shalt  }
0x5c: {  	_ =	shalt  }
0x5d: {  	_ =	shalt  }
0x5e: {  	_ =	shalt  }
0x5f: {  	_ =	shalt  }
0x60: {  	_ =	shalt  }
0x61: {  	_ =	shalt  }
0x62: {  	_ =	shalt  }
0x63: {  	_ =	shalt  }
0x64: {  	_ =	shalt  }
0x65: {  	_ =	shalt  }
0x66: {  	_ =	shalt  }
0x67: {  	_ =	shalt  }
0x68: {  	_ =	shalt  }
0x69: {  	_ =	shalt  }
0x6a: {  	_ =	shalt  }
0x6b: {  	_ =	shalt  }
0x6c: {  	_ =	shalt  }
0x6d: {  	_ =	shalt  }
0x6e: {  	_ =	shalt  }
0x6f: {  	_ =	shalt  }
0x70: {  	_ =	shalt  }
0x71: {  	_ =	shalt  }
0x72: {  	_ =	shalt  }
0x73: {  	_ =	shalt  }
0x74: {  	_ =	shalt  }
0x75: {  	_ =	shalt  }
0x76: {  	_ =	shalt  }
0x77: {  	_ =	shalt  }
0x78: {  	_ =	shalt  }
0x79: {  	_ =	shalt  }
0x7a: {  	_ =	shalt  }
0x7b: {  	_ =	shalt  }
0x7c: {  	_ =	shalt  }
0x7d: {  	_ =	shalt  }
0x7e: {  	_ =	shalt  }
0x7f: {  	_ =	shalt  }
0x80: {  	_ =	shalt  }
0x81: {  	_ =	shalt  }
0x82: {  	_ =	shalt  }
0x83: {  	_ =	shalt  }
0x84: {  	_ =	shalt  }
0x85: {  	_ =	shalt  }
0x86: {  	_ =	shalt  }
0x87: {  	_ =	shalt  }
.Lfunc_end0:
.L_simem_size_0:
called_computation_lowered:
.L_overlay_start_0:
0x88: {  	s2 =	sld [smem:$0x3FD9]  }
0x89: {  	s3 =	sld [smem:$0x3FFE];
	_ =	sdelay $0x1  }
0x8a: {  	s1 =	srdreg.scid  }
0x8b: {  	s0 =	sand.u32 $0x1, s1  }
0x8c: {  	s17 =	sshll.u32 s0, $0xA;
	s2 =	sadd.s32 s3, s2  }
0x8d: {  	s2 =	sadd.s32 s2, s17  }
0x8e: {  	[smem:$0x3FC6] =	sst s2  }
0x8f: {  	_ = 	snop  }
0x90: {  	s2 =	sld [smem:$0x3FD0];
	(tm) =	ssettm $0x1  }
0x91: {  	s18 =	sld [smem:$0x3FFB];
	_ =	sdelay $0x3  }
0x92: {  	_ =	strace s18  }
0x93: {  	s3 =	sld [smem:$0x3FFC];
	_ =	sdelay $0x3  }
0x94: {  	_ =	strace s3  }
0x95: {  	s3 =	sld [smem:$0x3FFD];
	_ =	sdelay $0x3  }
0x96: {  	_ =	strace s3  }
0x97: {  	_ =	strace $0x8FFFFFFF  }
0x98: {  	s19 =	sld [smem:$0x3FDB];
	_ =	sdelay $0x1  }
0x99: {  	s4 =	simm.s32 $_scs_section_size  }
0x9a: {  	s5 =	simm.s32 $_size__tile_overlayer_lowered;
	s6 =	simm.s32 $_tile_overlayer_lowered  }
0x9b: {  	s22 =	simm.s32 $0x1BFF;
	s21 =	sshll.u32 s6, $0x1;
	s3 =	sadd.s32 s4, s19  }
0x9c: {  	s7 =	simm.s32 $0x0;
	s20 =	sshll.u32 s5, $0x1;
	s5 =	sadd.s32 s21, s3  }
0x9d: {  	[timem:s7], [sflag:s22] =	dma.local [hbm:s5], s20  }
0x9e: {  	_ =	swait.ge [sflag:s22], s20  }
0x9f: {  	s4 =	ssub.s32 $0x0, s20;
	[sflag:s22] =	ssyncset.done $0x0  }
0xa0: {  	[sflag:s22] =	ssyncadd.s32 s4;
	_ =	sdelay $0x1  }
0xa1: {  	s23 =	simm.s32 $0x1B8B  }
0xa2: {  	_ =	swait.ge [sflag:s23], $0x1  }
0xa3: {  	[sflag:s23] =	ssyncset.done $0x0  }
0xa4: {  	s25 =	simm.s32 $0x1B8E;
	s24 =	sld [smem:$0x3FFE];
	[sflag:s23] =	ssyncadd.s32 $0xFFFFFFFF  }
0xa5: {  	s26 =	simm.s32 $execute0_lowered;
	[smem:$0x3FD2] =	sst s25  }
0xa6: {  	s5 =	sshll.u32 s26, $0x1;
	_ =	strace $0x80000046;
	[dreg:$0x1] =	wrdreg $0xFFFFFFFF  }
0xa7: {  	s28 =	simm.s32 $_size_execute0_lowered;
	s3 =	sadd.s32 s3, s5;
	[dreg:$0x0] =	wrdreg $0x0  }
0xa8: {  	s5 =	sshll.u32 s28, $0x1;
	[dreg:$0x2] =	wrdreg s3  }
0xa9: {  	[dreg:$0x3] =	wrdreg s5  }
0xaa: {  	[dreg:$0x4] =	wrdreg $0xC0  }
0xab: {  	_ =	task [dreg:s7], $0x5FFFF  }
0xac: {  	[dreg:$0x1] =	wrdreg $0xFFFFFFFF  }
0xad: {  	[dreg:$0x0] =	wrdreg $0x60  }
0xae: {  	[dreg:$0x2] =	wrdreg s24  }
0xaf: {  	[dreg:$0x3] =	wrdreg s2  }
0xb0: {  	[dreg:$0x4] =	wrdreg $0x21000  }
0xb1: {  	[dreg:$0x5] =	wrdreg $0x9  }
0xb2: {  	_ =	task.clear_ibuf [dreg:s7], $0x6FFFF;
	_ =	strace $0x90000046  }
0xb3: {  	s29 =	simm.s32 $0x9;
	_ =	strace $0x80000048  }
0xb4: {  	_ =	swait.ge [sflag:s29], $0x1  }
0xb5: {  	[sflag:s29] =	ssyncadd.s32 $0xFFFFFFFF  }
0xb6: {  	_ =	strace $0x90000048  }
0xb7: {  	_ =	sfence  }
0xb8: {  	s30 =	sld [smem:$0x0];
	_ =	sdelay $0x2  }
0xb9: {  	s31 =	sshll.u32 s1, $0xD;
	s1 =	sshrl.u32 s1, $0x2  }
0xba: {  	s3 =	sand.u32 $0x4000, s31;
	s1 =	sadd.s32 s1, s30  }
0xbb: {  	s0 =	sor.u32 s3, s0;
	s1 =	sshll.u32 s1, $0x11  }
0xbc: {  	s0 =	sor.u32 s1, s0  }
0xbd: {  	s0 =	sadd.s32 $0x8F2B, s0  }
0xbe: {  	[sflag:s0] =	ssyncadd.remote.s32 $0x1  }
0xbf: {  	_ =	sfence.sel $0xFFFF  }
0xc0: {  	[dreg:$0x0] =	wrdreg $0xFFFFFFFF;
	(pc) =	sbr.abs _section_cstart, $3  }
0xc1: {  	[dreg:$0x1] =	wrdreg $0xFFFFFFFF  }
0xc2: {  	_ =	task.clear_ibuf [dreg:s7], $0x2FFFF;
	_ =	strace $0x9FFFFFFF  }
0xc3: {  	(tm) =	ssettm $0x7FFFFFFF  }
tec
execute0_lowered:
.L_overlay_start_1:
0x0: {  	(tag) =	ssettag $0x1  }
0x1: {  	s5 =	rddreg [dreg:$0x0]  }
0x2: {  	s1 =	rddreg [dreg:$0x1]  }
0x3: {  	s4 =	rddreg [dreg:$0x2];
	s3 =	simm.s32 $0x0  }
0x4: {  	[smem:$0x7FF] =	sst s3  }
0x5: {  	s0 =	rddreg [dreg:$0x3];
	v0 =	vimm.f32 $8.192000000e+03;
	_ =	strace $0x80000047  }
0x6: {  	(erf) = vrcp.f32 v0;
	_ =	sdelay $0x1  }
0x7: {  	s2 =	srdreg.scid  }
0x8: {  	s2 =	sand.u32 $0x1, s2  }
0x9: {  	p0 =	seq.s32 s2, $0x1  }
.Ltmp0:
0xa: {  	_ = 	snop;
	(pc) =	sbr.rel @p0 .LBB2_5-.Ltmp0, $2  }
0xb: {  	_ =	sdelay $0x2  }
0xc: {  	s2 =	stileid.u32;
	v0 =	vpop (erf)  }
0xd: {  	s5 =	sadd.s32 $0x400, s5;
	s6 =	sshll.u32 s2, $0x7  }
0xe: {  	s5 =	sadd.s32 s5, s6  }
0xf: {  	[tilespmem:s3], [sflag:$0x1] =	stream.linear.gather [hbm4b:s5+s3], $0x400, $0x38;
	[tilespmem:$0x2320] =	vst v63  }
0x10: {  	[tilespmem:$0x1FFF0] =	vst v0;
	s5 =	simm.s32 $0x1  }
0x11: {  	_ =	swait.ge [sflag:s5], $0x400  }
0x12: {  	[sflag:s5] =	ssyncset.done $0x0  }
0x13: {  	[sflag:s5] =	ssyncadd.s32 $0xFFFFFC00  }
0x14: {  	v1 =	vld [tilespmem:$0x0]  }
0x15: {  	v2 =	vld [tilespmem:$0x10]  }
0x16: {  	v44 =	vld [tilespmem:$0x20]  }
0x17: {  	v45 =	vld [tilespmem:$0x30]  }
0x18: {  	v46 =	vld [tilespmem:$0x40]  }
0x19: {  	v47 =	vld [tilespmem:$0x50]  }
0x1a: {  	v48 =	vld [tilespmem:$0x60]  }
0x1b: {  	v49 =	vld [tilespmem:$0x70]  }
0x1c: {  	v50 =	vld [tilespmem:$0x80]  }
0x1d: {  	v51 =	vld [tilespmem:$0x90]  }
0x1e: {  	v52 =	vld [tilespmem:$0xA0]  }
0x1f: {  	v53 =	vld [tilespmem:$0xB0]  }
0x20: {  	v54 =	vld [tilespmem:$0xC0]  }
0x21: {  	v55 =	vld [tilespmem:$0xD0]  }
0x22: {  	v56 =	vld [tilespmem:$0xE0]  }
0x23: {  	v57 =	vld [tilespmem:$0xF0]  }
0x24: {  	v58 =	vld [tilespmem:$0x100]  }
0x25: {  	v59 =	vld [tilespmem:$0x110]  }
0x26: {  	v60 =	vld [tilespmem:$0x120]  }
0x27: {  	v61 =	vld [tilespmem:$0x130]  }
0x28: {  	v62 =	vld [tilespmem:$0x140]  }
0x29: {  	v63 =	vld [tilespmem:$0x150]  }
0x2a: {  	v43 =	vld [tilespmem:$0x160]  }
0x2b: {  	v42 =	vld [tilespmem:$0x170]  }
0x2c: {  	v41 =	vld [tilespmem:$0x180]  }
0x2d: {  	v40 =	vld [tilespmem:$0x190]  }
0x2e: {  	v39 =	vld [tilespmem:$0x1A0]  }
0x2f: {  	v38 =	vld [tilespmem:$0x1B0]  }
0x30: {  	v37 =	vld [tilespmem:$0x1C0]  }
0x31: {  	v36 =	vld [tilespmem:$0x1D0]  }
0x32: {  	v35 =	vld [tilespmem:$0x1E0]  }
0x33: {  	v34 =	vld [tilespmem:$0x1F0]  }
0x34: {  	v33 =	vld [tilespmem:$0x200]  }
0x35: {  	v32 =	vld [tilespmem:$0x210]  }
0x36: {  	v31 =	vld [tilespmem:$0x220]  }
0x37: {  	v30 =	vld [tilespmem:$0x230]  }
0x38: {  	v29 =	vld [tilespmem:$0x240]  }
0x39: {  	v28 =	vld [tilespmem:$0x250]  }
0x3a: {  	v27 =	vld [tilespmem:$0x260]  }
0x3b: {  	v26 =	vld [tilespmem:$0x270]  }
0x3c: {  	v25 =	vld [tilespmem:$0x280]  }
0x3d: {  	v24 =	vld [tilespmem:$0x290]  }
0x3e: {  	v23 =	vld [tilespmem:$0x2A0]  }
0x3f: {  	v22 =	vld [tilespmem:$0x2B0]  }
0x40: {  	v21 =	vld [tilespmem:$0x2C0]  }
0x41: {  	v20 =	vld [tilespmem:$0x2D0]  }
0x42: {  	v19 =	vld [tilespmem:$0x2E0]  }
0x43: {  	v18 =	vld [tilespmem:$0x2F0]  }
0x44: {  	v17 =	vld [tilespmem:$0x300]  }
0x45: {  	v16 =	vld [tilespmem:$0x310]  }
0x46: {  	v15 =	vld [tilespmem:$0x320]  }
0x47: {  	v14 =	vld [tilespmem:$0x330]  }
0x48: {  	v13 =	vld [tilespmem:$0x340]  }
0x49: {  	v12 =	vld [tilespmem:$0x350]  }
0x4a: {  	v11 =	vld [tilespmem:$0x360]  }
0x4b: {  	v10 =	vld [tilespmem:$0x370]  }
0x4c: {  	v9 =	vld [tilespmem:$0x380]  }
0x4d: {  	v8 =	vld [tilespmem:$0x390]  }
0x4e: {  	v7 =	vld [tilespmem:$0x3A0]  }
0x4f: {  	v6 =	vld [tilespmem:$0x3B0]  }
0x50: {  	v5 =	vld [tilespmem:$0x3C0]  }
0x51: {  	v4 =	vld [tilespmem:$0x3D0]  }
0x52: {  	v3 =	vld [tilespmem:$0x3E0]  }
0x53: {  	[tilespmem:$0x410] =	vst v2;
	v2 =	vld [tilespmem:$0x3F0]  }
0x54: {  	[tilespmem:$0x400] =	vst v1;
	v0 =	vld [tilespmem:$0x410]  }
0x55: {  	[tilespmem:$0x420] =	vst v44;
	v44 =	vld [tilespmem:$0x400]  }
0x56: {  	[tilespmem:$0x430] =	vst v45;
	v45 =	vld [tilespmem:$0x420]  }
0x57: {  	[tilespmem:$0x440] =	vst v46;
	v46 =	vld [tilespmem:$0x430]  }
0x58: {  	[tilespmem:$0x450] =	vst v47;
	v47 =	vld [tilespmem:$0x440]  }
0x59: {  	s9 =	simm.s32 $0x3FC00000;
	[tilespmem:$0x460] =	vst v48;
	v48 =	vld [tilespmem:$0x450]  }
0x5a: {  	[tilespmem:$0x470] =	vst v49;
	v1 =	vimm.s32 $0x0;
	vm0 =	vge.s32 v44, s9;
	v44 =	vld [tilespmem:$0x460];
	vm1 =	vge.s32 v0, s9  }
0x5b: {  	[tilespmem:$0x480] =	vst v50;
	v0 =	vld [tilespmem:$0x470];
	vm14 =	vge.s32 v45, s9;
	v49 =	vsel vm0, $0x1, v1;
	v50 =	vsel vm1, $0x1, v1  }
0x5c: {  	[tilespmem:$0x490] =	vst v51;
	vm15 =	vge.s32 v46, s9;
	v46 =	vld [tilespmem:$0x480];
	v45 =	vadd.s32 v49, v50;
	v49 =	vsel vm14, $0x1, v1  }
0x5d: {  	[tilespmem:$0x4A0] =	vst v52;
	vm4 =	vge.s32 v47, s9;
	v47 =	vld [tilespmem:$0x490];
	v52 =	vsel vm15, $0x1, v1;
	v45 =	vadd.s32 v49, v45  }
0x5e: {  	[tilespmem:$0x4B0] =	vst v53;
	vm5 =	vge.s32 v48, s9;
	v48 =	vld [tilespmem:$0x4A0];
	v45 =	vadd.s32 v52, v45;
	v52 =	vsel vm4, $0x1, v1  }
0x5f: {  	[tilespmem:$0x4C0] =	vst v54;
	v54 =	vsel vm5, $0x1, v1;
	vm6 =	vge.s32 v44, s9;
	v53 =	vadd.s32 v52, v45;
	v45 =	vld [tilespmem:$0x4B0]  }
0x60: {  	[tilespmem:$0x4D0] =	vst v55;
	vm7 =	vge.s32 v0, s9;
	v44 =	vld [tilespmem:$0x4C0];
	v0 =	vadd.s32 v54, v53;
	v55 =	vsel vm6, $0x1, v1  }
0x61: {  	[tilespmem:$0x4E0] =	vst v56;
	vm8 =	vge.s32 v46, s9;
	v46 =	vld [tilespmem:$0x4D0];
	v56 =	vsel vm7, $0x1, v1;
	v0 =	vadd.s32 v55, v0  }
0x62: {  	[tilespmem:$0x4F0] =	vst v57;
	vm9 =	vge.s32 v47, s9;
	v52 =	vld [tilespmem:$0x4E0];
	v57 =	vsel vm8, $0x1, v1;
	v0 =	vadd.s32 v56, v0  }
0x63: {  	[tilespmem:$0x500] =	vst v58;
	vm10 =	vge.s32 v48, s9;
	v53 =	vld [tilespmem:$0x4F0];
	v54 =	vsel vm9, $0x1, v1;
	v0 =	vadd.s32 v57, v0  }
0x64: {  	[tilespmem:$0x510] =	vst v59;
	v55 =	vsel vm10, $0x1, v1;
	v56 =	vld [tilespmem:$0x500];
	vm11 =	vge.s32 v45, s9;
	v0 =	vadd.s32 v54, v0  }
0x65: {  	[tilespmem:$0x520] =	vst v60;
	v57 =	vld [tilespmem:$0x510];
	vm12 =	vge.s32 v44, s9;
	v0 =	vadd.s32 v55, v0;
	v58 =	vsel vm11, $0x1, v1  }
0x66: {  	[tilespmem:$0x530] =	vst v61;
	v59 =	vld [tilespmem:$0x520];
	vm13 =	vge.s32 v46, s9;
	v60 =	vsel vm12, $0x1, v1;
	v0 =	vadd.s32 v58, v0  }
0x67: {  	[tilespmem:$0x540] =	vst v62;
	v61 =	vld [tilespmem:$0x530];
	vm14 =	vge.s32 v52, s9;
	v62 =	vsel vm13, $0x1, v1;
	v0 =	vadd.s32 v60, v0  }
0x68: {  	[tilespmem:$0x550] =	vst v63;
	v52 =	vld [tilespmem:$0x540];
	vm15 =	vge.s32 v53, s9;
	v53 =	vsel vm14, $0x1, v1;
	v0 =	vadd.s32 v62, v0  }
0x69: {  	[tilespmem:$0x560] =	vst v43;
	v54 =	vld [tilespmem:$0x550];
	v55 =	vsel vm15, $0x1, v1;
	vm4 =	vge.s32 v56, s9;
	v0 =	vadd.s32 v53, v0  }
0x6a: {  	[tilespmem:$0x570] =	vst v42;
	v56 =	vld [tilespmem:$0x560];
	vm5 =	vge.s32 v57, s9;
	v57 =	vsel vm4, $0x1, v1;
	v0 =	vadd.s32 v55, v0  }
0x6b: {  	[tilespmem:$0x580] =	vst v41;
	vm6 =	vge.s32 v59, s9;
	v58 =	vld [tilespmem:$0x570];
	v59 =	vsel vm5, $0x1, v1;
	v0 =	vadd.s32 v57, v0  }
0x6c: {  	[tilespmem:$0x590] =	vst v40;
	vm7 =	vge.s32 v61, s9;
	v61 =	vsel vm6, $0x1, v1;
	v60 =	vld [tilespmem:$0x580];
	v0 =	vadd.s32 v59, v0  }
0x6d: {  	[tilespmem:$0x5A0] =	vst v39;
	v63 =	vsel vm7, $0x1, v1;
	v62 =	vld [tilespmem:$0x590];
	vm8 =	vge.s32 v52, s9;
	v0 =	vadd.s32 v61, v0  }
0x6e: {  	[tilespmem:$0x5B0] =	vst v38;
	v47 =	vld [tilespmem:$0x5A0];
	vm9 =	vge.s32 v54, s9;
	v48 =	vsel vm8, $0x1, v1;
	v0 =	vadd.s32 v63, v0  }
0x6f: {  	[tilespmem:$0x5C0] =	vst v37;
	v49 =	vld [tilespmem:$0x5B0];
	v50 =	vsel vm9, $0x1, v1;
	vm10 =	vge.s32 v56, s9;
	v0 =	vadd.s32 v48, v0  }
0x70: {  	[tilespmem:$0x5D0] =	vst v36;
	v51 =	vld [tilespmem:$0x5C0];
	vm11 =	vge.s32 v58, s9;
	v52 =	vsel vm10, $0x1, v1;
	v0 =	vadd.s32 v50, v0  }
0x71: {  	[tilespmem:$0x5E0] =	vst v35;
	v53 =	vld [tilespmem:$0x5D0];
	vm12 =	vge.s32 v60, s9;
	v54 =	vsel vm11, $0x1, v1;
	v0 =	vadd.s32 v52, v0  }
0x72: {  	[tilespmem:$0x5F0] =	vst v34;
	v55 =	vld [tilespmem:$0x5E0];
	vm13 =	vge.s32 v62, s9;
	v56 =	vsel vm12, $0x1, v1;
	v0 =	vadd.s32 v54, v0  }
0x73: {  	[tilespmem:$0x600] =	vst v33;
	vm14 =	vge.s32 v47, s9;
	v57 =	vld [tilespmem:$0x5F0];
	v58 =	vsel vm13, $0x1, v1;
	v0 =	vadd.s32 v56, v0  }
0x74: {  	[tilespmem:$0x610] =	vst v32;
	vm15 =	vge.s32 v49, s9;
	v59 =	vld [tilespmem:$0x600];
	v60 =	vsel vm14, $0x1, v1;
	v0 =	vadd.s32 v58, v0  }
0x75: {  	[tilespmem:$0x620] =	vst v31;
	vm4 =	vge.s32 v51, s9;
	v61 =	vld [tilespmem:$0x610];
	v62 =	vsel vm15, $0x1, v1;
	v0 =	vadd.s32 v60, v0  }
0x76: {  	[tilespmem:$0x630] =	vst v30;
	v36 =	vsel vm4, $0x1, v1;
	vm5 =	vge.s32 v53, s9;
	v63 =	vld [tilespmem:$0x620];
	v0 =	vadd.s32 v62, v0  }
0x77: {  	[tilespmem:$0x640] =	vst v29;
	v37 =	vld [tilespmem:$0x630];
	vm6 =	vge.s32 v55, s9;
	v38 =	vsel vm5, $0x1, v1;
	v0 =	vadd.s32 v36, v0  }
0x78: {  	[tilespmem:$0x650] =	vst v28;
	v39 =	vld [tilespmem:$0x640];
	vm7 =	vge.s32 v57, s9;
	v40 =	vsel vm6, $0x1, v1;
	v0 =	vadd.s32 v38, v0  }
0x79: {  	[tilespmem:$0x660] =	vst v27;
	v41 =	vld [tilespmem:$0x650];
	vm8 =	vge.s32 v59, s9;
	v42 =	vsel vm7, $0x1, v1;
	v0 =	vadd.s32 v40, v0  }
0x7a: {  	[tilespmem:$0x670] =	vst v26;
	v43 =	vld [tilespmem:$0x660];
	vm9 =	vge.s32 v61, s9;
	v44 =	vsel vm8, $0x1, v1;
	v0 =	vadd.s32 v42, v0  }
0x7b: {  	[tilespmem:$0x680] =	vst v25;
	v45 =	vld [tilespmem:$0x670];
	vm10 =	vge.s32 v63, s9;
	v46 =	vsel vm9, $0x1, v1;
	v0 =	vadd.s32 v44, v0  }
0x7c: {  	[tilespmem:$0x690] =	vst v24;
	v47 =	vld [tilespmem:$0x680];
	vm11 =	vge.s32 v37, s9;
	v48 =	vsel vm10, $0x1, v1;
	v0 =	vadd.s32 v46, v0  }
0x7d: {  	[tilespmem:$0x6A0] =	vst v23;
	v49 =	vld [tilespmem:$0x690];
	vm12 =	vge.s32 v39, s9;
	v50 =	vsel vm11, $0x1, v1;
	v0 =	vadd.s32 v48, v0  }
0x7e: {  	[tilespmem:$0x6B0] =	vst v22;
	v51 =	vld [tilespmem:$0x6A0];
	vm13 =	vge.s32 v41, s9;
	v52 =	vsel vm12, $0x1, v1;
	v0 =	vadd.s32 v50, v0  }
0x7f: {  	[tilespmem:$0x6C0] =	vst v21;
	vm14 =	vge.s32 v43, s9;
	v53 =	vld [tilespmem:$0x6B0];
	v54 =	vsel vm13, $0x1, v1;
	v0 =	vadd.s32 v52, v0  }
0x80: {  	[tilespmem:$0x6D0] =	vst v20;
	vm15 =	vge.s32 v45, s9;
	v55 =	vld [tilespmem:$0x6C0];
	v56 =	vsel vm14, $0x1, v1;
	v0 =	vadd.s32 v54, v0  }
0x81: {  	[tilespmem:$0x6E0] =	vst v19;
	vm4 =	vge.s32 v47, s9;
	v57 =	vld [tilespmem:$0x6D0];
	v58 =	vsel vm15, $0x1, v1;
	v0 =	vadd.s32 v56, v0  }
0x82: {  	[tilespmem:$0x6F0] =	vst v18;
	vm5 =	vge.s32 v49, s9;
	v59 =	vld [tilespmem:$0x6E0];
	v60 =	vsel vm4, $0x1, v1;
	v0 =	vadd.s32 v58, v0  }
0x83: {  	[tilespmem:$0x700] =	vst v17;
	vm6 =	vge.s32 v51, s9;
	v61 =	vld [tilespmem:$0x6F0];
	v62 =	vsel vm5, $0x1, v1;
	v0 =	vadd.s32 v60, v0  }
0x84: {  	[tilespmem:$0x710] =	vst v16;
	v24 =	vsel vm6, $0x1, v1;
	vm7 =	vge.s32 v53, s9;
	v63 =	vld [tilespmem:$0x700];
	v0 =	vadd.s32 v62, v0  }
0x85: {  	[tilespmem:$0x720] =	vst v15;
	v25 =	vld [tilespmem:$0x710];
	vm8 =	vge.s32 v55, s9;
	v26 =	vsel vm7, $0x1, v1;
	v0 =	vadd.s32 v24, v0  }
0x86: {  	[tilespmem:$0x730] =	vst v14;
	v27 =	vld [tilespmem:$0x720];
	vm9 =	vge.s32 v57, s9;
	v28 =	vsel vm8, $0x1, v1;
	v0 =	vadd.s32 v26, v0  }
0x87: {  	[tilespmem:$0x740] =	vst v13;
	v29 =	vld [tilespmem:$0x730];
	vm10 =	vge.s32 v59, s9;
	v30 =	vsel vm9, $0x1, v1;
	v0 =	vadd.s32 v28, v0  }
0x88: {  	[tilespmem:$0x750] =	vst v12;
	v31 =	vld [tilespmem:$0x740];
	vm11 =	vge.s32 v61, s9;
	v32 =	vsel vm10, $0x1, v1;
	v0 =	vadd.s32 v30, v0  }
0x89: {  	[tilespmem:$0x760] =	vst v11;
	v33 =	vld [tilespmem:$0x750];
	vm12 =	vge.s32 v63, s9;
	v34 =	vsel vm11, $0x1, v1;
	v0 =	vadd.s32 v32, v0  }
0x8a: {  	[tilespmem:$0x770] =	vst v10;
	v35 =	vld [tilespmem:$0x760];
	vm13 =	vge.s32 v25, s9;
	v36 =	vsel vm12, $0x1, v1;
	v0 =	vadd.s32 v34, v0  }
0x8b: {  	[tilespmem:$0x780] =	vst v9;
	v37 =	vld [tilespmem:$0x770];
	vm14 =	vge.s32 v27, s9;
	v38 =	vsel vm13, $0x1, v1;
	v0 =	vadd.s32 v36, v0  }
0x8c: {  	[tilespmem:$0x790] =	vst v8;
	v39 =	vld [tilespmem:$0x780];
	vm15 =	vge.s32 v29, s9;
	v40 =	vsel vm14, $0x1, v1;
	v0 =	vadd.s32 v38, v0  }
0x8d: {  	[tilespmem:$0x7A0] =	vst v7;
	v41 =	vld [tilespmem:$0x790];
	vm4 =	vge.s32 v31, s9;
	v42 =	vsel vm15, $0x1, v1;
	v0 =	vadd.s32 v40, v0  }
0x8e: {  	[tilespmem:$0x7B0] =	vst v6;
	v43 =	vld [tilespmem:$0x7A0];
	vm5 =	vge.s32 v33, s9;
	v44 =	vsel vm4, $0x1, v1;
	v0 =	vadd.s32 v42, v0  }
0x8f: {  	[tilespmem:$0x7C0] =	vst v5;
	v45 =	vld [tilespmem:$0x7B0];
	vm6 =	vge.s32 v35, s9;
	v46 =	vsel vm5, $0x1, v1;
	v0 =	vadd.s32 v44, v0  }
0x90: {  	[tilespmem:$0x7D0] =	vst v4;
	v47 =	vld [tilespmem:$0x7C0];
	vm7 =	vge.s32 v37, s9;
	v48 =	vsel vm6, $0x1, v1;
	v0 =	vadd.s32 v46, v0  }
0x91: {  	[tilespmem:$0x7E0] =	vst v3;
	v3 =	vld [tilespmem:$0x7D0];
	vm8 =	vge.s32 v39, s9;
	v49 =	vsel vm7, $0x1, v1;
	v0 =	vadd.s32 v48, v0  }
0x92: {  	[tilespmem:$0x7F0] =	vst v2;
	v2 =	vld [tilespmem:$0x7E0];
	vm9 =	vge.s32 v41, s9;
	v50 =	vsel vm8, $0x1, v1;
	v0 =	vadd.s32 v49, v0  }
0x93: {  	v51 =	vld [tilespmem:$0x7F0];
	vm10 =	vge.s32 v43, s9;
	v52 =	vsel vm9, $0x1, v1;
	v0 =	vadd.s32 v50, v0  }
0x94: {  	vm11 =	vge.s32 v45, s9;
	v53 =	vsel vm10, $0x1, v1;
	v0 =	vadd.s32 v52, v0  }
0x95: {  	vm12 =	vge.s32 v47, s9;
	v54 =	vsel vm11, $0x1, v1;
	v0 =	vadd.s32 v53, v0  }
0x96: {  	vm13 =	vge.s32 v3, s9;
	v3 =	vsel vm12, $0x1, v1;
	v0 =	vadd.s32 v54, v0  }
0x97: {  	vm14 =	vge.s32 v2, s9;
	v2 =	vsel vm13, $0x1, v1;
	v0 =	vadd.s32 v3, v0  }
0x98: {  	s7 =	sshll.u32 s2, $0x9;
	vm15 =	vge.s32 v51, s9;
	v0 =	vadd.s32 v2, v0;
	v2 =	vsel vm14, $0x1, v1  }
0x99: {  	s7 =	sshrl.u32 s7, $0x2;
	v0 =	vadd.s32 v2, v0;
	v2 =	vsel vm15, $0x1, v1  }
0x9a: {  	s10 =	sadd.s32 s7, s4;
	v0 =	vadd.s32 v2, v0  }
0x9b: {  	s11 =	simm.s32 $0x800;
	s7 =	sadd.s32 $0x0, s10;
	[tilespmem:$0x800] =	vst v0  }
0x9c: {  	[spmem:s7] =	stream.linear.scatter [tilespmem:s11], [sflag:$0x1], $0x80, $0x38;
	[tilespmem:$0x2320] =	vst v63  }
0x9d: {  	_ =	swait.ge [sflag:s5], $0x80  }
0x9e: {  	[sflag:s5] =	ssyncset.done $0x0  }
0x9f: {  	[sflag:s5] =	ssyncadd.s32 $0xFFFFFF80  }
0xa0: {  	s12 =	simm.s32 $0x900;
	s31 =	sadd.s32 $0x0, s4;
	[bflag:$0x0] =	sbarrier.arrive $0xFFFF  }
0xa1: {  	[tilespmem:s12], [sflag:$0x1] =	stream.linear.gather [spmem:s31], $0x800, $0x38;
	[tilespmem:$0x2320] =	vst v63  }
0xa2: {  	_ =	swait.ge [sflag:s5], $0x800  }
0xa3: {  	[sflag:s5] =	ssyncset.done $0x0  }
0xa4: {  	[sflag:s5] =	ssyncadd.s32 $0xFFFFF800  }
0xa5: {  	v0 =	vld [tilespmem:$0x900]  }
0xa6: {  	v2 =	vld [tilespmem:$0x980]  }
0xa7: {  	v3 =	vld [tilespmem:$0xA00]  }
0xa8: {  	v55 =	vld [tilespmem:$0xA80]  }
0xa9: {  	v56 =	vld [tilespmem:$0xB00]  }
0xaa: {  	v57 =	vld [tilespmem:$0xB80]  }
0xab: {  	v0 =	vadd.s32 v0, v2;
	v2 =	vld [tilespmem:$0xC00]  }
0xac: {  	v0 =	vadd.s32 v3, v0;
	v3 =	vld [tilespmem:$0xC80]  }
0xad: {  	v58 =	vld [tilespmem:$0xD00];
	v0 =	vadd.s32 v55, v0  }
0xae: {  	v59 =	vld [tilespmem:$0xD80];
	v0 =	vadd.s32 v56, v0  }
0xaf: {  	v60 =	vld [tilespmem:$0xE00];
	v0 =	vadd.s32 v57, v0  }
0xb0: {  	v0 =	vadd.s32 v2, v0;
	v2 =	vld [tilespmem:$0xE80]  }
0xb1: {  	v0 =	vadd.s32 v3, v0;
	v3 =	vld [tilespmem:$0xF00]  }
0xb2: {  	v61 =	vld [tilespmem:$0xF80];
	v0 =	vadd.s32 v58, v0  }
0xb3: {  	v62 =	vld [tilespmem:$0x1000];
	v0 =	vadd.s32 v59, v0  }
0xb4: {  	v63 =	vld [tilespmem:$0x1080];
	v0 =	vadd.s32 v60, v0  }
0xb5: {  	v0 =	vadd.s32 v2, v0  }
0xb6: {  	v0 =	vadd.s32 v3, v0  }
0xb7: {  	v0 =	vadd.s32 v61, v0  }
0xb8: {  	v0 =	vadd.s32 v62, v0  }
0xb9: {  	v0 =	vadd.s32 v63, v0  }
0xba: {  	(xrf0) =	vadd.scan.msk.s32 $0xffff, v0;
	_ =	sdelay $0x5  }
0xbb: {  	s14 =	simm.s32 $0x7F800000;
	s13 =	simm.s32 $0x2000;
	s6 =	sadd.s32 s6, s4;
	v0, _, _ =	vpop (xrf0)  }
0xbc: {  	s8 =	sadd.s32 $0x10000, s6;
	s7 =	sadd.s32 $0x10800, s6;
	s6 =	sadd.s32 $0x10000, s4;
	(v2sf) =	vpush v0, $0xF  }
.LBB2_2:
0xbd: {  	_ =	sdelay $0xc  }
0xbe: {  	s16 =	smov.u32 s14;
	p0 =	sne.s32 s13, $0x3E000  }
0xbf: {  	s15 =	smov.u32 s13;
	s13 =	sadd.s32 $0x2000, s13;
	v0 =	vld [tilespmem:$0x410];
	s14 =	spop (v2sf)  }
0xc0: {  	v2 =	vld [tilespmem:$0x430];
	p1 =	sgt.s32 s14, $0x1FFF;
	s14 =	sadd.s32 $0xFFFFFFFF, s9  }
0xc1: {  	v3 =	vld [tilespmem:$0x400];
	s3 =	smov.u32 @p1 s9;
	s14 =	smov.u32 @p1 s16  }
0xc2: {  	s9 =	ssub.s32 s14, s3;
	v4 =	vld [tilespmem:$0x420]  }
0xc3: {  	s9 =	sadd.s32 $0x1, s9;
	v5 =	vld [tilespmem:$0x440]  }
0xc4: {  	s9 =	sshra.s32 s9, $0x1;
	v6 =	vld [tilespmem:$0x450]  }
0xc5: {  	s9 =	sadd.s32 s3, s9;
	v7 =	vld [tilespmem:$0x460]  }
0xc6: {  	vm0 =	vge.s32 v3, s9;
	vm1 =	vge.s32 v0, s9;
	vm2 =	vge.s32 v2, s9;
	v0 =	vld [tilespmem:$0x470]  }
0xc7: {  	v2 =	vsel vm0, $0x1, v1;
	v3 =	vsel vm1, $0x1, v1;
	vm0 =	vge.s32 v4, s9;
	v4 =	vld [tilespmem:$0x480]  }
0xc8: {  	v2 =	vadd.s32 v2, v3;
	v3 =	vsel vm0, $0x1, v1;
	vm0 =	vge.s32 v5, s9;
	v5 =	vld [tilespmem:$0x490]  }
0xc9: {  	v2 =	vadd.s32 v3, v2;
	v3 =	vsel vm2, $0x1, v1;
	vm1 =	vge.s32 v6, s9;
	v6 =	vld [tilespmem:$0x4A0]  }
0xca: {  	v2 =	vadd.s32 v3, v2;
	v3 =	vsel vm0, $0x1, v1;
	vm0 =	vge.s32 v7, s9;
	v7 =	vld [tilespmem:$0x4B0]  }
0xcb: {  	v2 =	vadd.s32 v3, v2;
	v3 =	vsel vm1, $0x1, v1;
	vm1 =	vge.s32 v0, s9;
	v0 =	vld [tilespmem:$0x4C0]  }
0xcc: {  	v2 =	vadd.s32 v3, v2;
	v3 =	vsel vm0, $0x1, v1;
	vm0 =	vge.s32 v4, s9;
	v4 =	vld [tilespmem:$0x4D0]  }
0xcd: {  	v2 =	vadd.s32 v3, v2;
	v3 =	vsel vm1, $0x1, v1;
	vm1 =	vge.s32 v5, s9;
	v5 =	vld [tilespmem:$0x4F0]  }
0xce: {  	v2 =	vadd.s32 v3, v2;
	v3 =	vsel vm0, $0x1, v1;
	vm0 =	vge.s32 v6, s9;
	v6 =	vld [tilespmem:$0x4E0]  }
0xcf: {  	v2 =	vadd.s32 v3, v2;
	v3 =	vsel vm1, $0x1, v1;
	vm1 =	vge.s32 v7, s9;
	v7 =	vld [tilespmem:$0x510]  }
0xd0: {  	v2 =	vadd.s32 v3, v2;
	v3 =	vsel vm0, $0x1, v1;
	vm0 =	vge.s32 v0, s9;
	v0 =	vld [tilespmem:$0x500]  }
0xd1: {  	v2 =	vadd.s32 v3, v2;
	v3 =	vsel vm1, $0x1, v1;
	vm1 =	vge.s32 v4, s9;
	v4 =	vld [tilespmem:$0x520]  }
0xd2: {  	v2 =	vadd.s32 v3, v2;
	v3 =	vsel vm0, $0x1, v1;
	vm0 =	vge.s32 v5, s9;
	v5 =	vld [tilespmem:$0x530]  }
0xd3: {  	v2 =	vadd.s32 v3, v2;
	v3 =	vsel vm1, $0x1, v1;
	vm1 =	vge.s32 v6, s9;
	v6 =	vld [tilespmem:$0x540]  }
0xd4: {  	v2 =	vadd.s32 v3, v2;
	v3 =	vsel vm1, $0x1, v1;
	vm1 =	vge.s32 v7, s9;
	v7 =	vld [tilespmem:$0x550]  }
0xd5: {  	v2 =	vadd.s32 v3, v2;
	v3 =	vsel vm0, $0x1, v1;
	vm0 =	vge.s32 v0, s9;
	v0 =	vld [tilespmem:$0x560]  }
0xd6: {  	v2 =	vadd.s32 v3, v2;
	v3 =	vsel vm0, $0x1, v1;
	vm0 =	vge.s32 v4, s9;
	v4 =	vld [tilespmem:$0x570]  }
0xd7: {  	v2 =	vadd.s32 v3, v2;
	v3 =	vsel vm1, $0x1, v1;
	vm1 =	vge.s32 v5, s9;
	v5 =	vld [tilespmem:$0x580]  }
0xd8: {  	v2 =	vadd.s32 v3, v2;
	v3 =	vsel vm0, $0x1, v1;
	vm0 =	vge.s32 v6, s9;
	v6 =	vld [tilespmem:$0x590]  }
0xd9: {  	v2 =	vadd.s32 v3, v2;
	v3 =	vsel vm1, $0x1, v1;
	vm1 =	vge.s32 v7, s9;
	v7 =	vld [tilespmem:$0x5A0]  }
0xda: {  	v2 =	vadd.s32 v3, v2;
	v3 =	vsel vm0, $0x1, v1;
	vm0 =	vge.s32 v0, s9;
	v0 =	vld [tilespmem:$0x5B0]  }
0xdb: {  	v2 =	vadd.s32 v3, v2;
	v3 =	vsel vm1, $0x1, v1;
	vm1 =	vge.s32 v4, s9;
	v4 =	vld [tilespmem:$0x5C0]  }
0xdc: {  	v2 =	vadd.s32 v3, v2;
	v3 =	vsel vm0, $0x1, v1;
	vm0 =	vge.s32 v5, s9;
	v5 =	vld [tilespmem:$0x5D0]  }
0xdd: {  	v2 =	vadd.s32 v3, v2;
	v3 =	vsel vm1, $0x1, v1;
	vm1 =	vge.s32 v6, s9;
	v6 =	vld [tilespmem:$0x5E0]  }
0xde: {  	v2 =	vadd.s32 v3, v2;
	v3 =	vsel vm0, $0x1, v1;
	vm0 =	vge.s32 v7, s9;
	v7 =	vld [tilespmem:$0x5F0]  }
0xdf: {  	v2 =	vadd.s32 v3, v2;
	v3 =	vsel vm1, $0x1, v1;
	vm1 =	vge.s32 v0, s9;
	v0 =	vld [tilespmem:$0x600]  }
0xe0: {  	v2 =	vadd.s32 v3, v2;
	v3 =	vsel vm0, $0x1, v1;
	vm0 =	vge.s32 v4, s9;
	v4 =	vld [tilespmem:$0x610]  }
0xe1: {  	v2 =	vadd.s32 v3, v2;
	v3 =	vsel vm1, $0x1, v1;
	vm1 =	vge.s32 v5, s9;
	v5 =	vld [tilespmem:$0x620]  }
0xe2: {  	v2 =	vadd.s32 v3, v2;
	v3 =	vsel vm0, $0x1, v1;
	vm0 =	vge.s32 v6, s9;
	v6 =	vld [tilespmem:$0x630]  }
0xe3: {  	v2 =	vadd.s32 v3, v2;
	v3 =	vsel vm1, $0x1, v1;
	vm1 =	vge.s32 v7, s9;
	v7 =	vld [tilespmem:$0x640]  }
0xe4: {  	v2 =	vadd.s32 v3, v2;
	v3 =	vsel vm0, $0x1, v1;
	vm0 =	vge.s32 v0, s9;
	v0 =	vld [tilespmem:$0x650]  }
0xe5: {  	v2 =	vadd.s32 v3, v2;
	v3 =	vsel vm1, $0x1, v1;
	vm1 =	vge.s32 v4, s9;
	v4 =	vld [tilespmem:$0x660]  }
0xe6: {  	v2 =	vadd.s32 v3, v2;
	v3 =	vsel vm0, $0x1, v1;
	vm0 =	vge.s32 v5, s9;
	v5 =	vld [tilespmem:$0x670]  }
0xe7: {  	v2 =	vadd.s32 v3, v2;
	v3 =	vsel vm1, $0x1, v1;
	vm1 =	vge.s32 v6, s9;
	v6 =	vld [tilespmem:$0x680]  }
0xe8: {  	v2 =	vadd.s32 v3, v2;
	v3 =	vsel vm0, $0x1, v1;
	vm0 =	vge.s32 v7, s9;
	v7 =	vld [tilespmem:$0x690]  }
0xe9: {  	v2 =	vadd.s32 v3, v2;
	v3 =	vsel vm1, $0x1, v1;
	vm1 =	vge.s32 v0, s9;
	v0 =	vld [tilespmem:$0x6A0]  }
0xea: {  	v2 =	vadd.s32 v3, v2;
	v3 =	vsel vm0, $0x1, v1;
	vm0 =	vge.s32 v4, s9;
	v4 =	vld [tilespmem:$0x6B0]  }
0xeb: {  	v2 =	vadd.s32 v3, v2;
	v3 =	vsel vm1, $0x1, v1;
	vm1 =	vge.s32 v5, s9;
	v5 =	vld [tilespmem:$0x6C0]  }
0xec: {  	v2 =	vadd.s32 v3, v2;
	v3 =	vsel vm0, $0x1, v1;
	vm0 =	vge.s32 v6, s9;
	v6 =	vld [tilespmem:$0x6D0]  }
0xed: {  	v2 =	vadd.s32 v3, v2;
	v3 =	vsel vm1, $0x1, v1;
	vm1 =	vge.s32 v7, s9;
	v7 =	vld [tilespmem:$0x6E0]  }
0xee: {  	v2 =	vadd.s32 v3, v2;
	v3 =	vsel vm0, $0x1, v1;
	vm0 =	vge.s32 v0, s9;
	v0 =	vld [tilespmem:$0x6F0]  }
0xef: {  	v2 =	vadd.s32 v3, v2;
	v3 =	vsel vm1, $0x1, v1;
	vm1 =	vge.s32 v4, s9;
	v4 =	vld [tilespmem:$0x700]  }
0xf0: {  	v2 =	vadd.s32 v3, v2;
	v3 =	vsel vm0, $0x1, v1;
	vm0 =	vge.s32 v5, s9;
	v5 =	vld [tilespmem:$0x710]  }
0xf1: {  	v2 =	vadd.s32 v3, v2;
	v3 =	vsel vm1, $0x1, v1;
	vm1 =	vge.s32 v6, s9;
	v6 =	vld [tilespmem:$0x720]  }
0xf2: {  	v2 =	vadd.s32 v3, v2;
	v3 =	vsel vm0, $0x1, v1;
	vm0 =	vge.s32 v7, s9;
	v7 =	vld [tilespmem:$0x730]  }
0xf3: {  	v2 =	vadd.s32 v3, v2;
	v3 =	vsel vm1, $0x1, v1;
	vm1 =	vge.s32 v0, s9;
	v0 =	vld [tilespmem:$0x740]  }
0xf4: {  	v2 =	vadd.s32 v3, v2;
	v3 =	vsel vm0, $0x1, v1;
	vm0 =	vge.s32 v4, s9;
	v4 =	vld [tilespmem:$0x750]  }
0xf5: {  	v2 =	vadd.s32 v3, v2;
	v3 =	vsel vm1, $0x1, v1;
	vm1 =	vge.s32 v5, s9;
	v5 =	vld [tilespmem:$0x760]  }
0xf6: {  	v2 =	vadd.s32 v3, v2;
	v3 =	vsel vm0, $0x1, v1;
	vm0 =	vge.s32 v6, s9;
	v6 =	vld [tilespmem:$0x770]  }
0xf7: {  	v2 =	vadd.s32 v3, v2;
	v3 =	vsel vm1, $0x1, v1;
	vm1 =	vge.s32 v7, s9;
	v7 =	vld [tilespmem:$0x780]  }
0xf8: {  	v2 =	vadd.s32 v3, v2;
	v3 =	vsel vm0, $0x1, v1;
	vm0 =	vge.s32 v0, s9;
	v0 =	vld [tilespmem:$0x790]  }
0xf9: {  	v2 =	vadd.s32 v3, v2;
	v3 =	vsel vm1, $0x1, v1;
	vm1 =	vge.s32 v4, s9;
	v4 =	vld [tilespmem:$0x7A0]  }
0xfa: {  	v2 =	vadd.s32 v3, v2;
	v3 =	vsel vm0, $0x1, v1;
	vm0 =	vge.s32 v5, s9;
	v5 =	vld [tilespmem:$0x7B0]  }
0xfb: {  	v2 =	vadd.s32 v3, v2;
	v3 =	vsel vm1, $0x1, v1;
	vm1 =	vge.s32 v6, s9;
	v6 =	vld [tilespmem:$0x7C0]  }
0xfc: {  	v2 =	vadd.s32 v3, v2;
	v3 =	vsel vm0, $0x1, v1;
	vm0 =	vge.s32 v7, s9;
	v7 =	vld [tilespmem:$0x7D0]  }
0xfd: {  	v2 =	vadd.s32 v3, v2;
	v3 =	vsel vm1, $0x1, v1;
	vm1 =	vge.s32 v0, s9;
	v0 =	vld [tilespmem:$0x7E0]  }
0xfe: {  	v2 =	vadd.s32 v3, v2;
	v3 =	vsel vm0, $0x1, v1;
	vm0 =	vge.s32 v4, s9;
	v4 =	vld [tilespmem:$0x7F0]  }
0xff: {  	v2 =	vadd.s32 v3, v2;
	v3 =	vsel vm1, $0x1, v1;
	vm1 =	vge.s32 v5, s9  }
0x100: {  	v2 =	vadd.s32 v3, v2;
	v3 =	vsel vm0, $0x1, v1;
	vm0 =	vge.s32 v6, s9  }
0x101: {  	v2 =	vadd.s32 v3, v2;
	v3 =	vsel vm1, $0x1, v1;
	vm1 =	vge.s32 v7, s9  }
0x102: {  	v2 =	vadd.s32 v3, v2;
	v3 =	vsel vm0, $0x1, v1;
	vm0 =	vge.s32 v0, s9  }
0x103: {  	v0 =	vadd.s32 v3, v2;
	v2 =	vsel vm1, $0x1, v1;
	vm1 =	vge.s32 v4, s9  }
0x104: {  	v0 =	vadd.s32 v2, v0;
	v2 =	vsel vm0, $0x1, v1  }
0x105: {  	v0 =	vadd.s32 v2, v0;
	v2 =	vsel vm1, $0x1, v1  }
0x106: {  	s15 =	sshra.s32 s15, $0x2;
	v0 =	vadd.s32 v2, v0  }
0x107: {  	s16 =	sadd.s32 s15, s10;
	[tilespmem:$0x800] =	vst v0  }
0x108: {  	[spmem:s16] =	stream.linear.scatter [tilespmem:s11], [sflag:$0x1], $0x80, $0x38;
	[tilespmem:$0x2320] =	vst v63  }
0x109: {  	_ =	swait.ge [sflag:s5], $0x80  }
0x10a: {  	[sflag:s5] =	ssyncset.done $0x0  }
0x10b: {  	[sflag:s5] =	ssyncadd.s32 $0xFFFFFF80  }
0x10c: {  	s15 =	sadd.s32 s15, s4;
	[bflag:$0x0] =	sbarrier.arrive $0xFFFF  }
0x10d: {  	[tilespmem:s12], [sflag:$0x1] =	stream.linear.gather [spmem:s15], $0x800, $0x38;
	[tilespmem:$0x2320] =	vst v63  }
0x10e: {  	_ =	swait.ge [sflag:s5], $0x800  }
0x10f: {  	[sflag:s5] =	ssyncset.done $0x0  }
0x110: {  	[sflag:s5] =	ssyncadd.s32 $0xFFFFF800  }
0x111: {  	v0 =	vld [tilespmem:$0x900]  }
0x112: {  	v2 =	vld [tilespmem:$0x980]  }
0x113: {  	v3 =	vld [tilespmem:$0xA00]  }
0x114: {  	v4 =	vld [tilespmem:$0xA80]  }
0x115: {  	v5 =	vld [tilespmem:$0xB00]  }
0x116: {  	v6 =	vld [tilespmem:$0xB80]  }
0x117: {  	v0 =	vadd.s32 v0, v2;
	v2 =	vld [tilespmem:$0xC00]  }
0x118: {  	v0 =	vadd.s32 v3, v0;
	v3 =	vld [tilespmem:$0xC80]  }
0x119: {  	v0 =	vadd.s32 v4, v0;
	v4 =	vld [tilespmem:$0xD00]  }
0x11a: {  	v0 =	vadd.s32 v5, v0;
	v5 =	vld [tilespmem:$0xD80]  }
0x11b: {  	v0 =	vadd.s32 v6, v0;
	v6 =	vld [tilespmem:$0xE00]  }
0x11c: {  	v0 =	vadd.s32 v2, v0;
	v2 =	vld [tilespmem:$0xE80]  }
0x11d: {  	v0 =	vadd.s32 v3, v0;
	v3 =	vld [tilespmem:$0xF00]  }
0x11e: {  	v0 =	vadd.s32 v4, v0;
	v4 =	vld [tilespmem:$0xF80]  }
0x11f: {  	v0 =	vadd.s32 v5, v0;
	v5 =	vld [tilespmem:$0x1000]  }
0x120: {  	v0 =	vadd.s32 v6, v0;
	v6 =	vld [tilespmem:$0x1080]  }
0x121: {  	v0 =	vadd.s32 v2, v0  }
0x122: {  	v0 =	vadd.s32 v3, v0  }
0x123: {  	v0 =	vadd.s32 v4, v0  }
0x124: {  	v0 =	vadd.s32 v5, v0  }
0x125: {  	v0 =	vadd.s32 v6, v0  }
0x126: {  	(xrf0) =	vadd.scan.msk.s32 $0xffff, v0;
	_ =	sdelay $0x2  }
.Ltmp1:
0x127: {  	(pc) =	sbr.rel @p0 .LBB2_2-.Ltmp1, $3  }
0x128: {  	_ =	sdelay $0x1  }
0x129: {  	v0, _, _ =	vpop (xrf0)  }
0x12a: {  	(v2sf) =	vpush v0, $0xF  }
0x12b: {  	_ =	sdelay $0xd  }
0x12c: {  	v0 =	vld [tilespmem:$0x0];
	s4 =	spop (v2sf)  }
0x12d: {  	v4 =	vld [tilespmem:$0x10];
	p0 =	sgt.s32 s4, $0x1FFF  }
0x12e: {  	s3 =	smov.u32 @p0 s9  }
0x12f: {  	v5 =	vld [tilespmem:$0x20];
	v1 =	vmov s3  }
0x130: {  	v2 =	vbroadcast v1, $0x0  }
0x131: {  	v7 =	vld [tilespmem:$0x30];
	v6 =	vadd.f32 $0.0e+00, v0  }
0x132: {  	vm0 =	vgt.f32 v0, v2;
	vm1 =	vgt.f32 v4, v2  }
0x133: {  	v8 =	vld [tilespmem:$0x40];
	v6 =	vnsel vm0, $0x0, v6;
	v4 =	vnsel vm1, $0x0, v4  }
0x134: {  	vm15 =	vgt.f32 v5, v2;
	v4 =	vadd.f32 v4, v6  }
0x135: {  	v37 =	vld [tilespmem:$0x50];
	v5 =	vnsel vm15, $0x0, v5  }
0x136: {  	vm4 =	vgt.f32 v7, v2;
	v4 =	vadd.f32 v5, v4  }
0x137: {  	v40 =	vld [tilespmem:$0x60];
	v39 =	vnsel vm4, $0x0, v7  }
0x138: {  	vm5 =	vgt.f32 v8, v2;
	v4 =	vadd.f32 v39, v4  }
0x139: {  	v43 =	vld [tilespmem:$0x70];
	v42 =	vnsel vm5, $0x0, v8  }
0x13a: {  	vm6 =	vgt.f32 v37, v2;
	v4 =	vadd.f32 v42, v4  }
0x13b: {  	v46 =	vld [tilespmem:$0x80];
	v45 =	vnsel vm6, $0x0, v37  }
0x13c: {  	vm7 =	vgt.f32 v40, v2;
	v4 =	vadd.f32 v45, v4  }
0x13d: {  	v49 =	vld [tilespmem:$0x90];
	v48 =	vnsel vm7, $0x0, v40  }
0x13e: {  	vm8 =	vgt.f32 v43, v2;
	v4 =	vadd.f32 v48, v4  }
0x13f: {  	v52 =	vld [tilespmem:$0xA0];
	v51 =	vnsel vm8, $0x0, v43  }
0x140: {  	vm9 =	vgt.f32 v46, v2;
	v4 =	vadd.f32 v51, v4  }
0x141: {  	v55 =	vld [tilespmem:$0xB0];
	v54 =	vnsel vm9, $0x0, v46  }
0x142: {  	vm10 =	vgt.f32 v49, v2;
	v4 =	vadd.f32 v54, v4  }
0x143: {  	v58 =	vld [tilespmem:$0xC0];
	v57 =	vnsel vm10, $0x0, v49  }
0x144: {  	vm11 =	vgt.f32 v52, v2;
	v4 =	vadd.f32 v57, v4  }
0x145: {  	v61 =	vld [tilespmem:$0xD0];
	v60 =	vnsel vm11, $0x0, v52  }
0x146: {  	vm12 =	vgt.f32 v55, v2;
	v4 =	vadd.f32 v60, v4  }
0x147: {  	v16 =	vld [tilespmem:$0xE0];
	v63 =	vnsel vm12, $0x0, v55  }
0x148: {  	vm13 =	vgt.f32 v58, v2;
	v4 =	vadd.f32 v63, v4  }
0x149: {  	v19 =	vld [tilespmem:$0xF0];
	v18 =	vnsel vm13, $0x0, v58  }
0x14a: {  	vm14 =	vgt.f32 v61, v2;
	v4 =	vadd.f32 v18, v4  }
0x14b: {  	v3 =	vimm.s32 $0x0;
	v22 =	vld [tilespmem:$0x100];
	v21 =	vnsel vm14, $0x0, v61  }
0x14c: {  	v38 =	vsel vm15, $0x1, v3;
	vm15 =	vgt.f32 v16, v2;
	v4 =	vadd.f32 v21, v4  }
0x14d: {  	v25 =	vld [tilespmem:$0x110];
	v24 =	vnsel vm15, $0x0, v16  }
0x14e: {  	v41 =	vsel vm4, $0x1, v3;
	vm4 =	vgt.f32 v19, v2;
	v4 =	vadd.f32 v24, v4  }
0x14f: {  	v28 =	vld [tilespmem:$0x120];
	v27 =	vnsel vm4, $0x0, v19  }
0x150: {  	v44 =	vsel vm5, $0x1, v3;
	vm5 =	vgt.f32 v22, v2;
	v4 =	vadd.f32 v27, v4  }
0x151: {  	v31 =	vld [tilespmem:$0x130];
	v30 =	vnsel vm5, $0x0, v22  }
0x152: {  	v47 =	vsel vm6, $0x1, v3;
	vm6 =	vgt.f32 v25, v2;
	v4 =	vadd.f32 v30, v4  }
0x153: {  	v34 =	vld [tilespmem:$0x140];
	v33 =	vnsel vm6, $0x0, v25  }
0x154: {  	v50 =	vsel vm7, $0x1, v3;
	vm7 =	vgt.f32 v28, v2;
	v4 =	vadd.f32 v33, v4  }
0x155: {  	v37 =	vld [tilespmem:$0x150];
	v36 =	vnsel vm7, $0x0, v28  }
0x156: {  	v53 =	vsel vm8, $0x1, v3;
	vm8 =	vgt.f32 v31, v2;
	v4 =	vadd.f32 v36, v4  }
0x157: {  	v40 =	vld [tilespmem:$0x160];
	v39 =	vnsel vm8, $0x0, v31  }
0x158: {  	v56 =	vsel vm9, $0x1, v3;
	vm9 =	vgt.f32 v34, v2;
	v4 =	vadd.f32 v39, v4  }
0x159: {  	v43 =	vld [tilespmem:$0x170];
	v42 =	vnsel vm9, $0x0, v34  }
0x15a: {  	v59 =	vsel vm10, $0x1, v3;
	vm10 =	vgt.f32 v37, v2;
	v4 =	vadd.f32 v42, v4  }
0x15b: {  	v46 =	vld [tilespmem:$0x180];
	v45 =	vnsel vm10, $0x0, v37  }
0x15c: {  	v62 =	vsel vm11, $0x1, v3;
	vm11 =	vgt.f32 v40, v2;
	v4 =	vadd.f32 v45, v4  }
0x15d: {  	v0 =	vsel vm0, $0x1, v3;
	v9 =	vsel vm1, $0x1, v3;
	v49 =	vld [tilespmem:$0x190];
	v48 =	vnsel vm11, $0x0, v40  }
0x15e: {  	v17 =	vsel vm12, $0x1, v3;
	vm12 =	vgt.f32 v43, v2;
	v4 =	vadd.f32 v48, v4  }
0x15f: {  	v20 =	vsel vm13, $0x1, v3;
	v23 =	vsel vm14, $0x1, v3;
	v52 =	vld [tilespmem:$0x1A0];
	v51 =	vnsel vm12, $0x0, v43  }
0x160: {  	v0 =	vadd.s32 v0, v9;
	vm13 =	vgt.f32 v46, v2;
	v4 =	vadd.f32 v51, v4  }
0x161: {  	v55 =	vld [tilespmem:$0x1B0];
	v26 =	vsel vm15, $0x1, v3;
	v29 =	vsel vm4, $0x1, v3;
	v54 =	vnsel vm13, $0x0, v46  }
0x162: {  	v58 =	vld [tilespmem:$0x1C0];
	v32 =	vsel vm5, $0x1, v3;
	vm14 =	vgt.f32 v49, v2;
	v4 =	vadd.f32 v54, v4  }
0x163: {  	v61 =	vld [tilespmem:$0x1D0];
	v35 =	vsel vm6, $0x1, v3;
	v0 =	vadd.s32 v38, v0;
	v57 =	vnsel vm14, $0x0, v49  }
0x164: {  	v38 =	vsel vm7, $0x1, v3;
	vm15 =	vgt.f32 v52, v2;
	v4 =	vadd.f32 v57, v4  }
0x165: {  	v16 =	vld [tilespmem:$0x1E0];
	v0 =	vadd.s32 v41, v0;
	v41 =	vsel vm8, $0x1, v3;
	v60 =	vnsel vm15, $0x0, v52  }
0x166: {  	v19 =	vld [tilespmem:$0x1F0];
	v0 =	vadd.s32 v44, v0;
	vm4 =	vgt.f32 v55, v2;
	v4 =	vadd.f32 v60, v4  }
0x167: {  	v22 =	vld [tilespmem:$0x200];
	v44 =	vsel vm9, $0x1, v3;
	v0 =	vadd.s32 v47, v0;
	v63 =	vnsel vm4, $0x0, v55  }
0x168: {  	vm5 =	vgt.f32 v58, v2;
	vm6 =	vgt.f32 v61, v2;
	v4 =	vadd.f32 v63, v4  }
0x169: {  	v0 =	vadd.s32 v50, v0;
	v47 =	vsel vm10, $0x1, v3;
	v18 =	vnsel vm5, $0x0, v58  }
0x16a: {  	v25 =	vld [tilespmem:$0x210];
	v50 =	vsel vm11, $0x1, v3;
	vm7 =	vgt.f32 v16, v2;
	v4 =	vadd.f32 v18, v4  }
0x16b: {  	vm8 =	vgt.f32 v19, v2;
	v0 =	vadd.s32 v53, v0;
	v21 =	vnsel vm6, $0x0, v61  }
0x16c: {  	v28 =	vld [tilespmem:$0x220];
	v53 =	vsel vm12, $0x1, v3;
	vm9 =	vgt.f32 v22, v2;
	v4 =	vadd.f32 v21, v4  }
0x16d: {  	v0 =	vadd.s32 v56, v0;
	v56 =	vsel vm13, $0x1, v3;
	v24 =	vnsel vm7, $0x0, v16  }
0x16e: {  	v0 =	vadd.s32 v59, v0;
	v59 =	vsel vm14, $0x1, v3;
	v4 =	vadd.f32 v24, v4  }
0x16f: {  	v31 =	vld [tilespmem:$0x230];
	vm10 =	vgt.f32 v25, v2;
	v0 =	vadd.s32 v62, v0;
	v27 =	vnsel vm8, $0x0, v19  }
0x170: {  	v62 =	vsel vm15, $0x1, v3;
	v0 =	vadd.s32 v17, v0;
	v4 =	vadd.f32 v27, v4  }
0x171: {  	v34 =	vld [tilespmem:$0x240];
	v17 =	vsel vm4, $0x1, v3;
	vm11 =	vgt.f32 v28, v2;
	v30 =	vnsel vm9, $0x0, v22  }
0x172: {  	v0 =	vadd.s32 v20, v0;
	v20 =	vsel vm5, $0x1, v3;
	v4 =	vadd.f32 v30, v4  }
0x173: {  	v0 =	vadd.s32 v23, v0;
	v23 =	vsel vm6, $0x1, v3;
	v33 =	vnsel vm10, $0x0, v25  }
0x174: {  	v37 =	vld [tilespmem:$0x250];
	vm12 =	vgt.f32 v31, v2;
	v0 =	vadd.s32 v26, v0;
	v4 =	vadd.f32 v33, v4  }
0x175: {  	v26 =	vsel vm7, $0x1, v3;
	v0 =	vadd.s32 v29, v0;
	v36 =	vnsel vm11, $0x0, v28  }
0x176: {  	v40 =	vld [tilespmem:$0x260];
	v29 =	vsel vm8, $0x1, v3;
	vm13 =	vgt.f32 v34, v2;
	v4 =	vadd.f32 v36, v4  }
0x177: {  	v0 =	vadd.s32 v32, v0;
	v32 =	vsel vm9, $0x1, v3;
	v39 =	vnsel vm12, $0x0, v31  }
0x178: {  	v0 =	vadd.s32 v35, v0;
	v35 =	vsel vm10, $0x1, v3;
	v4 =	vadd.f32 v39, v4  }
0x179: {  	v43 =	vld [tilespmem:$0x270];
	vm14 =	vgt.f32 v37, v2;
	v0 =	vadd.s32 v38, v0;
	v42 =	vnsel vm13, $0x0, v34  }
0x17a: {  	v38 =	vsel vm11, $0x1, v3;
	v0 =	vadd.s32 v41, v0;
	v4 =	vadd.f32 v42, v4  }
0x17b: {  	v46 =	vld [tilespmem:$0x280];
	v41 =	vsel vm12, $0x1, v3;
	vm15 =	vgt.f32 v40, v2;
	v45 =	vnsel vm14, $0x0, v37  }
0x17c: {  	v0 =	vadd.s32 v44, v0;
	v44 =	vsel vm13, $0x1, v3;
	v4 =	vadd.f32 v45, v4  }
0x17d: {  	v49 =	vld [tilespmem:$0x290];
	v0 =	vadd.s32 v47, v0;
	v47 =	vsel vm14, $0x1, v3;
	v48 =	vnsel vm15, $0x0, v40  }
0x17e: {  	vm4 =	vgt.f32 v43, v2;
	v0 =	vadd.s32 v50, v0;
	v4 =	vadd.f32 v48, v4  }
0x17f: {  	v52 =	vld [tilespmem:$0x2A0];
	v50 =	vsel vm15, $0x1, v3;
	v0 =	vadd.s32 v53, v0;
	v51 =	vnsel vm4, $0x0, v43  }
0x180: {  	v53 =	vsel vm4, $0x1, v3;
	vm5 =	vgt.f32 v46, v2;
	v4 =	vadd.f32 v51, v4  }
0x181: {  	v55 =	vld [tilespmem:$0x2B0];
	v0 =	vadd.s32 v56, v0;
	v56 =	vsel vm5, $0x1, v3;
	v54 =	vnsel vm5, $0x0, v46  }
0x182: {  	v0 =	vadd.s32 v59, v0;
	vm6 =	vgt.f32 v49, v2;
	v4 =	vadd.f32 v54, v4  }
0x183: {  	v58 =	vld [tilespmem:$0x2C0];
	v0 =	vadd.s32 v62, v0;
	v59 =	vsel vm6, $0x1, v3;
	v57 =	vnsel vm6, $0x0, v49  }
0x184: {  	v0 =	vadd.s32 v17, v0;
	vm7 =	vgt.f32 v52, v2;
	v4 =	vadd.f32 v57, v4  }
0x185: {  	v61 =	vld [tilespmem:$0x2D0];
	v0 =	vadd.s32 v20, v0;
	v62 =	vsel vm7, $0x1, v3;
	v60 =	vnsel vm7, $0x0, v52  }
0x186: {  	v0 =	vadd.s32 v23, v0;
	vm8 =	vgt.f32 v55, v2;
	v4 =	vadd.f32 v60, v4  }
0x187: {  	v16 =	vld [tilespmem:$0x2E0];
	v0 =	vadd.s32 v26, v0;
	v17 =	vsel vm8, $0x1, v3;
	v63 =	vnsel vm8, $0x0, v55  }
0x188: {  	v0 =	vadd.s32 v29, v0;
	vm9 =	vgt.f32 v58, v2;
	v4 =	vadd.f32 v63, v4  }
0x189: {  	v19 =	vld [tilespmem:$0x2F0];
	v0 =	vadd.s32 v32, v0;
	v20 =	vsel vm9, $0x1, v3;
	v18 =	vnsel vm9, $0x0, v58  }
0x18a: {  	v0 =	vadd.s32 v35, v0;
	vm10 =	vgt.f32 v61, v2;
	v4 =	vadd.f32 v18, v4  }
0x18b: {  	v22 =	vld [tilespmem:$0x300];
	v0 =	vadd.s32 v38, v0;
	v23 =	vsel vm10, $0x1, v3;
	v21 =	vnsel vm10, $0x0, v61  }
0x18c: {  	v0 =	vadd.s32 v41, v0;
	vm11 =	vgt.f32 v16, v2;
	v4 =	vadd.f32 v21, v4  }
0x18d: {  	v25 =	vld [tilespmem:$0x310];
	v0 =	vadd.s32 v44, v0;
	v26 =	vsel vm11, $0x1, v3;
	v24 =	vnsel vm11, $0x0, v16  }
0x18e: {  	v0 =	vadd.s32 v47, v0;
	vm12 =	vgt.f32 v19, v2;
	v4 =	vadd.f32 v24, v4  }
0x18f: {  	v28 =	vld [tilespmem:$0x320];
	v0 =	vadd.s32 v50, v0;
	v29 =	vsel vm12, $0x1, v3;
	v27 =	vnsel vm12, $0x0, v19  }
0x190: {  	v0 =	vadd.s32 v53, v0;
	vm13 =	vgt.f32 v22, v2;
	v4 =	vadd.f32 v27, v4  }
0x191: {  	v31 =	vld [tilespmem:$0x330];
	v0 =	vadd.s32 v56, v0;
	v32 =	vsel vm13, $0x1, v3;
	v30 =	vnsel vm13, $0x0, v22  }
0x192: {  	v0 =	vadd.s32 v59, v0;
	vm14 =	vgt.f32 v25, v2;
	v4 =	vadd.f32 v30, v4  }
0x193: {  	v34 =	vld [tilespmem:$0x340];
	v0 =	vadd.s32 v62, v0;
	v35 =	vsel vm14, $0x1, v3;
	v33 =	vnsel vm14, $0x0, v25  }
0x194: {  	v0 =	vadd.s32 v17, v0;
	vm15 =	vgt.f32 v28, v2;
	v4 =	vadd.f32 v33, v4  }
0x195: {  	v37 =	vld [tilespmem:$0x350];
	v0 =	vadd.s32 v20, v0;
	v38 =	vsel vm15, $0x1, v3;
	v36 =	vnsel vm15, $0x0, v28  }
0x196: {  	v0 =	vadd.s32 v23, v0;
	vm4 =	vgt.f32 v31, v2;
	v4 =	vadd.f32 v36, v4  }
0x197: {  	v40 =	vld [tilespmem:$0x360];
	v0 =	vadd.s32 v26, v0;
	v41 =	vsel vm4, $0x1, v3;
	v39 =	vnsel vm4, $0x0, v31  }
0x198: {  	v0 =	vadd.s32 v29, v0;
	vm5 =	vgt.f32 v34, v2;
	v4 =	vadd.f32 v39, v4  }
0x199: {  	v43 =	vld [tilespmem:$0x370];
	v0 =	vadd.s32 v32, v0;
	v44 =	vsel vm5, $0x1, v3;
	v42 =	vnsel vm5, $0x0, v34  }
0x19a: {  	v46 =	vld [tilespmem:$0x380];
	v0 =	vadd.s32 v35, v0;
	vm6 =	vgt.f32 v37, v2;
	v4 =	vadd.f32 v42, v4  }
0x19b: {  	v49 =	vld [tilespmem:$0x390];
	v0 =	vadd.s32 v38, v0;
	v47 =	vsel vm6, $0x1, v3;
	v45 =	vnsel vm6, $0x0, v37  }
0x19c: {  	v10 =	vld [tilespmem:$0x3C0];
	v0 =	vadd.s32 v41, v0;
	vm7 =	vgt.f32 v40, v2;
	v4 =	vadd.f32 v45, v4  }
0x19d: {  	v0 =	vadd.s32 v44, v0;
	v50 =	vsel vm7, $0x1, v3;
	v55 =	vld [tilespmem:$0x3D0];
	v48 =	vnsel vm7, $0x0, v40  }
0x19e: {  	v53 =	vld [tilespmem:$0x3B0];
	v0 =	vadd.s32 v47, v0;
	vm8 =	vgt.f32 v43, v2;
	v4 =	vadd.f32 v48, v4  }
0x19f: {  	v0 =	vadd.s32 v50, v0;
	v8 =	vnsel vm8, $0x0, v43;
	v52 =	vsel vm8, $0x1, v3;
	v51 =	vld [tilespmem:$0x3A0]  }
0x1a0: {  	vm9 =	vgt.f32 v46, v2;
	vm10 =	vgt.f32 v49, v2;
	v4 =	vadd.f32 v8, v4  }
0x1a1: {  	v0 =	vadd.s32 v52, v0;
	v6 =	vnsel vm9, $0x0, v46;
	v56 =	vsel vm10, $0x1, v3  }
0x1a2: {  	v7 =	vnsel vm10, $0x0, v49;
	vm2 =	vgt.f32 v55, v2;
	v4 =	vadd.f32 v6, v4  }
0x1a3: {  	v58 =	vld [tilespmem:$0x3E0];
	v62 =	vsel vm2, $0x1, v3;
	vm12 =	vgt.f32 v53, v2;
	vm13 =	vgt.f32 v10, v2  }
0x1a4: {  	v59 =	vld [tilespmem:$0x3F0];
	v54 =	vsel vm9, $0x1, v3;
	vm11 =	vgt.f32 v51, v2;
	v4 =	vadd.f32 v7, v4  }
0x1a5: {  	v61 =	vsel vm13, $0x1, v3;
	v0 =	vadd.s32 v54, v0;
	v5 =	vnsel vm11, $0x0, v51  }
0x1a6: {  	v0 =	vadd.s32 v56, v0;
	v57 =	vsel vm11, $0x1, v3;
	v4 =	vadd.f32 v5, v4  }
0x1a7: {  	v60 =	vsel vm12, $0x1, v3;
	v0 =	vadd.s32 v57, v0;
	v8 =	vnsel vm12, $0x0, v53  }
0x1a8: {  	vm14 =	vgt.f32 v58, v2;
	v0 =	vadd.s32 v60, v0;
	v4 =	vadd.f32 v8, v4  }
0x1a9: {  	vm15 =	vgt.f32 v59, v2;
	v63 =	vnsel vm13, $0x0, v10;
	v0 =	vadd.s32 v61, v0  }
0x1aa: {  	v2 =	vsel vm14, $0x1, v3;
	v0 =	vadd.s32 v62, v0;
	v4 =	vadd.f32 v63, v4  }
0x1ab: {  	v0 =	vadd.s32 v2, v0;
	v2 =	vsel vm15, $0x1, v3;
	v3 =	vnsel vm2, $0x0, v55  }
0x1ac: {  	v0 =	vadd.s32 v2, v0;
	v2 =	vadd.f32 v3, v4  }
0x1ad: {  	s30 =	simm.s32 $0x800;
	s3 =	simm.s32 $0x1;
	[tilespmem:$0x800] =	vst v0;
	v0 =	vnsel vm14, $0x0, v58  }
0x1ae: {  	[spmem:s8] =	stream.linear.scatter [tilespmem:s30], [sflag:$0x1], $0x80, $0x38;
	v0 =	vadd.f32 v0, v2;
	[tilespmem:$0x2320] =	vst v63  }
0x1af: {  	_ =	swait.ge [sflag:s3], $0x80;
	v2 =	vnsel vm15, $0x0, v59  }
0x1b0: {  	[sflag:s3] =	ssyncset.done $0x0;
	v0 =	vadd.f32 v2, v0  }
0x1b1: {  	[sflag:s3] =	ssyncadd.s32 $0xFFFFFF80  }
0x1b2: {  	[tilespmem:$0x800] =	vst v0  }
0x1b3: {  	[spmem:s7] =	stream.linear.scatter [tilespmem:s30], [sflag:$0x1], $0x80, $0x38;
	[tilespmem:$0x2320] =	vst v63  }
0x1b4: {  	_ =	swait.ge [sflag:s3], $0x80  }
0x1b5: {  	[sflag:s3] =	ssyncset.done $0x0  }
0x1b6: {  	p0 =	sne.s32 s2, $0x0;
	[sflag:s3] =	ssyncadd.s32 $0xFFFFFF80  }
.Ltmp2:
0x1b7: {  	s31 =	simm.s32 $0x1100;
	[bflag:$0x0] =	sbarrier.arrive $0xFFFF;
	(pc) =	sbr.rel @p0 .LBB2_5-.Ltmp2, $4  }
0x1b8: {  	[tilespmem:s31], [sflag:$0x1] =	stream.linear.gather [spmem:s6], $0x1000, $0x38;
	[tilespmem:$0x2320] =	vst v63  }
0x1b9: {  	_ =	swait.ge [sflag:s3], $0x1000  }
0x1ba: {  	[sflag:s3] =	ssyncset.done $0x0  }
0x1bb: {  	v14 =	vld [tilespmem:$0x1FFF0];
	[sflag:s3] =	ssyncadd.s32 $0xFFFFF000  }
0x1bc: {  	v0 =	vld [tilespmem:$0x1900]  }
0x1bd: {  	v2 =	vld [tilespmem:$0x1980]  }
0x1be: {  	v3 =	vld [tilespmem:$0x1A00]  }
0x1bf: {  	v4 =	vld [tilespmem:$0x1A80]  }
0x1c0: {  	v5 =	vld [tilespmem:$0x1B00]  }
0x1c1: {  	v6 =	vld [tilespmem:$0x1B80]  }
0x1c2: {  	v7 =	vld [tilespmem:$0x1C00]  }
0x1c3: {  	v8 =	vld [tilespmem:$0x1100]  }
0x1c4: {  	v9 =	vld [tilespmem:$0x1180]  }
0x1c5: {  	v10 =	vld [tilespmem:$0x1200]  }
0x1c6: {  	v11 =	vld [tilespmem:$0x1280]  }
0x1c7: {  	v12 =	vld [tilespmem:$0x1300]  }
0x1c8: {  	v13 =	vld [tilespmem:$0x1380]  }
0x1c9: {  	v41 =	vld [tilespmem:$0x1400];
	v8 =	vadd.s32 v8, v9  }
0x1ca: {  	v42 =	vld [tilespmem:$0x1480];
	v8 =	vadd.s32 v10, v8  }
0x1cb: {  	v43 =	vld [tilespmem:$0x1500];
	v0 =	vadd.f32 $0.0e+00, v0;
	v8 =	vadd.s32 v11, v8  }
0x1cc: {  	v44 =	vld [tilespmem:$0x1580];
	v8 =	vadd.s32 v12, v8  }
0x1cd: {  	v46 =	vld [tilespmem:$0x1600];
	v0 =	vadd.f32 v2, v0;
	v45 =	vadd.s32 v13, v8  }
0x1ce: {  	v47 =	vld [tilespmem:$0x1680];
	v2 =	vadd.s32 v41, v45  }
0x1cf: {  	v48 =	vld [tilespmem:$0x1700];
	v0 =	vadd.f32 v3, v0;
	v2 =	vadd.s32 v42, v2  }
0x1d0: {  	v49 =	vld [tilespmem:$0x1780];
	v2 =	vadd.s32 v43, v2  }
0x1d1: {  	v50 =	vld [tilespmem:$0x1800];
	v0 =	vadd.f32 v4, v0;
	v2 =	vadd.s32 v44, v2  }
0x1d2: {  	v51 =	vld [tilespmem:$0x1880];
	v2 =	vadd.s32 v46, v2  }
0x1d3: {  	v0 =	vadd.f32 v5, v0;
	v2 =	vadd.s32 v47, v2  }
0x1d4: {  	v52 =	vld [tilespmem:$0x1C80];
	v2 =	vadd.s32 v48, v2  }
0x1d5: {  	v0 =	vadd.f32 v6, v0;
	v2 =	vadd.s32 v49, v2  }
0x1d6: {  	v53 =	vld [tilespmem:$0x1D00];
	v2 =	vadd.s32 v50, v2  }
0x1d7: {  	v0 =	vadd.f32 v7, v0;
	v2 =	vadd.s32 v51, v2  }
0x1d8: {  	v54 =	vld [tilespmem:$0x1D80];
	(xrf0) =	vadd.scan.msk.s32 $0xffff, v2  }
0x1d9: {  	v0 =	vadd.f32 v52, v0  }
0x1da: {  	v55 =	vld [tilespmem:$0x1E00]  }
0x1db: {  	v0 =	vadd.f32 v53, v0  }
0x1dc: {  	v56 =	vld [tilespmem:$0x1E80]  }
0x1dd: {  	v0 =	vadd.f32 v54, v0  }
0x1de: {  	v57 =	vld [tilespmem:$0x1F00];
	v58, _, _ =	vpop (xrf0)  }
0x1df: {  	v0 =	vadd.f32 v55, v0;
	(v2sf) =	vpush v58, $0xF  }
0x1e0: {  	v59 =	vld [tilespmem:$0x1F80]  }
0x1e1: {  	v0 =	vadd.f32 v56, v0  }
0x1e2: {  	v60 =	vld [tilespmem:$0x2000]  }
0x1e3: {  	v0 =	vadd.f32 v57, v0  }
0x1e4: {  	v61 =	vld [tilespmem:$0x2080]  }
0x1e5: {  	v0 =	vadd.f32 v59, v0;
	_ =	sdelay $0x1  }
0x1e6: {  	v0 =	vadd.f32 v60, v0;
	_ =	sdelay $0x1  }
0x1e7: {  	v0 =	vadd.f32 v61, v0;
	_ =	sdelay $0x1  }
0x1e8: {  	(xrf2) =	vadd.scan.msk.f32 $0xffff, v0;
	_ =	sdelay $0x2  }
0x1e9: {  	s4 =	spop (v2sf)  }
0x1ea: {  	s4 =	scvt.s32.f32 s4;
	_ =	sdelay $0x1  }
0x1eb: {  	v62 =	vmov s4  }
0x1ec: {  	v0 =	vsub.f32 $8.192000000e+03, v62;
	_ =	sdelay $0x1  }
0x1ed: {  	v0 =	vmul.f32 v1, v0  }
0x1ee: {  	v63, _, _ =	vpop (xrf2)  }
0x1ef: {  	v1 =	vbroadcast v63, $0xF;
	v0 =	vbroadcast v0, $0x0;
	_ =	sdelay $0x1  }
0x1f0: {  	v0 =	vadd.f32 v0, v1;
	_ =	sdelay $0x1  }
0x1f1: {  	v0 =	vmul.f32 v0, v14;
	_ =	sdelay $0x1  }
0x1f2: {  	s31 =	simm.s32 $0x0;
	s5 =	simm.s32 $0x880;
	[tilespmem:$0x880] =	vst v0  }
0x1f3: {  	[hbm4b:s1+s31] =	stream.linear.scatter [tilespmem:s5], [sflag:$0x1], $0x80, $0x38;
	[tilespmem:$0x2320] =	vst v63  }
0x1f4: {  	_ =	swait.ge [sflag:s3], $0x80  }
0x1f5: {  	[sflag:s3] =	ssyncset.done $0x0  }
0x1f6: {  	[sflag:s3] =	ssyncadd.s32 $0xFFFFFF80  }
.LBB2_5:
0x1f7: {  	_ =	sfence.sel $0x180000  }
0x1f8: {  	[bflag:$0x0] =	sbarrier.arrive $0xFFFF  }
0x1f9: {  	p0 =	sne.s32 s2, $0x0;
	_ =	strace $0x90000047  }
0x1fa: {  	s0 =	sadd.s32 @!p0 $0x100000, s0;
	[bflag:$0x2] =	sbarrier.arrive $0xFFFF  }
0x1fb: {  	[sflag:s0] =	ssyncadd.tile.s32 @!p0 $0x1;
	_ =	shalt  }
.Lfunc_end2:
_tile_overlayer_lowered:
.L_overlay_start_2:
0x1fc: {  	(tag) =	ssettag $0x2  }
0x1fd: {  	s0 =	rddreg [dreg:$0x0];
	s2 =	stileid.u32  }
0x1fe: {  	s1 =	rddreg [dreg:$0x1];
	p0 =	sne.s32 s2, $0x0  }
0x1ff: {  	s3 =	rddreg [dreg:$0x2];
	[bflag:$0x3] =	sbarrier.arrive $0xFFFF;
	s2 =	simm.s32 @!p0 $0x1C01  }
0x200: {  	[timem:s3], [sflag:s2] =	dma.local @!p0 [hbm:s0], s1  }
0x201: {  	s0 =	simm.s32 @!p0 $0x1  }
0x202: {  	_ =	swait.ge @!p0 [sflag:s0], s1  }
0x203: {  	s1 =	ssub.s32 @!p0 $0x0, s1;
	[sflag:s0] =	ssyncset.done @!p0 $0x0  }
0x204: {  	[sflag:s0] =	ssyncadd.s32 @!p0 s1  }
0x205: {  	[bflag:$0x3] =	sbarrier.arrive $0xFFFF  }
0x206: {  	_ =	shalt  }

</sc_bundles>
